<compile_context>
chip_gen: v7x
topology: tpu7x:2x2x1
jax: 0.10.2.dev20260603
libtpu: 0.0.44.dev20260713+nightly
codegen_flags: <defaults>
</compile_context>

<pallas_src>
import functools

import jax
import jax.numpy as jnp
from jax import lax
from jax.experimental import pallas as pl
from jax.experimental.pallas import tpu as pltpu
from jax.experimental.pallas import tpu_sc as plsc

_NUM_CORES = 2
_NUM_SUBCORES = 16
_NW = _NUM_CORES * _NUM_SUBCORES


def _make_gather(batch: int, hist: int, dim: int, chunk: int, nbuf: int):
    n_rows = batch * hist
    assert n_rows % _NW == 0
    per_w = n_rows // _NW
    assert per_w % chunk == 0
    n_chunks = per_w // chunk

    mesh = plsc.VectorSubcoreMesh(core_axis_name="c", subcore_axis_name="s")

    @functools.partial(
        pl.kernel,
        out_type=jax.ShapeDtypeStruct((n_rows, dim), jnp.float32),
        mesh=mesh,
        scratch_types=[
            pltpu.VMEM((per_w,), jnp.int32),
            [pltpu.VMEM((chunk, dim), jnp.float32) for _ in range(nbuf)],
            [pltpu.SemaphoreType.DMA for _ in range(nbuf)],
            [pltpu.SemaphoreType.DMA for _ in range(nbuf)],
        ],
    )
    def gather_kernel(idx_hbm, table_hbm, out_hbm, idx_v, rows, gsem, ssem):
        wid = lax.axis_index("s") * _NUM_CORES + lax.axis_index("c")
        base = wid * per_w
        out_flat = out_hbm

        pltpu.sync_copy(idx_hbm.at[pl.ds(base, per_w)], idx_v)

        def gather_cp(c):
            b = c % nbuf
            return pltpu.make_async_copy(
                table_hbm.at[idx_v.at[pl.ds(c * chunk, chunk)]], rows[b], gsem[b]
            )

        def scatter_cp(c):
            b = c % nbuf
            return pltpu.make_async_copy(
                rows[b], out_flat.at[pl.ds(base + c * chunk, chunk)], ssem[b]
            )

        ahead = max(1, nbuf - 1)
        waited = set()
        for c in range(min(ahead, n_chunks)):
            gather_cp(c).start()
        for c in range(n_chunks):
            gather_cp(c).wait()
            scatter_cp(c).start()
            nxt = c + ahead
            if nxt < n_chunks:
                prev = nxt - nbuf
                if prev >= 0:
                    scatter_cp(prev).wait()
                    waited.add(prev)
                gather_cp(nxt).start()
        for c in range(n_chunks):
            if c not in waited:
                scatter_cp(c).wait()

    return gather_kernel


def kernel(prompt_ids, prompts):
    batch, hist = prompt_ids.shape
    _, dim = prompts.shape
    n_rows = batch * hist
    idx = prompt_ids.T.reshape(n_rows).astype(jnp.int32)
    out = _make_gather(batch, hist, dim, chunk=64, nbuf=12)(idx, prompts)
    return out.reshape(hist, batch, dim).transpose(1, 0, 2)

# --- scband reference (transcript-rebuilt; emitter-appended) ---
"""Pipeline reference for scband-prompt-bank-81157702025894 (READ-ONLY COPY).

The authoritative reference and input builder live on the scoring server;
editing this copy changes nothing except your own understanding.
"""

import jax, jax.numpy as jnp
import numpy as np

NUM_PROMPTS = 100000
EMBED_DIM = 128
BATCH = 4096
HIST = 20


def setup_inputs(seed: int = 0) -> dict:
    key = jax.random.key(seed)
    k_idx, k_tab = jax.random.split(key)
    prompt_ids = jax.random.randint(k_idx, (BATCH, HIST), 0, NUM_PROMPTS, dtype=jnp.int64 if jax.config.jax_enable_x64 else jnp.int32)
    prompts = jax.random.normal(k_tab, (NUM_PROMPTS, EMBED_DIM), dtype=jnp.float32)
    return {"prompt_ids": prompt_ids, "prompts": prompts}


def reference(prompt_ids, prompts):
    # nn.Embedding lookup -> gather rows of the table
    return jnp.take(prompts, prompt_ids, axis=0)

if __name__ == "__main__":
    import jax
    _d = setup_inputs()
    print(jax.jit(kernel)(*tuple(_d.values())))

</pallas_src>

<mosaic_0001>
#map = affine_map<(d0, d1) -> (0)>
#map1 = affine_map<(d0, d1) -> (0, 0)>
module attributes {stable_mosaic.version = 14 : i64} {
  func.func @gather_kernel(%arg0: i32, %arg1: i32, %arg2: memref<81920xi32, #tpu.memory_space<hbm>>, %arg3: memref<100000x128xf32, #tpu.memory_space<hbm>>, %arg4: memref<81920x128xf32, #tpu.memory_space<hbm>>, %arg5: memref<2560xi32, #tpu.memory_space<vmem>>, %arg6: memref<64x128xf32, #tpu.memory_space<vmem>>, %arg7: memref<64x128xf32, #tpu.memory_space<vmem>>, %arg8: memref<64x128xf32, #tpu.memory_space<vmem>>, %arg9: memref<64x128xf32, #tpu.memory_space<vmem>>, %arg10: memref<64x128xf32, #tpu.memory_space<vmem>>, %arg11: memref<64x128xf32, #tpu.memory_space<vmem>>, %arg12: memref<64x128xf32, #tpu.memory_space<vmem>>, %arg13: memref<64x128xf32, #tpu.memory_space<vmem>>, %arg14: memref<64x128xf32, #tpu.memory_space<vmem>>, %arg15: memref<64x128xf32, #tpu.memory_space<vmem>>, %arg16: memref<64x128xf32, #tpu.memory_space<vmem>>, %arg17: memref<64x128xf32, #tpu.memory_space<vmem>>, %arg18: memref<!tpu.dma_semaphore, #tpu.memory_space<semaphore_mem>>, %arg19: memref<!tpu.dma_semaphore, #tpu.memory_space<semaphore_mem>>, %arg20: memref<!tpu.dma_semaphore, #tpu.memory_space<semaphore_mem>>, %arg21: memref<!tpu.dma_semaphore, #tpu.memory_space<semaphore_mem>>, %arg22: memref<!tpu.dma_semaphore, #tpu.memory_space<semaphore_mem>>, %arg23: memref<!tpu.dma_semaphore, #tpu.memory_space<semaphore_mem>>, %arg24: memref<!tpu.dma_semaphore, #tpu.memory_space<semaphore_mem>>, %arg25: memref<!tpu.dma_semaphore, #tpu.memory_space<semaphore_mem>>, %arg26: memref<!tpu.dma_semaphore, #tpu.memory_space<semaphore_mem>>, %arg27: memref<!tpu.dma_semaphore, #tpu.memory_space<semaphore_mem>>, %arg28: memref<!tpu.dma_semaphore, #tpu.memory_space<semaphore_mem>>, %arg29: memref<!tpu.dma_semaphore, #tpu.memory_space<semaphore_mem>>, %arg30: memref<!tpu.dma_semaphore, #tpu.memory_space<semaphore_mem>>, %arg31: memref<!tpu.dma_semaphore, #tpu.memory_space<semaphore_mem>>, %arg32: memref<!tpu.dma_semaphore, #tpu.memory_space<semaphore_mem>>, %arg33: memref<!tpu.dma_semaphore, #tpu.memory_space<semaphore_mem>>, %arg34: memref<!tpu.dma_semaphore, #tpu.memory_space<semaphore_mem>>, %arg35: memref<!tpu.dma_semaphore, #tpu.memory_space<semaphore_mem>>, %arg36: memref<!tpu.dma_semaphore, #tpu.memory_space<semaphore_mem>>, %arg37: memref<!tpu.dma_semaphore, #tpu.memory_space<semaphore_mem>>, %arg38: memref<!tpu.dma_semaphore, #tpu.memory_space<semaphore_mem>>, %arg39: memref<!tpu.dma_semaphore, #tpu.memory_space<semaphore_mem>>, %arg40: memref<!tpu.dma_semaphore, #tpu.memory_space<semaphore_mem>>, %arg41: memref<!tpu.dma_semaphore, #tpu.memory_space<semaphore_mem>>) attributes {dimension_semantics = [#tpu.dimension_semantics<core_parallel>, #tpu.dimension_semantics<subcore_parallel>], iteration_bounds = array<i64: 2, 16>, scalar_prefetch = 0 : i64, scratch_operands = 37 : i64, tpu.core_type = #tpu.core_type<sc_vector_subcore>, window_params = [{transform_indices = #map}, {transform_indices = #map1}, {transform_indices = #map1}]} {
    %mul3A = arith.constant 2 : i32
    %mul3A_0 = arith.muli %arg1, %mul3A : i32
    %add3A = arith.addi %mul3A_0, %arg0 : i32
    %mul3A_1 = arith.constant 2560 : i32
    %mul3A_2 = arith.muli %add3A, %mul3A_1 : i32
    "tpu.region"() ({
      %run_scoped3A = tpu.sem_alloc : memref<!tpu.dma_semaphore, #tpu.memory_space<semaphore_mem>>
      %dma_start3A_881 = tpu.memref_slice %arg2[%mul3A_2] : memref<81920xi32, #tpu.memory_space<hbm>> -> memref<2560xi32, #tpu.memory_space<hbm>>
      %dma_start3A_882 = tpu.memref_slice %arg2[%mul3A_2] : memref<81920xi32, #tpu.memory_space<hbm>> -> memref<2560xi32, #tpu.memory_space<hbm>>
      tpu.enqueue_dma source(%dma_start3A_882 : memref<2560xi32, #tpu.memory_space<hbm>>) target(%arg5 : memref<2560xi32, #tpu.memory_space<vmem>>) target_semaphore(%run_scoped3A : memref<!tpu.dma_semaphore, #tpu.memory_space<semaphore_mem>>)
      %dma_wait3A_883 = tpu.memref_slice %arg2[%mul3A_2] : memref<81920xi32, #tpu.memory_space<hbm>> -> memref<2560xi32, #tpu.memory_space<hbm>>
      %dma_wait3A_884 = tpu.memref_slice %arg2[%mul3A_2] : memref<81920xi32, #tpu.memory_space<hbm>> -> memref<2560xi32, #tpu.memory_space<hbm>>
      tpu.wait_dma2 semaphore(%run_scoped3A : memref<!tpu.dma_semaphore, #tpu.memory_space<semaphore_mem>>) src(%dma_wait3A_884 : memref<2560xi32, #tpu.memory_space<hbm>>) dst(%arg5 : memref<2560xi32, #tpu.memory_space<vmem>>)
      tpu.yield
    }) : () -> ()
    %dma_start3A = arith.constant 0 : i32
    %dma_start3A_3 = tpu.memref_slice %arg5[%dma_start3A] : memref<2560xi32, #tpu.memory_space<vmem>> -> memref<64xi32, #tpu.memory_space<vmem>>
    %dma_start3A_4 = arith.constant 0 : i32
    %dma_start3A_5 = arith.constant 0 : i32
    %dma_start3A_6 = tpu.memref_slice %arg3[%dma_start3A_4, %dma_start3A_5] : memref<100000x128xf32, #tpu.memory_space<hbm>> -> memref<100000x128xf32, #tpu.memory_space<hbm>>
    tpu.enqueue_indirect_dma source(%dma_start3A_6 : memref<100000x128xf32, #tpu.memory_space<hbm>>) target(%arg6 : memref<64x128xf32, #tpu.memory_space<vmem>>) offsets(%dma_start3A_3 : memref<64xi32, #tpu.memory_space<vmem>>) semaphore(%arg18 : memref<!tpu.dma_semaphore, #tpu.memory_space<semaphore_mem>>)
    %dma_start3A_7 = arith.constant 64 : i32
    %dma_start3A_8 = tpu.memref_slice %arg5[%dma_start3A_7] : memref<2560xi32, #tpu.memory_space<vmem>> -> memref<64xi32, #tpu.memory_space<vmem>>
    %dma_start3A_9 = arith.constant 0 : i32
    %dma_start3A_10 = arith.constant 0 : i32
    %dma_start3A_11 = tpu.memref_slice %arg3[%dma_start3A_9, %dma_start3A_10] : memref<100000x128xf32, #tpu.memory_space<hbm>> -> memref<100000x128xf32, #tpu.memory_space<hbm>>
    tpu.enqueue_indirect_dma source(%dma_start3A_11 : memref<100000x128xf32, #tpu.memory_space<hbm>>) target(%arg7 : memref<64x128xf32, #tpu.memory_space<vmem>>) offsets(%dma_start3A_8 : memref<64xi32, #tpu.memory_space<vmem>>) semaphore(%arg19 : memref<!tpu.dma_semaphore, #tpu.memory_space<semaphore_mem>>)
    %dma_start3A_12 = arith.constant 128 : i32
    %dma_start3A_13 = tpu.memref_slice %arg5[%dma_start3A_12] : memref<2560xi32, #tpu.memory_space<vmem>> -> memref<64xi32, #tpu.memory_space<vmem>>
    %dma_start3A_14 = arith.constant 0 : i32
    %dma_start3A_15 = arith.constant 0 : i32
    %dma_start3A_16 = tpu.memref_slice %arg3[%dma_start3A_14, %dma_start3A_15] : memref<100000x128xf32, #tpu.memory_space<hbm>> -> memref<100000x128xf32, #tpu.memory_space<hbm>>
    tpu.enqueue_indirect_dma source(%dma_start3A_16 : memref<100000x128xf32, #tpu.memory_space<hbm>>) target(%arg8 : memref<64x128xf32, #tpu.memory_space<vmem>>) offsets(%dma_start3A_13 : memref<64xi32, #tpu.memory_space<vmem>>) semaphore(%arg20 : memref<!tpu.dma_semaphore, #tpu.memory_space<semaphore_mem>>)
    %dma_start3A_17 = arith.constant 192 : i32
    %dma_start3A_18 = tpu.memref_slice %arg5[%dma_start3A_17] : memref<2560xi32, #tpu.memory_space<vmem>> -> memref<64xi32, #tpu.memory_space<vmem>>
    %dma_start3A_19 = arith.constant 0 : i32
    %dma_start3A_20 = arith.constant 0 : i32
    %dma_start3A_21 = tpu.memref_slice %arg3[%dma_start3A_19, %dma_start3A_20] : memref<100000x128xf32, #tpu.memory_space<hbm>> -> memref<100000x128xf32, #tpu.memory_space<hbm>>
    tpu.enqueue_indirect_dma source(%dma_start3A_21 : memref<100000x128xf32, #tpu.memory_space<hbm>>) target(%arg9 : memref<64x128xf32, #tpu.memory_space<vmem>>) offsets(%dma_start3A_18 : memref<64xi32, #tpu.memory_space<vmem>>) semaphore(%arg21 : memref<!tpu.dma_semaphore, #tpu.memory_space<semaphore_mem>>)
    %dma_start3A_22 = arith.constant 256 : i32
    %dma_start3A_23 = tpu.memref_slice %arg5[%dma_start3A_22] : memref<2560xi32, #tpu.memory_space<vmem>> -> memref<64xi32, #tpu.memory_space<vmem>>
    %dma_start3A_24 = arith.constant 0 : i32
    %dma_start3A_25 = arith.constant 0 : i32
    %dma_start3A_26 = tpu.memref_slice %arg3[%dma_start3A_24, %dma_start3A_25] : memref<100000x128xf32, #tpu.memory_space<hbm>> -> memref<100000x128xf32, #tpu.memory_space<hbm>>
    tpu.enqueue_indirect_dma source(%dma_start3A_26 : memref<100000x128xf32, #tpu.memory_space<hbm>>) target(%arg10 : memref<64x128xf32, #tpu.memory_space<vmem>>) offsets(%dma_start3A_23 : memref<64xi32, #tpu.memory_space<vmem>>) semaphore(%arg22 : memref<!tpu.dma_semaphore, #tpu.memory_space<semaphore_mem>>)
    %dma_start3A_27 = arith.constant 320 : i32
    %dma_start3A_28 = tpu.memref_slice %arg5[%dma_start3A_27] : memref<2560xi32, #tpu.memory_space<vmem>> -> memref<64xi32, #tpu.memory_space<vmem>>
    %dma_start3A_29 = arith.constant 0 : i32
    %dma_start3A_30 = arith.constant 0 : i32
    %dma_start3A_31 = tpu.memref_slice %arg3[%dma_start3A_29, %dma_start3A_30] : memref<100000x128xf32, #tpu.memory_space<hbm>> -> memref<100000x128xf32, #tpu.memory_space<hbm>>
    tpu.enqueue_indirect_dma source(%dma_start3A_31 : memref<100000x128xf32, #tpu.memory_space<hbm>>) target(%arg11 : memref<64x128xf32, #tpu.memory_space<vmem>>) offsets(%dma_start3A_28 : memref<64xi32, #tpu.memory_space<vmem>>) semaphore(%arg23 : memref<!tpu.dma_semaphore, #tpu.memory_space<semaphore_mem>>)
    %dma_start3A_32 = arith.constant 384 : i32
    %dma_start3A_33 = tpu.memref_slice %arg5[%dma_start3A_32] : memref<2560xi32, #tpu.memory_space<vmem>> -> memref<64xi32, #tpu.memory_space<vmem>>
    %dma_start3A_34 = arith.constant 0 : i32
    %dma_start3A_35 = arith.constant 0 : i32
    %dma_start3A_36 = tpu.memref_slice %arg3[%dma_start3A_34, %dma_start3A_35] : memref<100000x128xf32, #tpu.memory_space<hbm>> -> memref<100000x128xf32, #tpu.memory_space<hbm>>
    tpu.enqueue_indirect_dma source(%dma_start3A_36 : memref<100000x128xf32, #tpu.memory_space<hbm>>) target(%arg12 : memref<64x128xf32, #tpu.memory_space<vmem>>) offsets(%dma_start3A_33 : memref<64xi32, #tpu.memory_space<vmem>>) semaphore(%arg24 : memref<!tpu.dma_semaphore, #tpu.memory_space<semaphore_mem>>)
    %dma_start3A_37 = arith.constant 448 : i32
    %dma_start3A_38 = tpu.memref_slice %arg5[%dma_start3A_37] : memref<2560xi32, #tpu.memory_space<vmem>> -> memref<64xi32, #tpu.memory_space<vmem>>
    %dma_start3A_39 = arith.constant 0 : i32
    %dma_start3A_40 = arith.constant 0 : i32
    %dma_start3A_41 = tpu.memref_slice %arg3[%dma_start3A_39, %dma_start3A_40] : memref<100000x128xf32, #tpu.memory_space<hbm>> -> memref<100000x128xf32, #tpu.memory_space<hbm>>
    tpu.enqueue_indirect_dma source(%dma_start3A_41 : memref<100000x128xf32, #tpu.memory_space<hbm>>) target(%arg13 : memref<64x128xf32, #tpu.memory_space<vmem>>) offsets(%dma_start3A_38 : memref<64xi32, #tpu.memory_space<vmem>>) semaphore(%arg25 : memref<!tpu.dma_semaphore, #tpu.memory_space<semaphore_mem>>)
    %dma_start3A_42 = arith.constant 512 : i32
    %dma_start3A_43 = tpu.memref_slice %arg5[%dma_start3A_42] : memref<2560xi32, #tpu.memory_space<vmem>> -> memref<64xi32, #tpu.memory_space<vmem>>
    %dma_start3A_44 = arith.constant 0 : i32
    %dma_start3A_45 = arith.constant 0 : i32
    %dma_start3A_46 = tpu.memref_slice %arg3[%dma_start3A_44, %dma_start3A_45] : memref<100000x128xf32, #tpu.memory_space<hbm>> -> memref<100000x128xf32, #tpu.memory_space<hbm>>
    tpu.enqueue_indirect_dma source(%dma_start3A_46 : memref<100000x128xf32, #tpu.memory_space<hbm>>) target(%arg14 : memref<64x128xf32, #tpu.memory_space<vmem>>) offsets(%dma_start3A_43 : memref<64xi32, #tpu.memory_space<vmem>>) semaphore(%arg26 : memref<!tpu.dma_semaphore, #tpu.memory_space<semaphore_mem>>)
    %dma_start3A_47 = arith.constant 576 : i32
    %dma_start3A_48 = tpu.memref_slice %arg5[%dma_start3A_47] : memref<2560xi32, #tpu.memory_space<vmem>> -> memref<64xi32, #tpu.memory_space<vmem>>
    %dma_start3A_49 = arith.constant 0 : i32
    %dma_start3A_50 = arith.constant 0 : i32
    %dma_start3A_51 = tpu.memref_slice %arg3[%dma_start3A_49, %dma_start3A_50] : memref<100000x128xf32, #tpu.memory_space<hbm>> -> memref<100000x128xf32, #tpu.memory_space<hbm>>
    tpu.enqueue_indirect_dma source(%dma_start3A_51 : memref<100000x128xf32, #tpu.memory_space<hbm>>) target(%arg15 : memref<64x128xf32, #tpu.memory_space<vmem>>) offsets(%dma_start3A_48 : memref<64xi32, #tpu.memory_space<vmem>>) semaphore(%arg27 : memref<!tpu.dma_semaphore, #tpu.memory_space<semaphore_mem>>)
    %dma_start3A_52 = arith.constant 640 : i32
    %dma_start3A_53 = tpu.memref_slice %arg5[%dma_start3A_52] : memref<2560xi32, #tpu.memory_space<vmem>> -> memref<64xi32, #tpu.memory_space<vmem>>
    %dma_start3A_54 = arith.constant 0 : i32
    %dma_start3A_55 = arith.constant 0 : i32
    %dma_start3A_56 = tpu.memref_slice %arg3[%dma_start3A_54, %dma_start3A_55] : memref<100000x128xf32, #tpu.memory_space<hbm>> -> memref<100000x128xf32, #tpu.memory_space<hbm>>
    tpu.enqueue_indirect_dma source(%dma_start3A_56 : memref<100000x128xf32, #tpu.memory_space<hbm>>) target(%arg16 : memref<64x128xf32, #tpu.memory_space<vmem>>) offsets(%dma_start3A_53 : memref<64xi32, #tpu.memory_space<vmem>>) semaphore(%arg28 : memref<!tpu.dma_semaphore, #tpu.memory_space<semaphore_mem>>)
    %dma_wait3A = arith.constant 0 : i32
    %dma_wait3A_57 = tpu.memref_slice %arg5[%dma_wait3A] : memref<2560xi32, #tpu.memory_space<vmem>> -> memref<64xi32, #tpu.memory_space<vmem>>
    %dma_wait3A_58 = arith.constant 0 : i32
    %dma_wait3A_59 = arith.constant 0 : i32
    %dma_wait3A_60 = tpu.memref_slice %arg3[%dma_wait3A_58, %dma_wait3A_59] : memref<100000x128xf32, #tpu.memory_space<hbm>> -> memref<100000x128xf32, #tpu.memory_space<hbm>>
    tpu.wait_indirect_dma semaphore(%arg18 : memref<!tpu.dma_semaphore, #tpu.memory_space<semaphore_mem>>) src(%dma_wait3A_60 : memref<100000x128xf32, #tpu.memory_space<hbm>>) dst(%arg6 : memref<64x128xf32, #tpu.memory_space<vmem>>)
    %add3A_61 = arith.constant 0 : i32
    %add3A_62 = arith.addi %mul3A_2, %add3A_61 : i32
    %dma_start3A_63 = arith.constant 0 : i32
    %dma_start3A_64 = tpu.memref_slice %arg4[%add3A_62, %dma_start3A_63] : memref<81920x128xf32, #tpu.memory_space<hbm>> -> memref<64x128xf32, #tpu.memory_space<hbm>>
    %dma_start3A_65 = arith.constant 0 : i32
    %dma_start3A_66 = tpu.memref_slice %arg4[%add3A_62, %dma_start3A_65] : memref<81920x128xf32, #tpu.memory_space<hbm>> -> memref<64x128xf32, #tpu.memory_space<hbm>>
    tpu.enqueue_dma source(%arg6 : memref<64x128xf32, #tpu.memory_space<vmem>>) target(%dma_start3A_66 : memref<64x128xf32, #tpu.memory_space<hbm>>) target_semaphore(%arg30 : memref<!tpu.dma_semaphore, #tpu.memory_space<semaphore_mem>>)
    %dma_start3A_67 = arith.constant 704 : i32
    %dma_start3A_68 = tpu.memref_slice %arg5[%dma_start3A_67] : memref<2560xi32, #tpu.memory_space<vmem>> -> memref<64xi32, #tpu.memory_space<vmem>>
    %dma_start3A_69 = arith.constant 0 : i32
    %dma_start3A_70 = arith.constant 0 : i32
    %dma_start3A_71 = tpu.memref_slice %arg3[%dma_start3A_69, %dma_start3A_70] : memref<100000x128xf32, #tpu.memory_space<hbm>> -> memref<100000x128xf32, #tpu.memory_space<hbm>>
    tpu.enqueue_indirect_dma source(%dma_start3A_71 : memref<100000x128xf32, #tpu.memory_space<hbm>>) target(%arg17 : memref<64x128xf32, #tpu.memory_space<vmem>>) offsets(%dma_start3A_68 : memref<64xi32, #tpu.memory_space<vmem>>) semaphore(%arg29 : memref<!tpu.dma_semaphore, #tpu.memory_space<semaphore_mem>>)
    %dma_wait3A_72 = arith.constant 64 : i32
    %dma_wait3A_73 = tpu.memref_slice %arg5[%dma_wait3A_72] : memref<2560xi32, #tpu.memory_space<vmem>> -> memref<64xi32, #tpu.memory_space<vmem>>
    %dma_wait3A_74 = arith.constant 0 : i32
    %dma_wait3A_75 = arith.constant 0 : i32
    %dma_wait3A_76 = tpu.memref_slice %arg3[%dma_wait3A_74, %dma_wait3A_75] : memref<100000x128xf32, #tpu.memory_space<hbm>> -> memref<100000x128xf32, #tpu.memory_space<hbm>>
    tpu.wait_indirect_dma semaphore(%arg19 : memref<!tpu.dma_semaphore, #tpu.memory_space<semaphore_mem>>) src(%dma_wait3A_76 : memref<100000x128xf32, #tpu.memory_space<hbm>>) dst(%arg7 : memref<64x128xf32, #tpu.memory_space<vmem>>)
    %add3A_77 = arith.constant 64 : i32
    %add3A_78 = arith.addi %mul3A_2, %add3A_77 : i32
    %dma_start3A_79 = arith.constant 0 : i32
    %dma_start3A_80 = tpu.memref_slice %arg4[%add3A_78, %dma_start3A_79] : memref<81920x128xf32, #tpu.memory_space<hbm>> -> memref<64x128xf32, #tpu.memory_space<hbm>>
    %dma_start3A_81 = arith.constant 0 : i32
    %dma_start3A_82 = tpu.memref_slice %arg4[%add3A_78, %dma_start3A_81] : memref<81920x128xf32, #tpu.memory_space<hbm>> -> memref<64x128xf32, #tpu.memory_space<hbm>>
    tpu.enqueue_dma source(%arg7 : memref<64x128xf32, #tpu.memory_space<vmem>>) target(%dma_start3A_82 : memref<64x128xf32, #tpu.memory_space<hbm>>) target_semaphore(%arg31 : memref<!tpu.dma_semaphore, #tpu.memory_space<semaphore_mem>>)
    %add3A_83 = arith.constant 0 : i32
    %add3A_84 = arith.addi %mul3A_2, %add3A_83 : i32
    %dma_wait3A_85 = arith.constant 0 : i32
    %dma_wait3A_86 = tpu.memref_slice %arg4[%add3A_84, %dma_wait3A_85] : memref<81920x128xf32, #tpu.memory_space<hbm>> -> memref<64x128xf32, #tpu.memory_space<hbm>>
    %dma_wait3A_87 = arith.constant 0 : i32
    %dma_wait3A_88 = tpu.memref_slice %arg4[%add3A_84, %dma_wait3A_87] : memref<81920x128xf32, #tpu.memory_space<hbm>> -> memref<64x128xf32, #tpu.memory_space<hbm>>
    tpu.wait_dma2 semaphore(%arg30 : memref<!tpu.dma_semaphore, #tpu.memory_space<semaphore_mem>>) src(%arg6 : memref<64x128xf32, #tpu.memory_space<vmem>>) dst(%dma_wait3A_88 : memref<64x128xf32, #tpu.memory_space<hbm>>)
    %dma_start3A_89 = arith.constant 768 : i32
    %dma_start3A_90 = tpu.memref_slice %arg5[%dma_start3A_89] : memref<2560xi32, #tpu.memory_space<vmem>> -> memref<64xi32, #tpu.memory_space<vmem>>
    %dma_start3A_91 = arith.constant 0 : i32
    %dma_start3A_92 = arith.constant 0 : i32
    %dma_start3A_93 = tpu.memref_slice %arg3[%dma_start3A_91, %dma_start3A_92] : memref<100000x128xf32, #tpu.memory_space<hbm>> -> memref<100000x128xf32, #tpu.memory_space<hbm>>
    tpu.enqueue_indirect_dma source(%dma_start3A_93 : memref<100000x128xf32, #tpu.memory_space<hbm>>) target(%arg6 : memref<64x128xf32, #tpu.memory_space<vmem>>) offsets(%dma_start3A_90 : memref<64xi32, #tpu.memory_space<vmem>>) semaphore(%arg18 : memref<!tpu.dma_semaphore, #tpu.memory_space<semaphore_mem>>)
    %dma_wait3A_94 = arith.constant 128 : i32
    %dma_wait3A_95 = tpu.memref_slice %arg5[%dma_wait3A_94] : memref<2560xi32, #tpu.memory_space<vmem>> -> memref<64xi32, #tpu.memory_space<vmem>>
    %dma_wait3A_96 = arith.constant 0 : i32
    %dma_wait3A_97 = arith.constant 0 : i32
    %dma_wait3A_98 = tpu.memref_slice %arg3[%dma_wait3A_96, %dma_wait3A_97] : memref<100000x128xf32, #tpu.memory_space<hbm>> -> memref<100000x128xf32, #tpu.memory_space<hbm>>
    tpu.wait_indirect_dma semaphore(%arg20 : memref<!tpu.dma_semaphore, #tpu.memory_space<semaphore_mem>>) src(%dma_wait3A_98 : memref<100000x128xf32, #tpu.memory_space<hbm>>) dst(%arg8 : memref<64x128xf32, #tpu.memory_space<vmem>>)
    %add3A_99 = arith.constant 128 : i32
    %add3A_100 = arith.addi %mul3A_2, %add3A_99 : i32
    %dma_start3A_101 = arith.constant 0 : i32
    %dma_start3A_102 = tpu.memref_slice %arg4[%add3A_100, %dma_start3A_101] : memref<81920x128xf32, #tpu.memory_space<hbm>> -> memref<64x128xf32, #tpu.memory_space<hbm>>
    %dma_start3A_103 = arith.constant 0 : i32
    %dma_start3A_104 = tpu.memref_slice %arg4[%add3A_100, %dma_start3A_103] : memref<81920x128xf32, #tpu.memory_space<hbm>> -> memref<64x128xf32, #tpu.memory_space<hbm>>
    tpu.enqueue_dma source(%arg8 : memref<64x128xf32, #tpu.memory_space<vmem>>) target(%dma_start3A_104 : memref<64x128xf32, #tpu.memory_space<hbm>>) target_semaphore(%arg32 : memref<!tpu.dma_semaphore, #tpu.memory_space<semaphore_mem>>)
    %add3A_105 = arith.constant 64 : i32
    %add3A_106 = arith.addi %mul3A_2, %add3A_105 : i32
    %dma_wait3A_107 = arith.constant 0 : i32
    %dma_wait3A_108 = tpu.memref_slice %arg4[%add3A_106, %dma_wait3A_107] : memref<81920x128xf32, #tpu.memory_space<hbm>> -> memref<64x128xf32, #tpu.memory_space<hbm>>
    %dma_wait3A_109 = arith.constant 0 : i32
    %dma_wait3A_110 = tpu.memref_slice %arg4[%add3A_106, %dma_wait3A_109] : memref<81920x128xf32, #tpu.memory_space<hbm>> -> memref<64x128xf32, #tpu.memory_space<hbm>>
    tpu.wait_dma2 semaphore(%arg31 : memref<!tpu.dma_semaphore, #tpu.memory_space<semaphore_mem>>) src(%arg7 : memref<64x128xf32, #tpu.memory_space<vmem>>) dst(%dma_wait3A_110 : memref<64x128xf32, #tpu.memory_space<hbm>>)
    %dma_start3A_111 = arith.constant 832 : i32
    %dma_start3A_112 = tpu.memref_slice %arg5[%dma_start3A_111] : memref<2560xi32, #tpu.memory_space<vmem>> -> memref<64xi32, #tpu.memory_space<vmem>>
    %dma_start3A_113 = arith.constant 0 : i32
    %dma_start3A_114 = arith.constant 0 : i32
    %dma_start3A_115 = tpu.memref_slice %arg3[%dma_start3A_113, %dma_start3A_114] : memref<100000x128xf32, #tpu.memory_space<hbm>> -> memref<100000x128xf32, #tpu.memory_space<hbm>>
    tpu.enqueue_indirect_dma source(%dma_start3A_115 : memref<100000x128xf32, #tpu.memory_space<hbm>>) target(%arg7 : memref<64x128xf32, #tpu.memory_space<vmem>>) offsets(%dma_start3A_112 : memref<64xi32, #tpu.memory_space<vmem>>) semaphore(%arg19 : memref<!tpu.dma_semaphore, #tpu.memory_space<semaphore_mem>>)
    %dma_wait3A_116 = arith.constant 192 : i32
    %dma_wait3A_117 = tpu.memref_slice %arg5[%dma_wait3A_116] : memref<2560xi32, #tpu.memory_space<vmem>> -> memref<64xi32, #tpu.memory_space<vmem>>
    %dma_wait3A_118 = arith.constant 0 : i32
    %dma_wait3A_119 = arith.constant 0 : i32
    %dma_wait3A_120 = tpu.memref_slice %arg3[%dma_wait3A_118, %dma_wait3A_119] : memref<100000x128xf32, #tpu.memory_space<hbm>> -> memref<100000x128xf32, #tpu.memory_space<hbm>>
    tpu.wait_indirect_dma semaphore(%arg21 : memref<!tpu.dma_semaphore, #tpu.memory_space<semaphore_mem>>) src(%dma_wait3A_120 : memref<100000x128xf32, #tpu.memory_space<hbm>>) dst(%arg9 : memref<64x128xf32, #tpu.memory_space<vmem>>)
    %add3A_121 = arith.constant 192 : i32
    %add3A_122 = arith.addi %mul3A_2, %add3A_121 : i32
    %dma_start3A_123 = arith.constant 0 : i32
    %dma_start3A_124 = tpu.memref_slice %arg4[%add3A_122, %dma_start3A_123] : memref<81920x128xf32, #tpu.memory_space<hbm>> -> memref<64x128xf32, #tpu.memory_space<hbm>>
    %dma_start3A_125 = arith.constant 0 : i32
    %dma_start3A_126 = tpu.memref_slice %arg4[%add3A_122, %dma_start3A_125] : memref<81920x128xf32, #tpu.memory_space<hbm>> -> memref<64x128xf32, #tpu.memory_space<hbm>>
    tpu.enqueue_dma source(%arg9 : memref<64x128xf32, #tpu.memory_space<vmem>>) target(%dma_start3A_126 : memref<64x128xf32, #tpu.memory_space<hbm>>) target_semaphore(%arg33 : memref<!tpu.dma_semaphore, #tpu.memory_space<semaphore_mem>>)
    %add3A_127 = arith.constant 128 : i32
    %add3A_128 = arith.addi %mul3A_2, %add3A_127 : i32
    %dma_wait3A_129 = arith.constant 0 : i32
    %dma_wait3A_130 = tpu.memref_slice %arg4[%add3A_128, %dma_wait3A_129] : memref<81920x128xf32, #tpu.memory_space<hbm>> -> memref<64x128xf32, #tpu.memory_space<hbm>>
    %dma_wait3A_131 = arith.constant 0 : i32
    %dma_wait3A_132 = tpu.memref_slice %arg4[%add3A_128, %dma_wait3A_131] : memref<81920x128xf32, #tpu.memory_space<hbm>> -> memref<64x128xf32, #tpu.memory_space<hbm>>
    tpu.wait_dma2 semaphore(%arg32 : memref<!tpu.dma_semaphore, #tpu.memory_space<semaphore_mem>>) src(%arg8 : memref<64x128xf32, #tpu.memory_space<vmem>>) dst(%dma_wait3A_132 : memref<64x128xf32, #tpu.memory_space<hbm>>)
    %dma_start3A_133 = arith.constant 896 : i32
    %dma_start3A_134 = tpu.memref_slice %arg5[%dma_start3A_133] : memref<2560xi32, #tpu.memory_space<vmem>> -> memref<64xi32, #tpu.memory_space<vmem>>
    %dma_start3A_135 = arith.constant 0 : i32
    %dma_start3A_136 = arith.constant 0 : i32
    %dma_start3A_137 = tpu.memref_slice %arg3[%dma_start3A_135, %dma_start3A_136] : memref<100000x128xf32, #tpu.memory_space<hbm>> -> memref<100000x128xf32, #tpu.memory_space<hbm>>
    tpu.enqueue_indirect_dma source(%dma_start3A_137 : memref<100000x128xf32, #tpu.memory_space<hbm>>) target(%arg8 : memref<64x128xf32, #tpu.memory_space<vmem>>) offsets(%dma_start3A_134 : memref<64xi32, #tpu.memory_space<vmem>>) semaphore(%arg20 : memref<!tpu.dma_semaphore, #tpu.memory_space<semaphore_mem>>)
    %dma_wait3A_138 = arith.constant 256 : i32
    %dma_wait3A_139 = tpu.memref_slice %arg5[%dma_wait3A_138] : memref<2560xi32, #tpu.memory_space<vmem>> -> memref<64xi32, #tpu.memory_space<vmem>>
    %dma_wait3A_140 = arith.constant 0 : i32
    %dma_wait3A_141 = arith.constant 0 : i32
    %dma_wait3A_142 = tpu.memref_slice %arg3[%dma_wait3A_140, %dma_wait3A_141] : memref<100000x128xf32, #tpu.memory_space<hbm>> -> memref<100000x128xf32, #tpu.memory_space<hbm>>
    tpu.wait_indirect_dma semaphore(%arg22 : memref<!tpu.dma_semaphore, #tpu.memory_space<semaphore_mem>>) src(%dma_wait3A_142 : memref<100000x128xf32, #tpu.memory_space<hbm>>) dst(%arg10 : memref<64x128xf32, #tpu.memory_space<vmem>>)
    %add3A_143 = arith.constant 256 : i32
    %add3A_144 = arith.addi %mul3A_2, %add3A_143 : i32
    %dma_start3A_145 = arith.constant 0 : i32
    %dma_start3A_146 = tpu.memref_slice %arg4[%add3A_144, %dma_start3A_145] : memref<81920x128xf32, #tpu.memory_space<hbm>> -> memref<64x128xf32, #tpu.memory_space<hbm>>
    %dma_start3A_147 = arith.constant 0 : i32
    %dma_start3A_148 = tpu.memref_slice %arg4[%add3A_144, %dma_start3A_147] : memref<81920x128xf32, #tpu.memory_space<hbm>> -> memref<64x128xf32, #tpu.memory_space<hbm>>
    tpu.enqueue_dma source(%arg10 : memref<64x128xf32, #tpu.memory_space<vmem>>) target(%dma_start3A_148 : memref<64x128xf32, #tpu.memory_space<hbm>>) target_semaphore(%arg34 : memref<!tpu.dma_semaphore, #tpu.memory_space<semaphore_mem>>)
    %add3A_149 = arith.constant 192 : i32
    %add3A_150 = arith.addi %mul3A_2, %add3A_149 : i32
    %dma_wait3A_151 = arith.constant 0 : i32
    %dma_wait3A_152 = tpu.memref_slice %arg4[%add3A_150, %dma_wait3A_151] : memref<81920x128xf32, #tpu.memory_space<hbm>> -> memref<64x128xf32, #tpu.memory_space<hbm>>
    %dma_wait3A_153 = arith.constant 0 : i32
    %dma_wait3A_154 = tpu.memref_slice %arg4[%add3A_150, %dma_wait3A_153] : memref<81920x128xf32, #tpu.memory_space<hbm>> -> memref<64x128xf32, #tpu.memory_space<hbm>>
    tpu.wait_dma2 semaphore(%arg33 : memref<!tpu.dma_semaphore, #tpu.memory_space<semaphore_mem>>) src(%arg9 : memref<64x128xf32, #tpu.memory_space<vmem>>) dst(%dma_wait3A_154 : memref<64x128xf32, #tpu.memory_space<hbm>>)
    %dma_start3A_155 = arith.constant 960 : i32
    %dma_start3A_156 = tpu.memref_slice %arg5[%dma_start3A_155] : memref<2560xi32, #tpu.memory_space<vmem>> -> memref<64xi32, #tpu.memory_space<vmem>>
    %dma_start3A_157 = arith.constant 0 : i32
    %dma_start3A_158 = arith.constant 0 : i32
    %dma_start3A_159 = tpu.memref_slice %arg3[%dma_start3A_157, %dma_start3A_158] : memref<100000x128xf32, #tpu.memory_space<hbm>> -> memref<100000x128xf32, #tpu.memory_space<hbm>>
    tpu.enqueue_indirect_dma source(%dma_start3A_159 : memref<100000x128xf32, #tpu.memory_space<hbm>>) target(%arg9 : memref<64x128xf32, #tpu.memory_space<vmem>>) offsets(%dma_start3A_156 : memref<64xi32, #tpu.memory_space<vmem>>) semaphore(%arg21 : memref<!tpu.dma_semaphore, #tpu.memory_space<semaphore_mem>>)
    %dma_wait3A_160 = arith.constant 320 : i32
    %dma_wait3A_161 = tpu.memref_slice %arg5[%dma_wait3A_160] : memref<2560xi32, #tpu.memory_space<vmem>> -> memref<64xi32, #tpu.memory_space<vmem>>
    %dma_wait3A_162 = arith.constant 0 : i32
    %dma_wait3A_163 = arith.constant 0 : i32
    %dma_wait3A_164 = tpu.memref_slice %arg3[%dma_wait3A_162, %dma_wait3A_163] : memref<100000x128xf32, #tpu.memory_space<hbm>> -> memref<100000x128xf32, #tpu.memory_space<hbm>>
    tpu.wait_indirect_dma semaphore(%arg23 : memref<!tpu.dma_semaphore, #tpu.memory_space<semaphore_mem>>) src(%dma_wait3A_164 : memref<100000x128xf32, #tpu.memory_space<hbm>>) dst(%arg11 : memref<64x128xf32, #tpu.memory_space<vmem>>)
    %add3A_165 = arith.constant 320 : i32
    %add3A_166 = arith.addi %mul3A_2, %add3A_165 : i32
    %dma_start3A_167 = arith.constant 0 : i32
    %dma_start3A_168 = tpu.memref_slice %arg4[%add3A_166, %dma_start3A_167] : memref<81920x128xf32, #tpu.memory_space<hbm>> -> memref<64x128xf32, #tpu.memory_space<hbm>>
    %dma_start3A_169 = arith.constant 0 : i32
    %dma_start3A_170 = tpu.memref_slice %arg4[%add3A_166, %dma_start3A_169] : memref<81920x128xf32, #tpu.memory_space<hbm>> -> memref<64x128xf32, #tpu.memory_space<hbm>>
    tpu.enqueue_dma source(%arg11 : memref<64x128xf32, #tpu.memory_space<vmem>>) target(%dma_start3A_170 : memref<64x128xf32, #tpu.memory_space<hbm>>) target_semaphore(%arg35 : memref<!tpu.dma_semaphore, #tpu.memory_space<semaphore_mem>>)
    %add3A_171 = arith.constant 256 : i32
    %add3A_172 = arith.addi %mul3A_2, %add3A_171 : i32
    %dma_wait3A_173 = arith.constant 0 : i32
    %dma_wait3A_174 = tpu.memref_slice %arg4[%add3A_172, %dma_wait3A_173] : memref<81920x128xf32, #tpu.memory_space<hbm>> -> memref<64x128xf32, #tpu.memory_space<hbm>>
    %dma_wait3A_175 = arith.constant 0 : i32
    %dma_wait3A_176 = tpu.memref_slice %arg4[%add3A_172, %dma_wait3A_175] : memref<81920x128xf32, #tpu.memory_space<hbm>> -> memref<64x128xf32, #tpu.memory_space<hbm>>
    tpu.wait_dma2 semaphore(%arg34 : memref<!tpu.dma_semaphore, #tpu.memory_space<semaphore_mem>>) src(%arg10 : memref<64x128xf32, #tpu.memory_space<vmem>>) dst(%dma_wait3A_176 : memref<64x128xf32, #tpu.memory_space<hbm>>)
    %dma_start3A_177 = arith.constant 1024 : i32
    %dma_start3A_178 = tpu.memref_slice %arg5[%dma_start3A_177] : memref<2560xi32, #tpu.memory_space<vmem>> -> memref<64xi32, #tpu.memory_space<vmem>>
    %dma_start3A_179 = arith.constant 0 : i32
    %dma_start3A_180 = arith.constant 0 : i32
    %dma_start3A_181 = tpu.memref_slice %arg3[%dma_start3A_179, %dma_start3A_180] : memref<100000x128xf32, #tpu.memory_space<hbm>> -> memref<100000x128xf32, #tpu.memory_space<hbm>>
    tpu.enqueue_indirect_dma source(%dma_start3A_181 : memref<100000x128xf32, #tpu.memory_space<hbm>>) target(%arg10 : memref<64x128xf32, #tpu.memory_space<vmem>>) offsets(%dma_start3A_178 : memref<64xi32, #tpu.memory_space<vmem>>) semaphore(%arg22 : memref<!tpu.dma_semaphore, #tpu.memory_space<semaphore_mem>>)
    %dma_wait3A_182 = arith.constant 384 : i32
    %dma_wait3A_183 = tpu.memref_slice %arg5[%dma_wait3A_182] : memref<2560xi32, #tpu.memory_space<vmem>> -> memref<64xi32, #tpu.memory_space<vmem>>
    %dma_wait3A_184 = arith.constant 0 : i32
    %dma_wait3A_185 = arith.constant 0 : i32
    %dma_wait3A_186 = tpu.memref_slice %arg3[%dma_wait3A_184, %dma_wait3A_185] : memref<100000x128xf32, #tpu.memory_space<hbm>> -> memref<100000x128xf32, #tpu.memory_space<hbm>>
    tpu.wait_indirect_dma semaphore(%arg24 : memref<!tpu.dma_semaphore, #tpu.memory_space<semaphore_mem>>) src(%dma_wait3A_186 : memref<100000x128xf32, #tpu.memory_space<hbm>>) dst(%arg12 : memref<64x128xf32, #tpu.memory_space<vmem>>)
    %add3A_187 = arith.constant 384 : i32
    %add3A_188 = arith.addi %mul3A_2, %add3A_187 : i32
    %dma_start3A_189 = arith.constant 0 : i32
    %dma_start3A_190 = tpu.memref_slice %arg4[%add3A_188, %dma_start3A_189] : memref<81920x128xf32, #tpu.memory_space<hbm>> -> memref<64x128xf32, #tpu.memory_space<hbm>>
    %dma_start3A_191 = arith.constant 0 : i32
    %dma_start3A_192 = tpu.memref_slice %arg4[%add3A_188, %dma_start3A_191] : memref<81920x128xf32, #tpu.memory_space<hbm>> -> memref<64x128xf32, #tpu.memory_space<hbm>>
    tpu.enqueue_dma source(%arg12 : memref<64x128xf32, #tpu.memory_space<vmem>>) target(%dma_start3A_192 : memref<64x128xf32, #tpu.memory_space<hbm>>) target_semaphore(%arg36 : memref<!tpu.dma_semaphore, #tpu.memory_space<semaphore_mem>>)
    %add3A_193 = arith.constant 320 : i32
    %add3A_194 = arith.addi %mul3A_2, %add3A_193 : i32
    %dma_wait3A_195 = arith.constant 0 : i32
    %dma_wait3A_196 = tpu.memref_slice %arg4[%add3A_194, %dma_wait3A_195] : memref<81920x128xf32, #tpu.memory_space<hbm>> -> memref<64x128xf32, #tpu.memory_space<hbm>>
    %dma_wait3A_197 = arith.constant 0 : i32
    %dma_wait3A_198 = tpu.memref_slice %arg4[%add3A_194, %dma_wait3A_197] : memref<81920x128xf32, #tpu.memory_space<hbm>> -> memref<64x128xf32, #tpu.memory_space<hbm>>
    tpu.wait_dma2 semaphore(%arg35 : memref<!tpu.dma_semaphore, #tpu.memory_space<semaphore_mem>>) src(%arg11 : memref<64x128xf32, #tpu.memory_space<vmem>>) dst(%dma_wait3A_198 : memref<64x128xf32, #tpu.memory_space<hbm>>)
    %dma_start3A_199 = arith.constant 1088 : i32
    %dma_start3A_200 = tpu.memref_slice %arg5[%dma_start3A_199] : memref<2560xi32, #tpu.memory_space<vmem>> -> memref<64xi32, #tpu.memory_space<vmem>>
    %dma_start3A_201 = arith.constant 0 : i32
    %dma_start3A_202 = arith.constant 0 : i32
    %dma_start3A_203 = tpu.memref_slice %arg3[%dma_start3A_201, %dma_start3A_202] : memref<100000x128xf32, #tpu.memory_space<hbm>> -> memref<100000x128xf32, #tpu.memory_space<hbm>>
    tpu.enqueue_indirect_dma source(%dma_start3A_203 : memref<100000x128xf32, #tpu.memory_space<hbm>>) target(%arg11 : memref<64x128xf32, #tpu.memory_space<vmem>>) offsets(%dma_start3A_200 : memref<64xi32, #tpu.memory_space<vmem>>) semaphore(%arg23 : memref<!tpu.dma_semaphore, #tpu.memory_space<semaphore_mem>>)
    %dma_wait3A_204 = arith.constant 448 : i32
    %dma_wait3A_205 = tpu.memref_slice %arg5[%dma_wait3A_204] : memref<2560xi32, #tpu.memory_space<vmem>> -> memref<64xi32, #tpu.memory_space<vmem>>
    %dma_wait3A_206 = arith.constant 0 : i32
    %dma_wait3A_207 = arith.constant 0 : i32
    %dma_wait3A_208 = tpu.memref_slice %arg3[%dma_wait3A_206, %dma_wait3A_207] : memref<100000x128xf32, #tpu.memory_space<hbm>> -> memref<100000x128xf32, #tpu.memory_space<hbm>>
    tpu.wait_indirect_dma semaphore(%arg25 : memref<!tpu.dma_semaphore, #tpu.memory_space<semaphore_mem>>) src(%dma_wait3A_208 : memref<100000x128xf32, #tpu.memory_space<hbm>>) dst(%arg13 : memref<64x128xf32, #tpu.memory_space<vmem>>)
    %add3A_209 = arith.constant 448 : i32
    %add3A_210 = arith.addi %mul3A_2, %add3A_209 : i32
    %dma_start3A_211 = arith.constant 0 : i32
    %dma_start3A_212 = tpu.memref_slice %arg4[%add3A_210, %dma_start3A_211] : memref<81920x128xf32, #tpu.memory_space<hbm>> -> memref<64x128xf32, #tpu.memory_space<hbm>>
    %dma_start3A_213 = arith.constant 0 : i32
    %dma_start3A_214 = tpu.memref_slice %arg4[%add3A_210, %dma_start3A_213] : memref<81920x128xf32, #tpu.memory_space<hbm>> -> memref<64x128xf32, #tpu.memory_space<hbm>>
    tpu.enqueue_dma source(%arg13 : memref<64x128xf32, #tpu.memory_space<vmem>>) target(%dma_start3A_214 : memref<64x128xf32, #tpu.memory_space<hbm>>) target_semaphore(%arg37 : memref<!tpu.dma_semaphore, #tpu.memory_space<semaphore_mem>>)
    %add3A_215 = arith.constant 384 : i32
    %add3A_216 = arith.addi %mul3A_2, %add3A_215 : i32
    %dma_wait3A_217 = arith.constant 0 : i32
    %dma_wait3A_218 = tpu.memref_slice %arg4[%add3A_216, %dma_wait3A_217] : memref<81920x128xf32, #tpu.memory_space<hbm>> -> memref<64x128xf32, #tpu.memory_space<hbm>>
    %dma_wait3A_219 = arith.constant 0 : i32
    %dma_wait3A_220 = tpu.memref_slice %arg4[%add3A_216, %dma_wait3A_219] : memref<81920x128xf32, #tpu.memory_space<hbm>> -> memref<64x128xf32, #tpu.memory_space<hbm>>
    tpu.wait_dma2 semaphore(%arg36 : memref<!tpu.dma_semaphore, #tpu.memory_space<semaphore_mem>>) src(%arg12 : memref<64x128xf32, #tpu.memory_space<vmem>>) dst(%dma_wait3A_220 : memref<64x128xf32, #tpu.memory_space<hbm>>)
    %dma_start3A_221 = arith.constant 1152 : i32
    %dma_start3A_222 = tpu.memref_slice %arg5[%dma_start3A_221] : memref<2560xi32, #tpu.memory_space<vmem>> -> memref<64xi32, #tpu.memory_space<vmem>>
    %dma_start3A_223 = arith.constant 0 : i32
    %dma_start3A_224 = arith.constant 0 : i32
    %dma_start3A_225 = tpu.memref_slice %arg3[%dma_start3A_223, %dma_start3A_224] : memref<100000x128xf32, #tpu.memory_space<hbm>> -> memref<100000x128xf32, #tpu.memory_space<hbm>>
    tpu.enqueue_indirect_dma source(%dma_start3A_225 : memref<100000x128xf32, #tpu.memory_space<hbm>>) target(%arg12 : memref<64x128xf32, #tpu.memory_space<vmem>>) offsets(%dma_start3A_222 : memref<64xi32, #tpu.memory_space<vmem>>) semaphore(%arg24 : memref<!tpu.dma_semaphore, #tpu.memory_space<semaphore_mem>>)
    %dma_wait3A_226 = arith.constant 512 : i32
    %dma_wait3A_227 = tpu.memref_slice %arg5[%dma_wait3A_226] : memref<2560xi32, #tpu.memory_space<vmem>> -> memref<64xi32, #tpu.memory_space<vmem>>
    %dma_wait3A_228 = arith.constant 0 : i32
    %dma_wait3A_229 = arith.constant 0 : i32
    %dma_wait3A_230 = tpu.memref_slice %arg3[%dma_wait3A_228, %dma_wait3A_229] : memref<100000x128xf32, #tpu.memory_space<hbm>> -> memref<100000x128xf32, #tpu.memory_space<hbm>>
    tpu.wait_indirect_dma semaphore(%arg26 : memref<!tpu.dma_semaphore, #tpu.memory_space<semaphore_mem>>) src(%dma_wait3A_230 : memref<100000x128xf32, #tpu.memory_space<hbm>>) dst(%arg14 : memref<64x128xf32, #tpu.memory_space<vmem>>)
    %add3A_231 = arith.constant 512 : i32
    %add3A_232 = arith.addi %mul3A_2, %add3A_231 : i32
    %dma_start3A_233 = arith.constant 0 : i32
    %dma_start3A_234 = tpu.memref_slice %arg4[%add3A_232, %dma_start3A_233] : memref<81920x128xf32, #tpu.memory_space<hbm>> -> memref<64x128xf32, #tpu.memory_space<hbm>>
    %dma_start3A_235 = arith.constant 0 : i32
    %dma_start3A_236 = tpu.memref_slice %arg4[%add3A_232, %dma_start3A_235] : memref<81920x128xf32, #tpu.memory_space<hbm>> -> memref<64x128xf32, #tpu.memory_space<hbm>>
    tpu.enqueue_dma source(%arg14 : memref<64x128xf32, #tpu.memory_space<vmem>>) target(%dma_start3A_236 : memref<64x128xf32, #tpu.memory_space<hbm>>) target_semaphore(%arg38 : memref<!tpu.dma_semaphore, #tpu.memory_space<semaphore_mem>>)
    %add3A_237 = arith.constant 448 : i32
    %add3A_238 = arith.addi %mul3A_2, %add3A_237 : i32
    %dma_wait3A_239 = arith.constant 0 : i32
    %dma_wait3A_240 = tpu.memref_slice %arg4[%add3A_238, %dma_wait3A_239] : memref<81920x128xf32, #tpu.memory_space<hbm>> -> memref<64x128xf32, #tpu.memory_space<hbm>>
    %dma_wait3A_241 = arith.constant 0 : i32
    %dma_wait3A_242 = tpu.memref_slice %arg4[%add3A_238, %dma_wait3A_241] : memref<81920x128xf32, #tpu.memory_space<hbm>> -> memref<64x128xf32, #tpu.memory_space<hbm>>
    tpu.wait_dma2 semaphore(%arg37 : memref<!tpu.dma_semaphore, #tpu.memory_space<semaphore_mem>>) src(%arg13 : memref<64x128xf32, #tpu.memory_space<vmem>>) dst(%dma_wait3A_242 : memref<64x128xf32, #tpu.memory_space<hbm>>)
    %dma_start3A_243 = arith.constant 1216 : i32
    %dma_start3A_244 = tpu.memref_slice %arg5[%dma_start3A_243] : memref<2560xi32, #tpu.memory_space<vmem>> -> memref<64xi32, #tpu.memory_space<vmem>>
    %dma_start3A_245 = arith.constant 0 : i32
    %dma_start3A_246 = arith.constant 0 : i32
    %dma_start3A_247 = tpu.memref_slice %arg3[%dma_start3A_245, %dma_start3A_246] : memref<100000x128xf32, #tpu.memory_space<hbm>> -> memref<100000x128xf32, #tpu.memory_space<hbm>>
    tpu.enqueue_indirect_dma source(%dma_start3A_247 : memref<100000x128xf32, #tpu.memory_space<hbm>>) target(%arg13 : memref<64x128xf32, #tpu.memory_space<vmem>>) offsets(%dma_start3A_244 : memref<64xi32, #tpu.memory_space<vmem>>) semaphore(%arg25 : memref<!tpu.dma_semaphore, #tpu.memory_space<semaphore_mem>>)
    %dma_wait3A_248 = arith.constant 576 : i32
    %dma_wait3A_249 = tpu.memref_slice %arg5[%dma_wait3A_248] : memref<2560xi32, #tpu.memory_space<vmem>> -> memref<64xi32, #tpu.memory_space<vmem>>
    %dma_wait3A_250 = arith.constant 0 : i32
    %dma_wait3A_251 = arith.constant 0 : i32
    %dma_wait3A_252 = tpu.memref_slice %arg3[%dma_wait3A_250, %dma_wait3A_251] : memref<100000x128xf32, #tpu.memory_space<hbm>> -> memref<100000x128xf32, #tpu.memory_space<hbm>>
    tpu.wait_indirect_dma semaphore(%arg27 : memref<!tpu.dma_semaphore, #tpu.memory_space<semaphore_mem>>) src(%dma_wait3A_252 : memref<100000x128xf32, #tpu.memory_space<hbm>>) dst(%arg15 : memref<64x128xf32, #tpu.memory_space<vmem>>)
    %add3A_253 = arith.constant 576 : i32
    %add3A_254 = arith.addi %mul3A_2, %add3A_253 : i32
    %dma_start3A_255 = arith.constant 0 : i32
    %dma_start3A_256 = tpu.memref_slice %arg4[%add3A_254, %dma_start3A_255] : memref<81920x128xf32, #tpu.memory_space<hbm>> -> memref<64x128xf32, #tpu.memory_space<hbm>>
    %dma_start3A_257 = arith.constant 0 : i32
    %dma_start3A_258 = tpu.memref_slice %arg4[%add3A_254, %dma_start3A_257] : memref<81920x128xf32, #tpu.memory_space<hbm>> -> memref<64x128xf32, #tpu.memory_space<hbm>>
    tpu.enqueue_dma source(%arg15 : memref<64x128xf32, #tpu.memory_space<vmem>>) target(%dma_start3A_258 : memref<64x128xf32, #tpu.memory_space<hbm>>) target_semaphore(%arg39 : memref<!tpu.dma_semaphore, #tpu.memory_space<semaphore_mem>>)
    %add3A_259 = arith.constant 512 : i32
    %add3A_260 = arith.addi %mul3A_2, %add3A_259 : i32
    %dma_wait3A_261 = arith.constant 0 : i32
    %dma_wait3A_262 = tpu.memref_slice %arg4[%add3A_260, %dma_wait3A_261] : memref<81920x128xf32, #tpu.memory_space<hbm>> -> memref<64x128xf32, #tpu.memory_space<hbm>>
    %dma_wait3A_263 = arith.constant 0 : i32
    %dma_wait3A_264 = tpu.memref_slice %arg4[%add3A_260, %dma_wait3A_263] : memref<81920x128xf32, #tpu.memory_space<hbm>> -> memref<64x128xf32, #tpu.memory_space<hbm>>
    tpu.wait_dma2 semaphore(%arg38 : memref<!tpu.dma_semaphore, #tpu.memory_space<semaphore_mem>>) src(%arg14 : memref<64x128xf32, #tpu.memory_space<vmem>>) dst(%dma_wait3A_264 : memref<64x128xf32, #tpu.memory_space<hbm>>)
    %dma_start3A_265 = arith.constant 1280 : i32
    %dma_start3A_266 = tpu.memref_slice %arg5[%dma_start3A_265] : memref<2560xi32, #tpu.memory_space<vmem>> -> memref<64xi32, #tpu.memory_space<vmem>>
    %dma_start3A_267 = arith.constant 0 : i32
    %dma_start3A_268 = arith.constant 0 : i32
    %dma_start3A_269 = tpu.memref_slice %arg3[%dma_start3A_267, %dma_start3A_268] : memref<100000x128xf32, #tpu.memory_space<hbm>> -> memref<100000x128xf32, #tpu.memory_space<hbm>>
    tpu.enqueue_indirect_dma source(%dma_start3A_269 : memref<100000x128xf32, #tpu.memory_space<hbm>>) target(%arg14 : memref<64x128xf32, #tpu.memory_space<vmem>>) offsets(%dma_start3A_266 : memref<64xi32, #tpu.memory_space<vmem>>) semaphore(%arg26 : memref<!tpu.dma_semaphore, #tpu.memory_space<semaphore_mem>>)
    %dma_wait3A_270 = arith.constant 640 : i32
    %dma_wait3A_271 = tpu.memref_slice %arg5[%dma_wait3A_270] : memref<2560xi32, #tpu.memory_space<vmem>> -> memref<64xi32, #tpu.memory_space<vmem>>
    %dma_wait3A_272 = arith.constant 0 : i32
    %dma_wait3A_273 = arith.constant 0 : i32
    %dma_wait3A_274 = tpu.memref_slice %arg3[%dma_wait3A_272, %dma_wait3A_273] : memref<100000x128xf32, #tpu.memory_space<hbm>> -> memref<100000x128xf32, #tpu.memory_space<hbm>>
    tpu.wait_indirect_dma semaphore(%arg28 : memref<!tpu.dma_semaphore, #tpu.memory_space<semaphore_mem>>) src(%dma_wait3A_274 : memref<100000x128xf32, #tpu.memory_space<hbm>>) dst(%arg16 : memref<64x128xf32, #tpu.memory_space<vmem>>)
    %add3A_275 = arith.constant 640 : i32
    %add3A_276 = arith.addi %mul3A_2, %add3A_275 : i32
    %dma_start3A_277 = arith.constant 0 : i32
    %dma_start3A_278 = tpu.memref_slice %arg4[%add3A_276, %dma_start3A_277] : memref<81920x128xf32, #tpu.memory_space<hbm>> -> memref<64x128xf32, #tpu.memory_space<hbm>>
    %dma_start3A_279 = arith.constant 0 : i32
    %dma_start3A_280 = tpu.memref_slice %arg4[%add3A_276, %dma_start3A_279] : memref<81920x128xf32, #tpu.memory_space<hbm>> -> memref<64x128xf32, #tpu.memory_space<hbm>>
    tpu.enqueue_dma source(%arg16 : memref<64x128xf32, #tpu.memory_space<vmem>>) target(%dma_start3A_280 : memref<64x128xf32, #tpu.memory_space<hbm>>) target_semaphore(%arg40 : memref<!tpu.dma_semaphore, #tpu.memory_space<semaphore_mem>>)
    %add3A_281 = arith.constant 576 : i32
    %add3A_282 = arith.addi %mul3A_2, %add3A_281 : i32
    %dma_wait3A_283 = arith.constant 0 : i32
    %dma_wait3A_284 = tpu.memref_slice %arg4[%add3A_282, %dma_wait3A_283] : memref<81920x128xf32, #tpu.memory_space<hbm>> -> memref<64x128xf32, #tpu.memory_space<hbm>>
    %dma_wait3A_285 = arith.constant 0 : i32
    %dma_wait3A_286 = tpu.memref_slice %arg4[%add3A_282, %dma_wait3A_285] : memref<81920x128xf32, #tpu.memory_space<hbm>> -> memref<64x128xf32, #tpu.memory_space<hbm>>
    tpu.wait_dma2 semaphore(%arg39 : memref<!tpu.dma_semaphore, #tpu.memory_space<semaphore_mem>>) src(%arg15 : memref<64x128xf32, #tpu.memory_space<vmem>>) dst(%dma_wait3A_286 : memref<64x128xf32, #tpu.memory_space<hbm>>)
    %dma_start3A_287 = arith.constant 1344 : i32
    %dma_start3A_288 = tpu.memref_slice %arg5[%dma_start3A_287] : memref<2560xi32, #tpu.memory_space<vmem>> -> memref<64xi32, #tpu.memory_space<vmem>>
    %dma_start3A_289 = arith.constant 0 : i32
    %dma_start3A_290 = arith.constant 0 : i32
    %dma_start3A_291 = tpu.memref_slice %arg3[%dma_start3A_289, %dma_start3A_290] : memref<100000x128xf32, #tpu.memory_space<hbm>> -> memref<100000x128xf32, #tpu.memory_space<hbm>>
    tpu.enqueue_indirect_dma source(%dma_start3A_291 : memref<100000x128xf32, #tpu.memory_space<hbm>>) target(%arg15 : memref<64x128xf32, #tpu.memory_space<vmem>>) offsets(%dma_start3A_288 : memref<64xi32, #tpu.memory_space<vmem>>) semaphore(%arg27 : memref<!tpu.dma_semaphore, #tpu.memory_space<semaphore_mem>>)
    %dma_wait3A_292 = arith.constant 704 : i32
    %dma_wait3A_293 = tpu.memref_slice %arg5[%dma_wait3A_292] : memref<2560xi32, #tpu.memory_space<vmem>> -> memref<64xi32, #tpu.memory_space<vmem>>
    %dma_wait3A_294 = arith.constant 0 : i32
    %dma_wait3A_295 = arith.constant 0 : i32
    %dma_wait3A_296 = tpu.memref_slice %arg3[%dma_wait3A_294, %dma_wait3A_295] : memref<100000x128xf32, #tpu.memory_space<hbm>> -> memref<100000x128xf32, #tpu.memory_space<hbm>>
    tpu.wait_indirect_dma semaphore(%arg29 : memref<!tpu.dma_semaphore, #tpu.memory_space<semaphore_mem>>) src(%dma_wait3A_296 : memref<100000x128xf32, #tpu.memory_space<hbm>>) dst(%arg17 : memref<64x128xf32, #tpu.memory_space<vmem>>)
    %add3A_297 = arith.constant 704 : i32
    %add3A_298 = arith.addi %mul3A_2, %add3A_297 : i32
    %dma_start3A_299 = arith.constant 0 : i32
    %dma_start3A_300 = tpu.memref_slice %arg4[%add3A_298, %dma_start3A_299] : memref<81920x128xf32, #tpu.memory_space<hbm>> -> memref<64x128xf32, #tpu.memory_space<hbm>>
    %dma_start3A_301 = arith.constant 0 : i32
    %dma_start3A_302 = tpu.memref_slice %arg4[%add3A_298, %dma_start3A_301] : memref<81920x128xf32, #tpu.memory_space<hbm>> -> memref<64x128xf32, #tpu.memory_space<hbm>>
    tpu.enqueue_dma source(%arg17 : memref<64x128xf32, #tpu.memory_space<vmem>>) target(%dma_start3A_302 : memref<64x128xf32, #tpu.memory_space<hbm>>) target_semaphore(%arg41 : memref<!tpu.dma_semaphore, #tpu.memory_space<semaphore_mem>>)
    %add3A_303 = arith.constant 640 : i32
    %add3A_304 = arith.addi %mul3A_2, %add3A_303 : i32
    %dma_wait3A_305 = arith.constant 0 : i32
    %dma_wait3A_306 = tpu.memref_slice %arg4[%add3A_304, %dma_wait3A_305] : memref<81920x128xf32, #tpu.memory_space<hbm>> -> memref<64x128xf32, #tpu.memory_space<hbm>>
    %dma_wait3A_307 = arith.constant 0 : i32
    %dma_wait3A_308 = tpu.memref_slice %arg4[%add3A_304, %dma_wait3A_307] : memref<81920x128xf32, #tpu.memory_space<hbm>> -> memref<64x128xf32, #tpu.memory_space<hbm>>
    tpu.wait_dma2 semaphore(%arg40 : memref<!tpu.dma_semaphore, #tpu.memory_space<semaphore_mem>>) src(%arg16 : memref<64x128xf32, #tpu.memory_space<vmem>>) dst(%dma_wait3A_308 : memref<64x128xf32, #tpu.memory_space<hbm>>)
    %dma_start3A_309 = arith.constant 1408 : i32
    %dma_start3A_310 = tpu.memref_slice %arg5[%dma_start3A_309] : memref<2560xi32, #tpu.memory_space<vmem>> -> memref<64xi32, #tpu.memory_space<vmem>>
    %dma_start3A_311 = arith.constant 0 : i32
    %dma_start3A_312 = arith.constant 0 : i32
    %dma_start3A_313 = tpu.memref_slice %arg3[%dma_start3A_311, %dma_start3A_312] : memref<100000x128xf32, #tpu.memory_space<hbm>> -> memref<100000x128xf32, #tpu.memory_space<hbm>>
    tpu.enqueue_indirect_dma source(%dma_start3A_313 : memref<100000x128xf32, #tpu.memory_space<hbm>>) target(%arg16 : memref<64x128xf32, #tpu.memory_space<vmem>>) offsets(%dma_start3A_310 : memref<64xi32, #tpu.memory_space<vmem>>) semaphore(%arg28 : memref<!tpu.dma_semaphore, #tpu.memory_space<semaphore_mem>>)
    %dma_wait3A_314 = arith.constant 768 : i32
    %dma_wait3A_315 = tpu.memref_slice %arg5[%dma_wait3A_314] : memref<2560xi32, #tpu.memory_space<vmem>> -> memref<64xi32, #tpu.memory_space<vmem>>
    %dma_wait3A_316 = arith.constant 0 : i32
    %dma_wait3A_317 = arith.constant 0 : i32
    %dma_wait3A_318 = tpu.memref_slice %arg3[%dma_wait3A_316, %dma_wait3A_317] : memref<100000x128xf32, #tpu.memory_space<hbm>> -> memref<100000x128xf32, #tpu.memory_space<hbm>>
    tpu.wait_indirect_dma semaphore(%arg18 : memref<!tpu.dma_semaphore, #tpu.memory_space<semaphore_mem>>) src(%dma_wait3A_318 : memref<100000x128xf32, #tpu.memory_space<hbm>>) dst(%arg6 : memref<64x128xf32, #tpu.memory_space<vmem>>)
    %add3A_319 = arith.constant 768 : i32
    %add3A_320 = arith.addi %mul3A_2, %add3A_319 : i32
    %dma_start3A_321 = arith.constant 0 : i32
    %dma_start3A_322 = tpu.memref_slice %arg4[%add3A_320, %dma_start3A_321] : memref<81920x128xf32, #tpu.memory_space<hbm>> -> memref<64x128xf32, #tpu.memory_space<hbm>>
    %dma_start3A_323 = arith.constant 0 : i32
    %dma_start3A_324 = tpu.memref_slice %arg4[%add3A_320, %dma_start3A_323] : memref<81920x128xf32, #tpu.memory_space<hbm>> -> memref<64x128xf32, #tpu.memory_space<hbm>>
    tpu.enqueue_dma source(%arg6 : memref<64x128xf32, #tpu.memory_space<vmem>>) target(%dma_start3A_324 : memref<64x128xf32, #tpu.memory_space<hbm>>) target_semaphore(%arg30 : memref<!tpu.dma_semaphore, #tpu.memory_space<semaphore_mem>>)
    %add3A_325 = arith.constant 704 : i32
    %add3A_326 = arith.addi %mul3A_2, %add3A_325 : i32
    %dma_wait3A_327 = arith.constant 0 : i32
    %dma_wait3A_328 = tpu.memref_slice %arg4[%add3A_326, %dma_wait3A_327] : memref<81920x128xf32, #tpu.memory_space<hbm>> -> memref<64x128xf32, #tpu.memory_space<hbm>>
    %dma_wait3A_329 = arith.constant 0 : i32
    %dma_wait3A_330 = tpu.memref_slice %arg4[%add3A_326, %dma_wait3A_329] : memref<81920x128xf32, #tpu.memory_space<hbm>> -> memref<64x128xf32, #tpu.memory_space<hbm>>
    tpu.wait_dma2 semaphore(%arg41 : memref<!tpu.dma_semaphore, #tpu.memory_space<semaphore_mem>>) src(%arg17 : memref<64x128xf32, #tpu.memory_space<vmem>>) dst(%dma_wait3A_330 : memref<64x128xf32, #tpu.memory_space<hbm>>)
    %dma_start3A_331 = arith.constant 1472 : i32
    %dma_start3A_332 = tpu.memref_slice %arg5[%dma_start3A_331] : memref<2560xi32, #tpu.memory_space<vmem>> -> memref<64xi32, #tpu.memory_space<vmem>>
    %dma_start3A_333 = arith.constant 0 : i32
    %dma_start3A_334 = arith.constant 0 : i32
    %dma_start3A_335 = tpu.memref_slice %arg3[%dma_start3A_333, %dma_start3A_334] : memref<100000x128xf32, #tpu.memory_space<hbm>> -> memref<100000x128xf32, #tpu.memory_space<hbm>>
    tpu.enqueue_indirect_dma source(%dma_start3A_335 : memref<100000x128xf32, #tpu.memory_space<hbm>>) target(%arg17 : memref<64x128xf32, #tpu.memory_space<vmem>>) offsets(%dma_start3A_332 : memref<64xi32, #tpu.memory_space<vmem>>) semaphore(%arg29 : memref<!tpu.dma_semaphore, #tpu.memory_space<semaphore_mem>>)
    %dma_wait3A_336 = arith.constant 832 : i32
    %dma_wait3A_337 = tpu.memref_slice %arg5[%dma_wait3A_336] : memref<2560xi32, #tpu.memory_space<vmem>> -> memref<64xi32, #tpu.memory_space<vmem>>
    %dma_wait3A_338 = arith.constant 0 : i32
    %dma_wait3A_339 = arith.constant 0 : i32
    %dma_wait3A_340 = tpu.memref_slice %arg3[%dma_wait3A_338, %dma_wait3A_339] : memref<100000x128xf32, #tpu.memory_space<hbm>> -> memref<100000x128xf32, #tpu.memory_space<hbm>>
    tpu.wait_indirect_dma semaphore(%arg19 : memref<!tpu.dma_semaphore, #tpu.memory_space<semaphore_mem>>) src(%dma_wait3A_340 : memref<100000x128xf32, #tpu.memory_space<hbm>>) dst(%arg7 : memref<64x128xf32, #tpu.memory_space<vmem>>)
    %add3A_341 = arith.constant 832 : i32
    %add3A_342 = arith.addi %mul3A_2, %add3A_341 : i32
    %dma_start3A_343 = arith.constant 0 : i32
    %dma_start3A_344 = tpu.memref_slice %arg4[%add3A_342, %dma_start3A_343] : memref<81920x128xf32, #tpu.memory_space<hbm>> -> memref<64x128xf32, #tpu.memory_space<hbm>>
    %dma_start3A_345 = arith.constant 0 : i32
    %dma_start3A_346 = tpu.memref_slice %arg4[%add3A_342, %dma_start3A_345] : memref<81920x128xf32, #tpu.memory_space<hbm>> -> memref<64x128xf32, #tpu.memory_space<hbm>>
    tpu.enqueue_dma source(%arg7 : memref<64x128xf32, #tpu.memory_space<vmem>>) target(%dma_start3A_346 : memref<64x128xf32, #tpu.memory_space<hbm>>) target_semaphore(%arg31 : memref<!tpu.dma_semaphore, #tpu.memory_space<semaphore_mem>>)
    %add3A_347 = arith.constant 768 : i32
    %add3A_348 = arith.addi %mul3A_2, %add3A_347 : i32
    %dma_wait3A_349 = arith.constant 0 : i32
    %dma_wait3A_350 = tpu.memref_slice %arg4[%add3A_348, %dma_wait3A_349] : memref<81920x128xf32, #tpu.memory_space<hbm>> -> memref<64x128xf32, #tpu.memory_space<hbm>>
    %dma_wait3A_351 = arith.constant 0 : i32
    %dma_wait3A_352 = tpu.memref_slice %arg4[%add3A_348, %dma_wait3A_351] : memref<81920x128xf32, #tpu.memory_space<hbm>> -> memref<64x128xf32, #tpu.memory_space<hbm>>
    tpu.wait_dma2 semaphore(%arg30 : memref<!tpu.dma_semaphore, #tpu.memory_space<semaphore_mem>>) src(%arg6 : memref<64x128xf32, #tpu.memory_space<vmem>>) dst(%dma_wait3A_352 : memref<64x128xf32, #tpu.memory_space<hbm>>)
    %dma_start3A_353 = arith.constant 1536 : i32
    %dma_start3A_354 = tpu.memref_slice %arg5[%dma_start3A_353] : memref<2560xi32, #tpu.memory_space<vmem>> -> memref<64xi32, #tpu.memory_space<vmem>>
    %dma_start3A_355 = arith.constant 0 : i32
    %dma_start3A_356 = arith.constant 0 : i32
    %dma_start3A_357 = tpu.memref_slice %arg3[%dma_start3A_355, %dma_start3A_356] : memref<100000x128xf32, #tpu.memory_space<hbm>> -> memref<100000x128xf32, #tpu.memory_space<hbm>>
    tpu.enqueue_indirect_dma source(%dma_start3A_357 : memref<100000x128xf32, #tpu.memory_space<hbm>>) target(%arg6 : memref<64x128xf32, #tpu.memory_space<vmem>>) offsets(%dma_start3A_354 : memref<64xi32, #tpu.memory_space<vmem>>) semaphore(%arg18 : memref<!tpu.dma_semaphore, #tpu.memory_space<semaphore_mem>>)
    %dma_wait3A_358 = arith.constant 896 : i32
    %dma_wait3A_359 = tpu.memref_slice %arg5[%dma_wait3A_358] : memref<2560xi32, #tpu.memory_space<vmem>> -> memref<64xi32, #tpu.memory_space<vmem>>
    %dma_wait3A_360 = arith.constant 0 : i32
    %dma_wait3A_361 = arith.constant 0 : i32
    %dma_wait3A_362 = tpu.memref_slice %arg3[%dma_wait3A_360, %dma_wait3A_361] : memref<100000x128xf32, #tpu.memory_space<hbm>> -> memref<100000x128xf32, #tpu.memory_space<hbm>>
    tpu.wait_indirect_dma semaphore(%arg20 : memref<!tpu.dma_semaphore, #tpu.memory_space<semaphore_mem>>) src(%dma_wait3A_362 : memref<100000x128xf32, #tpu.memory_space<hbm>>) dst(%arg8 : memref<64x128xf32, #tpu.memory_space<vmem>>)
    %add3A_363 = arith.constant 896 : i32
    %add3A_364 = arith.addi %mul3A_2, %add3A_363 : i32
    %dma_start3A_365 = arith.constant 0 : i32
    %dma_start3A_366 = tpu.memref_slice %arg4[%add3A_364, %dma_start3A_365] : memref<81920x128xf32, #tpu.memory_space<hbm>> -> memref<64x128xf32, #tpu.memory_space<hbm>>
    %dma_start3A_367 = arith.constant 0 : i32
    %dma_start3A_368 = tpu.memref_slice %arg4[%add3A_364, %dma_start3A_367] : memref<81920x128xf32, #tpu.memory_space<hbm>> -> memref<64x128xf32, #tpu.memory_space<hbm>>
    tpu.enqueue_dma source(%arg8 : memref<64x128xf32, #tpu.memory_space<vmem>>) target(%dma_start3A_368 : memref<64x128xf32, #tpu.memory_space<hbm>>) target_semaphore(%arg32 : memref<!tpu.dma_semaphore, #tpu.memory_space<semaphore_mem>>)
    %add3A_369 = arith.constant 832 : i32
    %add3A_370 = arith.addi %mul3A_2, %add3A_369 : i32
    %dma_wait3A_371 = arith.constant 0 : i32
    %dma_wait3A_372 = tpu.memref_slice %arg4[%add3A_370, %dma_wait3A_371] : memref<81920x128xf32, #tpu.memory_space<hbm>> -> memref<64x128xf32, #tpu.memory_space<hbm>>
    %dma_wait3A_373 = arith.constant 0 : i32
    %dma_wait3A_374 = tpu.memref_slice %arg4[%add3A_370, %dma_wait3A_373] : memref<81920x128xf32, #tpu.memory_space<hbm>> -> memref<64x128xf32, #tpu.memory_space<hbm>>
    tpu.wait_dma2 semaphore(%arg31 : memref<!tpu.dma_semaphore, #tpu.memory_space<semaphore_mem>>) src(%arg7 : memref<64x128xf32, #tpu.memory_space<vmem>>) dst(%dma_wait3A_374 : memref<64x128xf32, #tpu.memory_space<hbm>>)
    %dma_start3A_375 = arith.constant 1600 : i32
    %dma_start3A_376 = tpu.memref_slice %arg5[%dma_start3A_375] : memref<2560xi32, #tpu.memory_space<vmem>> -> memref<64xi32, #tpu.memory_space<vmem>>
    %dma_start3A_377 = arith.constant 0 : i32
    %dma_start3A_378 = arith.constant 0 : i32
    %dma_start3A_379 = tpu.memref_slice %arg3[%dma_start3A_377, %dma_start3A_378] : memref<100000x128xf32, #tpu.memory_space<hbm>> -> memref<100000x128xf32, #tpu.memory_space<hbm>>
    tpu.enqueue_indirect_dma source(%dma_start3A_379 : memref<100000x128xf32, #tpu.memory_space<hbm>>) target(%arg7 : memref<64x128xf32, #tpu.memory_space<vmem>>) offsets(%dma_start3A_376 : memref<64xi32, #tpu.memory_space<vmem>>) semaphore(%arg19 : memref<!tpu.dma_semaphore, #tpu.memory_space<semaphore_mem>>)
    %dma_wait3A_380 = arith.constant 960 : i32
    %dma_wait3A_381 = tpu.memref_slice %arg5[%dma_wait3A_380] : memref<2560xi32, #tpu.memory_space<vmem>> -> memref<64xi32, #tpu.memory_space<vmem>>
    %dma_wait3A_382 = arith.constant 0 : i32
    %dma_wait3A_383 = arith.constant 0 : i32
    %dma_wait3A_384 = tpu.memref_slice %arg3[%dma_wait3A_382, %dma_wait3A_383] : memref<100000x128xf32, #tpu.memory_space<hbm>> -> memref<100000x128xf32, #tpu.memory_space<hbm>>
    tpu.wait_indirect_dma semaphore(%arg21 : memref<!tpu.dma_semaphore, #tpu.memory_space<semaphore_mem>>) src(%dma_wait3A_384 : memref<100000x128xf32, #tpu.memory_space<hbm>>) dst(%arg9 : memref<64x128xf32, #tpu.memory_space<vmem>>)
    %add3A_385 = arith.constant 960 : i32
    %add3A_386 = arith.addi %mul3A_2, %add3A_385 : i32
    %dma_start3A_387 = arith.constant 0 : i32
    %dma_start3A_388 = tpu.memref_slice %arg4[%add3A_386, %dma_start3A_387] : memref<81920x128xf32, #tpu.memory_space<hbm>> -> memref<64x128xf32, #tpu.memory_space<hbm>>
    %dma_start3A_389 = arith.constant 0 : i32
    %dma_start3A_390 = tpu.memref_slice %arg4[%add3A_386, %dma_start3A_389] : memref<81920x128xf32, #tpu.memory_space<hbm>> -> memref<64x128xf32, #tpu.memory_space<hbm>>
    tpu.enqueue_dma source(%arg9 : memref<64x128xf32, #tpu.memory_space<vmem>>) target(%dma_start3A_390 : memref<64x128xf32, #tpu.memory_space<hbm>>) target_semaphore(%arg33 : memref<!tpu.dma_semaphore, #tpu.memory_space<semaphore_mem>>)
    %add3A_391 = arith.constant 896 : i32
    %add3A_392 = arith.addi %mul3A_2, %add3A_391 : i32
    %dma_wait3A_393 = arith.constant 0 : i32
    %dma_wait3A_394 = tpu.memref_slice %arg4[%add3A_392, %dma_wait3A_393] : memref<81920x128xf32, #tpu.memory_space<hbm>> -> memref<64x128xf32, #tpu.memory_space<hbm>>
    %dma_wait3A_395 = arith.constant 0 : i32
    %dma_wait3A_396 = tpu.memref_slice %arg4[%add3A_392, %dma_wait3A_395] : memref<81920x128xf32, #tpu.memory_space<hbm>> -> memref<64x128xf32, #tpu.memory_space<hbm>>
    tpu.wait_dma2 semaphore(%arg32 : memref<!tpu.dma_semaphore, #tpu.memory_space<semaphore_mem>>) src(%arg8 : memref<64x128xf32, #tpu.memory_space<vmem>>) dst(%dma_wait3A_396 : memref<64x128xf32, #tpu.memory_space<hbm>>)
    %dma_start3A_397 = arith.constant 1664 : i32
    %dma_start3A_398 = tpu.memref_slice %arg5[%dma_start3A_397] : memref<2560xi32, #tpu.memory_space<vmem>> -> memref<64xi32, #tpu.memory_space<vmem>>
    %dma_start3A_399 = arith.constant 0 : i32
    %dma_start3A_400 = arith.constant 0 : i32
    %dma_start3A_401 = tpu.memref_slice %arg3[%dma_start3A_399, %dma_start3A_400] : memref<100000x128xf32, #tpu.memory_space<hbm>> -> memref<100000x128xf32, #tpu.memory_space<hbm>>
    tpu.enqueue_indirect_dma source(%dma_start3A_401 : memref<100000x128xf32, #tpu.memory_space<hbm>>) target(%arg8 : memref<64x128xf32, #tpu.memory_space<vmem>>) offsets(%dma_start3A_398 : memref<64xi32, #tpu.memory_space<vmem>>) semaphore(%arg20 : memref<!tpu.dma_semaphore, #tpu.memory_space<semaphore_mem>>)
    %dma_wait3A_402 = arith.constant 1024 : i32
    %dma_wait3A_403 = tpu.memref_slice %arg5[%dma_wait3A_402] : memref<2560xi32, #tpu.memory_space<vmem>> -> memref<64xi32, #tpu.memory_space<vmem>>
    %dma_wait3A_404 = arith.constant 0 : i32
    %dma_wait3A_405 = arith.constant 0 : i32
    %dma_wait3A_406 = tpu.memref_slice %arg3[%dma_wait3A_404, %dma_wait3A_405] : memref<100000x128xf32, #tpu.memory_space<hbm>> -> memref<100000x128xf32, #tpu.memory_space<hbm>>
    tpu.wait_indirect_dma semaphore(%arg22 : memref<!tpu.dma_semaphore, #tpu.memory_space<semaphore_mem>>) src(%dma_wait3A_406 : memref<100000x128xf32, #tpu.memory_space<hbm>>) dst(%arg10 : memref<64x128xf32, #tpu.memory_space<vmem>>)
    %add3A_407 = arith.constant 1024 : i32
    %add3A_408 = arith.addi %mul3A_2, %add3A_407 : i32
    %dma_start3A_409 = arith.constant 0 : i32
    %dma_start3A_410 = tpu.memref_slice %arg4[%add3A_408, %dma_start3A_409] : memref<81920x128xf32, #tpu.memory_space<hbm>> -> memref<64x128xf32, #tpu.memory_space<hbm>>
    %dma_start3A_411 = arith.constant 0 : i32
    %dma_start3A_412 = tpu.memref_slice %arg4[%add3A_408, %dma_start3A_411] : memref<81920x128xf32, #tpu.memory_space<hbm>> -> memref<64x128xf32, #tpu.memory_space<hbm>>
    tpu.enqueue_dma source(%arg10 : memref<64x128xf32, #tpu.memory_space<vmem>>) target(%dma_start3A_412 : memref<64x128xf32, #tpu.memory_space<hbm>>) target_semaphore(%arg34 : memref<!tpu.dma_semaphore, #tpu.memory_space<semaphore_mem>>)
    %add3A_413 = arith.constant 960 : i32
    %add3A_414 = arith.addi %mul3A_2, %add3A_413 : i32
    %dma_wait3A_415 = arith.constant 0 : i32
    %dma_wait3A_416 = tpu.memref_slice %arg4[%add3A_414, %dma_wait3A_415] : memref<81920x128xf32, #tpu.memory_space<hbm>> -> memref<64x128xf32, #tpu.memory_space<hbm>>
    %dma_wait3A_417 = arith.constant 0 : i32
    %dma_wait3A_418 = tpu.memref_slice %arg4[%add3A_414, %dma_wait3A_417] : memref<81920x128xf32, #tpu.memory_space<hbm>> -> memref<64x128xf32, #tpu.memory_space<hbm>>
    tpu.wait_dma2 semaphore(%arg33 : memref<!tpu.dma_semaphore, #tpu.memory_space<semaphore_mem>>) src(%arg9 : memref<64x128xf32, #tpu.memory_space<vmem>>) dst(%dma_wait3A_418 : memref<64x128xf32, #tpu.memory_space<hbm>>)
    %dma_start3A_419 = arith.constant 1728 : i32
    %dma_start3A_420 = tpu.memref_slice %arg5[%dma_start3A_419] : memref<2560xi32, #tpu.memory_space<vmem>> -> memref<64xi32, #tpu.memory_space<vmem>>
    %dma_start3A_421 = arith.constant 0 : i32
    %dma_start3A_422 = arith.constant 0 : i32
    %dma_start3A_423 = tpu.memref_slice %arg3[%dma_start3A_421, %dma_start3A_422] : memref<100000x128xf32, #tpu.memory_space<hbm>> -> memref<100000x128xf32, #tpu.memory_space<hbm>>
    tpu.enqueue_indirect_dma source(%dma_start3A_423 : memref<100000x128xf32, #tpu.memory_space<hbm>>) target(%arg9 : memref<64x128xf32, #tpu.memory_space<vmem>>) offsets(%dma_start3A_420 : memref<64xi32, #tpu.memory_space<vmem>>) semaphore(%arg21 : memref<!tpu.dma_semaphore, #tpu.memory_space<semaphore_mem>>)
    %dma_wait3A_424 = arith.constant 1088 : i32
    %dma_wait3A_425 = tpu.memref_slice %arg5[%dma_wait3A_424] : memref<2560xi32, #tpu.memory_space<vmem>> -> memref<64xi32, #tpu.memory_space<vmem>>
    %dma_wait3A_426 = arith.constant 0 : i32
    %dma_wait3A_427 = arith.constant 0 : i32
    %dma_wait3A_428 = tpu.memref_slice %arg3[%dma_wait3A_426, %dma_wait3A_427] : memref<100000x128xf32, #tpu.memory_space<hbm>> -> memref<100000x128xf32, #tpu.memory_space<hbm>>
    tpu.wait_indirect_dma semaphore(%arg23 : memref<!tpu.dma_semaphore, #tpu.memory_space<semaphore_mem>>) src(%dma_wait3A_428 : memref<100000x128xf32, #tpu.memory_space<hbm>>) dst(%arg11 : memref<64x128xf32, #tpu.memory_space<vmem>>)
    %add3A_429 = arith.constant 1088 : i32
    %add3A_430 = arith.addi %mul3A_2, %add3A_429 : i32
    %dma_start3A_431 = arith.constant 0 : i32
    %dma_start3A_432 = tpu.memref_slice %arg4[%add3A_430, %dma_start3A_431] : memref<81920x128xf32, #tpu.memory_space<hbm>> -> memref<64x128xf32, #tpu.memory_space<hbm>>
    %dma_start3A_433 = arith.constant 0 : i32
    %dma_start3A_434 = tpu.memref_slice %arg4[%add3A_430, %dma_start3A_433] : memref<81920x128xf32, #tpu.memory_space<hbm>> -> memref<64x128xf32, #tpu.memory_space<hbm>>
    tpu.enqueue_dma source(%arg11 : memref<64x128xf32, #tpu.memory_space<vmem>>) target(%dma_start3A_434 : memref<64x128xf32, #tpu.memory_space<hbm>>) target_semaphore(%arg35 : memref<!tpu.dma_semaphore, #tpu.memory_space<semaphore_mem>>)
    %add3A_435 = arith.constant 1024 : i32
    %add3A_436 = arith.addi %mul3A_2, %add3A_435 : i32
    %dma_wait3A_437 = arith.constant 0 : i32
    %dma_wait3A_438 = tpu.memref_slice %arg4[%add3A_436, %dma_wait3A_437] : memref<81920x128xf32, #tpu.memory_space<hbm>> -> memref<64x128xf32, #tpu.memory_space<hbm>>
    %dma_wait3A_439 = arith.constant 0 : i32
    %dma_wait3A_440 = tpu.memref_slice %arg4[%add3A_436, %dma_wait3A_439] : memref<81920x128xf32, #tpu.memory_space<hbm>> -> memref<64x128xf32, #tpu.memory_space<hbm>>
    tpu.wait_dma2 semaphore(%arg34 : memref<!tpu.dma_semaphore, #tpu.memory_space<semaphore_mem>>) src(%arg10 : memref<64x128xf32, #tpu.memory_space<vmem>>) dst(%dma_wait3A_440 : memref<64x128xf32, #tpu.memory_space<hbm>>)
    %dma_start3A_441 = arith.constant 1792 : i32
    %dma_start3A_442 = tpu.memref_slice %arg5[%dma_start3A_441] : memref<2560xi32, #tpu.memory_space<vmem>> -> memref<64xi32, #tpu.memory_space<vmem>>
    %dma_start3A_443 = arith.constant 0 : i32
    %dma_start3A_444 = arith.constant 0 : i32
    %dma_start3A_445 = tpu.memref_slice %arg3[%dma_start3A_443, %dma_start3A_444] : memref<100000x128xf32, #tpu.memory_space<hbm>> -> memref<100000x128xf32, #tpu.memory_space<hbm>>
    tpu.enqueue_indirect_dma source(%dma_start3A_445 : memref<100000x128xf32, #tpu.memory_space<hbm>>) target(%arg10 : memref<64x128xf32, #tpu.memory_space<vmem>>) offsets(%dma_start3A_442 : memref<64xi32, #tpu.memory_space<vmem>>) semaphore(%arg22 : memref<!tpu.dma_semaphore, #tpu.memory_space<semaphore_mem>>)
    %dma_wait3A_446 = arith.constant 1152 : i32
    %dma_wait3A_447 = tpu.memref_slice %arg5[%dma_wait3A_446] : memref<2560xi32, #tpu.memory_space<vmem>> -> memref<64xi32, #tpu.memory_space<vmem>>
    %dma_wait3A_448 = arith.constant 0 : i32
    %dma_wait3A_449 = arith.constant 0 : i32
    %dma_wait3A_450 = tpu.memref_slice %arg3[%dma_wait3A_448, %dma_wait3A_449] : memref<100000x128xf32, #tpu.memory_space<hbm>> -> memref<100000x128xf32, #tpu.memory_space<hbm>>
    tpu.wait_indirect_dma semaphore(%arg24 : memref<!tpu.dma_semaphore, #tpu.memory_space<semaphore_mem>>) src(%dma_wait3A_450 : memref<100000x128xf32, #tpu.memory_space<hbm>>) dst(%arg12 : memref<64x128xf32, #tpu.memory_space<vmem>>)
    %add3A_451 = arith.constant 1152 : i32
    %add3A_452 = arith.addi %mul3A_2, %add3A_451 : i32
    %dma_start3A_453 = arith.constant 0 : i32
    %dma_start3A_454 = tpu.memref_slice %arg4[%add3A_452, %dma_start3A_453] : memref<81920x128xf32, #tpu.memory_space<hbm>> -> memref<64x128xf32, #tpu.memory_space<hbm>>
    %dma_start3A_455 = arith.constant 0 : i32
    %dma_start3A_456 = tpu.memref_slice %arg4[%add3A_452, %dma_start3A_455] : memref<81920x128xf32, #tpu.memory_space<hbm>> -> memref<64x128xf32, #tpu.memory_space<hbm>>
    tpu.enqueue_dma source(%arg12 : memref<64x128xf32, #tpu.memory_space<vmem>>) target(%dma_start3A_456 : memref<64x128xf32, #tpu.memory_space<hbm>>) target_semaphore(%arg36 : memref<!tpu.dma_semaphore, #tpu.memory_space<semaphore_mem>>)
    %add3A_457 = arith.constant 1088 : i32
    %add3A_458 = arith.addi %mul3A_2, %add3A_457 : i32
    %dma_wait3A_459 = arith.constant 0 : i32
    %dma_wait3A_460 = tpu.memref_slice %arg4[%add3A_458, %dma_wait3A_459] : memref<81920x128xf32, #tpu.memory_space<hbm>> -> memref<64x128xf32, #tpu.memory_space<hbm>>
    %dma_wait3A_461 = arith.constant 0 : i32
    %dma_wait3A_462 = tpu.memref_slice %arg4[%add3A_458, %dma_wait3A_461] : memref<81920x128xf32, #tpu.memory_space<hbm>> -> memref<64x128xf32, #tpu.memory_space<hbm>>
    tpu.wait_dma2 semaphore(%arg35 : memref<!tpu.dma_semaphore, #tpu.memory_space<semaphore_mem>>) src(%arg11 : memref<64x128xf32, #tpu.memory_space<vmem>>) dst(%dma_wait3A_462 : memref<64x128xf32, #tpu.memory_space<hbm>>)
    %dma_start3A_463 = arith.constant 1856 : i32
    %dma_start3A_464 = tpu.memref_slice %arg5[%dma_start3A_463] : memref<2560xi32, #tpu.memory_space<vmem>> -> memref<64xi32, #tpu.memory_space<vmem>>
    %dma_start3A_465 = arith.constant 0 : i32
    %dma_start3A_466 = arith.constant 0 : i32
    %dma_start3A_467 = tpu.memref_slice %arg3[%dma_start3A_465, %dma_start3A_466] : memref<100000x128xf32, #tpu.memory_space<hbm>> -> memref<100000x128xf32, #tpu.memory_space<hbm>>
    tpu.enqueue_indirect_dma source(%dma_start3A_467 : memref<100000x128xf32, #tpu.memory_space<hbm>>) target(%arg11 : memref<64x128xf32, #tpu.memory_space<vmem>>) offsets(%dma_start3A_464 : memref<64xi32, #tpu.memory_space<vmem>>) semaphore(%arg23 : memref<!tpu.dma_semaphore, #tpu.memory_space<semaphore_mem>>)
    %dma_wait3A_468 = arith.constant 1216 : i32
    %dma_wait3A_469 = tpu.memref_slice %arg5[%dma_wait3A_468] : memref<2560xi32, #tpu.memory_space<vmem>> -> memref<64xi32, #tpu.memory_space<vmem>>
    %dma_wait3A_470 = arith.constant 0 : i32
    %dma_wait3A_471 = arith.constant 0 : i32
    %dma_wait3A_472 = tpu.memref_slice %arg3[%dma_wait3A_470, %dma_wait3A_471] : memref<100000x128xf32, #tpu.memory_space<hbm>> -> memref<100000x128xf32, #tpu.memory_space<hbm>>
    tpu.wait_indirect_dma semaphore(%arg25 : memref<!tpu.dma_semaphore, #tpu.memory_space<semaphore_mem>>) src(%dma_wait3A_472 : memref<100000x128xf32, #tpu.memory_space<hbm>>) dst(%arg13 : memref<64x128xf32, #tpu.memory_space<vmem>>)
    %add3A_473 = arith.constant 1216 : i32
    %add3A_474 = arith.addi %mul3A_2, %add3A_473 : i32
    %dma_start3A_475 = arith.constant 0 : i32
    %dma_start3A_476 = tpu.memref_slice %arg4[%add3A_474, %dma_start3A_475] : memref<81920x128xf32, #tpu.memory_space<hbm>> -> memref<64x128xf32, #tpu.memory_space<hbm>>
    %dma_start3A_477 = arith.constant 0 : i32
    %dma_start3A_478 = tpu.memref_slice %arg4[%add3A_474, %dma_start3A_477] : memref<81920x128xf32, #tpu.memory_space<hbm>> -> memref<64x128xf32, #tpu.memory_space<hbm>>
    tpu.enqueue_dma source(%arg13 : memref<64x128xf32, #tpu.memory_space<vmem>>) target(%dma_start3A_478 : memref<64x128xf32, #tpu.memory_space<hbm>>) target_semaphore(%arg37 : memref<!tpu.dma_semaphore, #tpu.memory_space<semaphore_mem>>)
    %add3A_479 = arith.constant 1152 : i32
    %add3A_480 = arith.addi %mul3A_2, %add3A_479 : i32
    %dma_wait3A_481 = arith.constant 0 : i32
    %dma_wait3A_482 = tpu.memref_slice %arg4[%add3A_480, %dma_wait3A_481] : memref<81920x128xf32, #tpu.memory_space<hbm>> -> memref<64x128xf32, #tpu.memory_space<hbm>>
    %dma_wait3A_483 = arith.constant 0 : i32
    %dma_wait3A_484 = tpu.memref_slice %arg4[%add3A_480, %dma_wait3A_483] : memref<81920x128xf32, #tpu.memory_space<hbm>> -> memref<64x128xf32, #tpu.memory_space<hbm>>
    tpu.wait_dma2 semaphore(%arg36 : memref<!tpu.dma_semaphore, #tpu.memory_space<semaphore_mem>>) src(%arg12 : memref<64x128xf32, #tpu.memory_space<vmem>>) dst(%dma_wait3A_484 : memref<64x128xf32, #tpu.memory_space<hbm>>)
    %dma_start3A_485 = arith.constant 1920 : i32
    %dma_start3A_486 = tpu.memref_slice %arg5[%dma_start3A_485] : memref<2560xi32, #tpu.memory_space<vmem>> -> memref<64xi32, #tpu.memory_space<vmem>>
    %dma_start3A_487 = arith.constant 0 : i32
    %dma_start3A_488 = arith.constant 0 : i32
    %dma_start3A_489 = tpu.memref_slice %arg3[%dma_start3A_487, %dma_start3A_488] : memref<100000x128xf32, #tpu.memory_space<hbm>> -> memref<100000x128xf32, #tpu.memory_space<hbm>>
    tpu.enqueue_indirect_dma source(%dma_start3A_489 : memref<100000x128xf32, #tpu.memory_space<hbm>>) target(%arg12 : memref<64x128xf32, #tpu.memory_space<vmem>>) offsets(%dma_start3A_486 : memref<64xi32, #tpu.memory_space<vmem>>) semaphore(%arg24 : memref<!tpu.dma_semaphore, #tpu.memory_space<semaphore_mem>>)
    %dma_wait3A_490 = arith.constant 1280 : i32
    %dma_wait3A_491 = tpu.memref_slice %arg5[%dma_wait3A_490] : memref<2560xi32, #tpu.memory_space<vmem>> -> memref<64xi32, #tpu.memory_space<vmem>>
    %dma_wait3A_492 = arith.constant 0 : i32
    %dma_wait3A_493 = arith.constant 0 : i32
    %dma_wait3A_494 = tpu.memref_slice %arg3[%dma_wait3A_492, %dma_wait3A_493] : memref<100000x128xf32, #tpu.memory_space<hbm>> -> memref<100000x128xf32, #tpu.memory_space<hbm>>
    tpu.wait_indirect_dma semaphore(%arg26 : memref<!tpu.dma_semaphore, #tpu.memory_space<semaphore_mem>>) src(%dma_wait3A_494 : memref<100000x128xf32, #tpu.memory_space<hbm>>) dst(%arg14 : memref<64x128xf32, #tpu.memory_space<vmem>>)
    %add3A_495 = arith.constant 1280 : i32
    %add3A_496 = arith.addi %mul3A_2, %add3A_495 : i32
    %dma_start3A_497 = arith.constant 0 : i32
    %dma_start3A_498 = tpu.memref_slice %arg4[%add3A_496, %dma_start3A_497] : memref<81920x128xf32, #tpu.memory_space<hbm>> -> memref<64x128xf32, #tpu.memory_space<hbm>>
    %dma_start3A_499 = arith.constant 0 : i32
    %dma_start3A_500 = tpu.memref_slice %arg4[%add3A_496, %dma_start3A_499] : memref<81920x128xf32, #tpu.memory_space<hbm>> -> memref<64x128xf32, #tpu.memory_space<hbm>>
    tpu.enqueue_dma source(%arg14 : memref<64x128xf32, #tpu.memory_space<vmem>>) target(%dma_start3A_500 : memref<64x128xf32, #tpu.memory_space<hbm>>) target_semaphore(%arg38 : memref<!tpu.dma_semaphore, #tpu.memory_space<semaphore_mem>>)
    %add3A_501 = arith.constant 1216 : i32
    %add3A_502 = arith.addi %mul3A_2, %add3A_501 : i32
    %dma_wait3A_503 = arith.constant 0 : i32
    %dma_wait3A_504 = tpu.memref_slice %arg4[%add3A_502, %dma_wait3A_503] : memref<81920x128xf32, #tpu.memory_space<hbm>> -> memref<64x128xf32, #tpu.memory_space<hbm>>
    %dma_wait3A_505 = arith.constant 0 : i32
    %dma_wait3A_506 = tpu.memref_slice %arg4[%add3A_502, %dma_wait3A_505] : memref<81920x128xf32, #tpu.memory_space<hbm>> -> memref<64x128xf32, #tpu.memory_space<hbm>>
    tpu.wait_dma2 semaphore(%arg37 : memref<!tpu.dma_semaphore, #tpu.memory_space<semaphore_mem>>) src(%arg13 : memref<64x128xf32, #tpu.memory_space<vmem>>) dst(%dma_wait3A_506 : memref<64x128xf32, #tpu.memory_space<hbm>>)
    %dma_start3A_507 = arith.constant 1984 : i32
    %dma_start3A_508 = tpu.memref_slice %arg5[%dma_start3A_507] : memref<2560xi32, #tpu.memory_space<vmem>> -> memref<64xi32, #tpu.memory_space<vmem>>
    %dma_start3A_509 = arith.constant 0 : i32
    %dma_start3A_510 = arith.constant 0 : i32
    %dma_start3A_511 = tpu.memref_slice %arg3[%dma_start3A_509, %dma_start3A_510] : memref<100000x128xf32, #tpu.memory_space<hbm>> -> memref<100000x128xf32, #tpu.memory_space<hbm>>
    tpu.enqueue_indirect_dma source(%dma_start3A_511 : memref<100000x128xf32, #tpu.memory_space<hbm>>) target(%arg13 : memref<64x128xf32, #tpu.memory_space<vmem>>) offsets(%dma_start3A_508 : memref<64xi32, #tpu.memory_space<vmem>>) semaphore(%arg25 : memref<!tpu.dma_semaphore, #tpu.memory_space<semaphore_mem>>)
    %dma_wait3A_512 = arith.constant 1344 : i32
    %dma_wait3A_513 = tpu.memref_slice %arg5[%dma_wait3A_512] : memref<2560xi32, #tpu.memory_space<vmem>> -> memref<64xi32, #tpu.memory_space<vmem>>
    %dma_wait3A_514 = arith.constant 0 : i32
    %dma_wait3A_515 = arith.constant 0 : i32
    %dma_wait3A_516 = tpu.memref_slice %arg3[%dma_wait3A_514, %dma_wait3A_515] : memref<100000x128xf32, #tpu.memory_space<hbm>> -> memref<100000x128xf32, #tpu.memory_space<hbm>>
    tpu.wait_indirect_dma semaphore(%arg27 : memref<!tpu.dma_semaphore, #tpu.memory_space<semaphore_mem>>) src(%dma_wait3A_516 : memref<100000x128xf32, #tpu.memory_space<hbm>>) dst(%arg15 : memref<64x128xf32, #tpu.memory_space<vmem>>)
    %add3A_517 = arith.constant 1344 : i32
    %add3A_518 = arith.addi %mul3A_2, %add3A_517 : i32
    %dma_start3A_519 = arith.constant 0 : i32
    %dma_start3A_520 = tpu.memref_slice %arg4[%add3A_518, %dma_start3A_519] : memref<81920x128xf32, #tpu.memory_space<hbm>> -> memref<64x128xf32, #tpu.memory_space<hbm>>
    %dma_start3A_521 = arith.constant 0 : i32
    %dma_start3A_522 = tpu.memref_slice %arg4[%add3A_518, %dma_start3A_521] : memref<81920x128xf32, #tpu.memory_space<hbm>> -> memref<64x128xf32, #tpu.memory_space<hbm>>
    tpu.enqueue_dma source(%arg15 : memref<64x128xf32, #tpu.memory_space<vmem>>) target(%dma_start3A_522 : memref<64x128xf32, #tpu.memory_space<hbm>>) target_semaphore(%arg39 : memref<!tpu.dma_semaphore, #tpu.memory_space<semaphore_mem>>)
    %add3A_523 = arith.constant 1280 : i32
    %add3A_524 = arith.addi %mul3A_2, %add3A_523 : i32
    %dma_wait3A_525 = arith.constant 0 : i32
    %dma_wait3A_526 = tpu.memref_slice %arg4[%add3A_524, %dma_wait3A_525] : memref<81920x128xf32, #tpu.memory_space<hbm>> -> memref<64x128xf32, #tpu.memory_space<hbm>>
    %dma_wait3A_527 = arith.constant 0 : i32
    %dma_wait3A_528 = tpu.memref_slice %arg4[%add3A_524, %dma_wait3A_527] : memref<81920x128xf32, #tpu.memory_space<hbm>> -> memref<64x128xf32, #tpu.memory_space<hbm>>
    tpu.wait_dma2 semaphore(%arg38 : memref<!tpu.dma_semaphore, #tpu.memory_space<semaphore_mem>>) src(%arg14 : memref<64x128xf32, #tpu.memory_space<vmem>>) dst(%dma_wait3A_528 : memref<64x128xf32, #tpu.memory_space<hbm>>)
    %dma_start3A_529 = arith.constant 2048 : i32
    %dma_start3A_530 = tpu.memref_slice %arg5[%dma_start3A_529] : memref<2560xi32, #tpu.memory_space<vmem>> -> memref<64xi32, #tpu.memory_space<vmem>>
    %dma_start3A_531 = arith.constant 0 : i32
    %dma_start3A_532 = arith.constant 0 : i32
    %dma_start3A_533 = tpu.memref_slice %arg3[%dma_start3A_531, %dma_start3A_532] : memref<100000x128xf32, #tpu.memory_space<hbm>> -> memref<100000x128xf32, #tpu.memory_space<hbm>>
    tpu.enqueue_indirect_dma source(%dma_start3A_533 : memref<100000x128xf32, #tpu.memory_space<hbm>>) target(%arg14 : memref<64x128xf32, #tpu.memory_space<vmem>>) offsets(%dma_start3A_530 : memref<64xi32, #tpu.memory_space<vmem>>) semaphore(%arg26 : memref<!tpu.dma_semaphore, #tpu.memory_space<semaphore_mem>>)
    %dma_wait3A_534 = arith.constant 1408 : i32
    %dma_wait3A_535 = tpu.memref_slice %arg5[%dma_wait3A_534] : memref<2560xi32, #tpu.memory_space<vmem>> -> memref<64xi32, #tpu.memory_space<vmem>>
    %dma_wait3A_536 = arith.constant 0 : i32
    %dma_wait3A_537 = arith.constant 0 : i32
    %dma_wait3A_538 = tpu.memref_slice %arg3[%dma_wait3A_536, %dma_wait3A_537] : memref<100000x128xf32, #tpu.memory_space<hbm>> -> memref<100000x128xf32, #tpu.memory_space<hbm>>
    tpu.wait_indirect_dma semaphore(%arg28 : memref<!tpu.dma_semaphore, #tpu.memory_space<semaphore_mem>>) src(%dma_wait3A_538 : memref<100000x128xf32, #tpu.memory_space<hbm>>) dst(%arg16 : memref<64x128xf32, #tpu.memory_space<vmem>>)
    %add3A_539 = arith.constant 1408 : i32
    %add3A_540 = arith.addi %mul3A_2, %add3A_539 : i32
    %dma_start3A_541 = arith.constant 0 : i32
    %dma_start3A_542 = tpu.memref_slice %arg4[%add3A_540, %dma_start3A_541] : memref<81920x128xf32, #tpu.memory_space<hbm>> -> memref<64x128xf32, #tpu.memory_space<hbm>>
    %dma_start3A_543 = arith.constant 0 : i32
    %dma_start3A_544 = tpu.memref_slice %arg4[%add3A_540, %dma_start3A_543] : memref<81920x128xf32, #tpu.memory_space<hbm>> -> memref<64x128xf32, #tpu.memory_space<hbm>>
    tpu.enqueue_dma source(%arg16 : memref<64x128xf32, #tpu.memory_space<vmem>>) target(%dma_start3A_544 : memref<64x128xf32, #tpu.memory_space<hbm>>) target_semaphore(%arg40 : memref<!tpu.dma_semaphore, #tpu.memory_space<semaphore_mem>>)
    %add3A_545 = arith.constant 1344 : i32
    %add3A_546 = arith.addi %mul3A_2, %add3A_545 : i32
    %dma_wait3A_547 = arith.constant 0 : i32
    %dma_wait3A_548 = tpu.memref_slice %arg4[%add3A_546, %dma_wait3A_547] : memref<81920x128xf32, #tpu.memory_space<hbm>> -> memref<64x128xf32, #tpu.memory_space<hbm>>
    %dma_wait3A_549 = arith.constant 0 : i32
    %dma_wait3A_550 = tpu.memref_slice %arg4[%add3A_546, %dma_wait3A_549] : memref<81920x128xf32, #tpu.memory_space<hbm>> -> memref<64x128xf32, #tpu.memory_space<hbm>>
    tpu.wait_dma2 semaphore(%arg39 : memref<!tpu.dma_semaphore, #tpu.memory_space<semaphore_mem>>) src(%arg15 : memref<64x128xf32, #tpu.memory_space<vmem>>) dst(%dma_wait3A_550 : memref<64x128xf32, #tpu.memory_space<hbm>>)
    %dma_start3A_551 = arith.constant 2112 : i32
    %dma_start3A_552 = tpu.memref_slice %arg5[%dma_start3A_551] : memref<2560xi32, #tpu.memory_space<vmem>> -> memref<64xi32, #tpu.memory_space<vmem>>
    %dma_start3A_553 = arith.constant 0 : i32
    %dma_start3A_554 = arith.constant 0 : i32
    %dma_start3A_555 = tpu.memref_slice %arg3[%dma_start3A_553, %dma_start3A_554] : memref<100000x128xf32, #tpu.memory_space<hbm>> -> memref<100000x128xf32, #tpu.memory_space<hbm>>
    tpu.enqueue_indirect_dma source(%dma_start3A_555 : memref<100000x128xf32, #tpu.memory_space<hbm>>) target(%arg15 : memref<64x128xf32, #tpu.memory_space<vmem>>) offsets(%dma_start3A_552 : memref<64xi32, #tpu.memory_space<vmem>>) semaphore(%arg27 : memref<!tpu.dma_semaphore, #tpu.memory_space<semaphore_mem>>)
    %dma_wait3A_556 = arith.constant 1472 : i32
    %dma_wait3A_557 = tpu.memref_slice %arg5[%dma_wait3A_556] : memref<2560xi32, #tpu.memory_space<vmem>> -> memref<64xi32, #tpu.memory_space<vmem>>
    %dma_wait3A_558 = arith.constant 0 : i32
    %dma_wait3A_559 = arith.constant 0 : i32
    %dma_wait3A_560 = tpu.memref_slice %arg3[%dma_wait3A_558, %dma_wait3A_559] : memref<100000x128xf32, #tpu.memory_space<hbm>> -> memref<100000x128xf32, #tpu.memory_space<hbm>>
    tpu.wait_indirect_dma semaphore(%arg29 : memref<!tpu.dma_semaphore, #tpu.memory_space<semaphore_mem>>) src(%dma_wait3A_560 : memref<100000x128xf32, #tpu.memory_space<hbm>>) dst(%arg17 : memref<64x128xf32, #tpu.memory_space<vmem>>)
    %add3A_561 = arith.constant 1472 : i32
    %add3A_562 = arith.addi %mul3A_2, %add3A_561 : i32
    %dma_start3A_563 = arith.constant 0 : i32
    %dma_start3A_564 = tpu.memref_slice %arg4[%add3A_562, %dma_start3A_563] : memref<81920x128xf32, #tpu.memory_space<hbm>> -> memref<64x128xf32, #tpu.memory_space<hbm>>
    %dma_start3A_565 = arith.constant 0 : i32
    %dma_start3A_566 = tpu.memref_slice %arg4[%add3A_562, %dma_start3A_565] : memref<81920x128xf32, #tpu.memory_space<hbm>> -> memref<64x128xf32, #tpu.memory_space<hbm>>
    tpu.enqueue_dma source(%arg17 : memref<64x128xf32, #tpu.memory_space<vmem>>) target(%dma_start3A_566 : memref<64x128xf32, #tpu.memory_space<hbm>>) target_semaphore(%arg41 : memref<!tpu.dma_semaphore, #tpu.memory_space<semaphore_mem>>)
    %add3A_567 = arith.constant 1408 : i32
    %add3A_568 = arith.addi %mul3A_2, %add3A_567 : i32
    %dma_wait3A_569 = arith.constant 0 : i32
    %dma_wait3A_570 = tpu.memref_slice %arg4[%add3A_568, %dma_wait3A_569] : memref<81920x128xf32, #tpu.memory_space<hbm>> -> memref<64x128xf32, #tpu.memory_space<hbm>>
    %dma_wait3A_571 = arith.constant 0 : i32
    %dma_wait3A_572 = tpu.memref_slice %arg4[%add3A_568, %dma_wait3A_571] : memref<81920x128xf32, #tpu.memory_space<hbm>> -> memref<64x128xf32, #tpu.memory_space<hbm>>
    tpu.wait_dma2 semaphore(%arg40 : memref<!tpu.dma_semaphore, #tpu.memory_space<semaphore_mem>>) src(%arg16 : memref<64x128xf32, #tpu.memory_space<vmem>>) dst(%dma_wait3A_572 : memref<64x128xf32, #tpu.memory_space<hbm>>)
    %dma_start3A_573 = arith.constant 2176 : i32
    %dma_start3A_574 = tpu.memref_slice %arg5[%dma_start3A_573] : memref<2560xi32, #tpu.memory_space<vmem>> -> memref<64xi32, #tpu.memory_space<vmem>>
    %dma_start3A_575 = arith.constant 0 : i32
    %dma_start3A_576 = arith.constant 0 : i32
    %dma_start3A_577 = tpu.memref_slice %arg3[%dma_start3A_575, %dma_start3A_576] : memref<100000x128xf32, #tpu.memory_space<hbm>> -> memref<100000x128xf32, #tpu.memory_space<hbm>>
    tpu.enqueue_indirect_dma source(%dma_start3A_577 : memref<100000x128xf32, #tpu.memory_space<hbm>>) target(%arg16 : memref<64x128xf32, #tpu.memory_space<vmem>>) offsets(%dma_start3A_574 : memref<64xi32, #tpu.memory_space<vmem>>) semaphore(%arg28 : memref<!tpu.dma_semaphore, #tpu.memory_space<semaphore_mem>>)
    %dma_wait3A_578 = arith.constant 1536 : i32
    %dma_wait3A_579 = tpu.memref_slice %arg5[%dma_wait3A_578] : memref<2560xi32, #tpu.memory_space<vmem>> -> memref<64xi32, #tpu.memory_space<vmem>>
    %dma_wait3A_580 = arith.constant 0 : i32
    %dma_wait3A_581 = arith.constant 0 : i32
    %dma_wait3A_582 = tpu.memref_slice %arg3[%dma_wait3A_580, %dma_wait3A_581] : memref<100000x128xf32, #tpu.memory_space<hbm>> -> memref<100000x128xf32, #tpu.memory_space<hbm>>
    tpu.wait_indirect_dma semaphore(%arg18 : memref<!tpu.dma_semaphore, #tpu.memory_space<semaphore_mem>>) src(%dma_wait3A_582 : memref<100000x128xf32, #tpu.memory_space<hbm>>) dst(%arg6 : memref<64x128xf32, #tpu.memory_space<vmem>>)
    %add3A_583 = arith.constant 1536 : i32
    %add3A_584 = arith.addi %mul3A_2, %add3A_583 : i32
    %dma_start3A_585 = arith.constant 0 : i32
    %dma_start3A_586 = tpu.memref_slice %arg4[%add3A_584, %dma_start3A_585] : memref<81920x128xf32, #tpu.memory_space<hbm>> -> memref<64x128xf32, #tpu.memory_space<hbm>>
    %dma_start3A_587 = arith.constant 0 : i32
    %dma_start3A_588 = tpu.memref_slice %arg4[%add3A_584, %dma_start3A_587] : memref<81920x128xf32, #tpu.memory_space<hbm>> -> memref<64x128xf32, #tpu.memory_space<hbm>>
    tpu.enqueue_dma source(%arg6 : memref<64x128xf32, #tpu.memory_space<vmem>>) target(%dma_start3A_588 : memref<64x128xf32, #tpu.memory_space<hbm>>) target_semaphore(%arg30 : memref<!tpu.dma_semaphore, #tpu.memory_space<semaphore_mem>>)
    %add3A_589 = arith.constant 1472 : i32
    %add3A_590 = arith.addi %mul3A_2, %add3A_589 : i32
    %dma_wait3A_591 = arith.constant 0 : i32
    %dma_wait3A_592 = tpu.memref_slice %arg4[%add3A_590, %dma_wait3A_591] : memref<81920x128xf32, #tpu.memory_space<hbm>> -> memref<64x128xf32, #tpu.memory_space<hbm>>
    %dma_wait3A_593 = arith.constant 0 : i32
    %dma_wait3A_594 = tpu.memref_slice %arg4[%add3A_590, %dma_wait3A_593] : memref<81920x128xf32, #tpu.memory_space<hbm>> -> memref<64x128xf32, #tpu.memory_space<hbm>>
    tpu.wait_dma2 semaphore(%arg41 : memref<!tpu.dma_semaphore, #tpu.memory_space<semaphore_mem>>) src(%arg17 : memref<64x128xf32, #tpu.memory_space<vmem>>) dst(%dma_wait3A_594 : memref<64x128xf32, #tpu.memory_space<hbm>>)
    %dma_start3A_595 = arith.constant 2240 : i32
    %dma_start3A_596 = tpu.memref_slice %arg5[%dma_start3A_595] : memref<2560xi32, #tpu.memory_space<vmem>> -> memref<64xi32, #tpu.memory_space<vmem>>
    %dma_start3A_597 = arith.constant 0 : i32
    %dma_start3A_598 = arith.constant 0 : i32
    %dma_start3A_599 = tpu.memref_slice %arg3[%dma_start3A_597, %dma_start3A_598] : memref<100000x128xf32, #tpu.memory_space<hbm>> -> memref<100000x128xf32, #tpu.memory_space<hbm>>
    tpu.enqueue_indirect_dma source(%dma_start3A_599 : memref<100000x128xf32, #tpu.memory_space<hbm>>) target(%arg17 : memref<64x128xf32, #tpu.memory_space<vmem>>) offsets(%dma_start3A_596 : memref<64xi32, #tpu.memory_space<vmem>>) semaphore(%arg29 : memref<!tpu.dma_semaphore, #tpu.memory_space<semaphore_mem>>)
    %dma_wait3A_600 = arith.constant 1600 : i32
    %dma_wait3A_601 = tpu.memref_slice %arg5[%dma_wait3A_600] : memref<2560xi32, #tpu.memory_space<vmem>> -> memref<64xi32, #tpu.memory_space<vmem>>
    %dma_wait3A_602 = arith.constant 0 : i32
    %dma_wait3A_603 = arith.constant 0 : i32
    %dma_wait3A_604 = tpu.memref_slice %arg3[%dma_wait3A_602, %dma_wait3A_603] : memref<100000x128xf32, #tpu.memory_space<hbm>> -> memref<100000x128xf32, #tpu.memory_space<hbm>>
    tpu.wait_indirect_dma semaphore(%arg19 : memref<!tpu.dma_semaphore, #tpu.memory_space<semaphore_mem>>) src(%dma_wait3A_604 : memref<100000x128xf32, #tpu.memory_space<hbm>>) dst(%arg7 : memref<64x128xf32, #tpu.memory_space<vmem>>)
    %add3A_605 = arith.constant 1600 : i32
    %add3A_606 = arith.addi %mul3A_2, %add3A_605 : i32
    %dma_start3A_607 = arith.constant 0 : i32
    %dma_start3A_608 = tpu.memref_slice %arg4[%add3A_606, %dma_start3A_607] : memref<81920x128xf32, #tpu.memory_space<hbm>> -> memref<64x128xf32, #tpu.memory_space<hbm>>
    %dma_start3A_609 = arith.constant 0 : i32
    %dma_start3A_610 = tpu.memref_slice %arg4[%add3A_606, %dma_start3A_609] : memref<81920x128xf32, #tpu.memory_space<hbm>> -> memref<64x128xf32, #tpu.memory_space<hbm>>
    tpu.enqueue_dma source(%arg7 : memref<64x128xf32, #tpu.memory_space<vmem>>) target(%dma_start3A_610 : memref<64x128xf32, #tpu.memory_space<hbm>>) target_semaphore(%arg31 : memref<!tpu.dma_semaphore, #tpu.memory_space<semaphore_mem>>)
    %add3A_611 = arith.constant 1536 : i32
    %add3A_612 = arith.addi %mul3A_2, %add3A_611 : i32
    %dma_wait3A_613 = arith.constant 0 : i32
    %dma_wait3A_614 = tpu.memref_slice %arg4[%add3A_612, %dma_wait3A_613] : memref<81920x128xf32, #tpu.memory_space<hbm>> -> memref<64x128xf32, #tpu.memory_space<hbm>>
    %dma_wait3A_615 = arith.constant 0 : i32
    %dma_wait3A_616 = tpu.memref_slice %arg4[%add3A_612, %dma_wait3A_615] : memref<81920x128xf32, #tpu.memory_space<hbm>> -> memref<64x128xf32, #tpu.memory_space<hbm>>
    tpu.wait_dma2 semaphore(%arg30 : memref<!tpu.dma_semaphore, #tpu.memory_space<semaphore_mem>>) src(%arg6 : memref<64x128xf32, #tpu.memory_space<vmem>>) dst(%dma_wait3A_616 : memref<64x128xf32, #tpu.memory_space<hbm>>)
    %dma_start3A_617 = arith.constant 2304 : i32
    %dma_start3A_618 = tpu.memref_slice %arg5[%dma_start3A_617] : memref<2560xi32, #tpu.memory_space<vmem>> -> memref<64xi32, #tpu.memory_space<vmem>>
    %dma_start3A_619 = arith.constant 0 : i32
    %dma_start3A_620 = arith.constant 0 : i32
    %dma_start3A_621 = tpu.memref_slice %arg3[%dma_start3A_619, %dma_start3A_620] : memref<100000x128xf32, #tpu.memory_space<hbm>> -> memref<100000x128xf32, #tpu.memory_space<hbm>>
    tpu.enqueue_indirect_dma source(%dma_start3A_621 : memref<100000x128xf32, #tpu.memory_space<hbm>>) target(%arg6 : memref<64x128xf32, #tpu.memory_space<vmem>>) offsets(%dma_start3A_618 : memref<64xi32, #tpu.memory_space<vmem>>) semaphore(%arg18 : memref<!tpu.dma_semaphore, #tpu.memory_space<semaphore_mem>>)
    %dma_wait3A_622 = arith.constant 1664 : i32
    %dma_wait3A_623 = tpu.memref_slice %arg5[%dma_wait3A_622] : memref<2560xi32, #tpu.memory_space<vmem>> -> memref<64xi32, #tpu.memory_space<vmem>>
    %dma_wait3A_624 = arith.constant 0 : i32
    %dma_wait3A_625 = arith.constant 0 : i32
    %dma_wait3A_626 = tpu.memref_slice %arg3[%dma_wait3A_624, %dma_wait3A_625] : memref<100000x128xf32, #tpu.memory_space<hbm>> -> memref<100000x128xf32, #tpu.memory_space<hbm>>
    tpu.wait_indirect_dma semaphore(%arg20 : memref<!tpu.dma_semaphore, #tpu.memory_space<semaphore_mem>>) src(%dma_wait3A_626 : memref<100000x128xf32, #tpu.memory_space<hbm>>) dst(%arg8 : memref<64x128xf32, #tpu.memory_space<vmem>>)
    %add3A_627 = arith.constant 1664 : i32
    %add3A_628 = arith.addi %mul3A_2, %add3A_627 : i32
    %dma_start3A_629 = arith.constant 0 : i32
    %dma_start3A_630 = tpu.memref_slice %arg4[%add3A_628, %dma_start3A_629] : memref<81920x128xf32, #tpu.memory_space<hbm>> -> memref<64x128xf32, #tpu.memory_space<hbm>>
    %dma_start3A_631 = arith.constant 0 : i32
    %dma_start3A_632 = tpu.memref_slice %arg4[%add3A_628, %dma_start3A_631] : memref<81920x128xf32, #tpu.memory_space<hbm>> -> memref<64x128xf32, #tpu.memory_space<hbm>>
    tpu.enqueue_dma source(%arg8 : memref<64x128xf32, #tpu.memory_space<vmem>>) target(%dma_start3A_632 : memref<64x128xf32, #tpu.memory_space<hbm>>) target_semaphore(%arg32 : memref<!tpu.dma_semaphore, #tpu.memory_space<semaphore_mem>>)
    %add3A_633 = arith.constant 1600 : i32
    %add3A_634 = arith.addi %mul3A_2, %add3A_633 : i32
    %dma_wait3A_635 = arith.constant 0 : i32
    %dma_wait3A_636 = tpu.memref_slice %arg4[%add3A_634, %dma_wait3A_635] : memref<81920x128xf32, #tpu.memory_space<hbm>> -> memref<64x128xf32, #tpu.memory_space<hbm>>
    %dma_wait3A_637 = arith.constant 0 : i32
    %dma_wait3A_638 = tpu.memref_slice %arg4[%add3A_634, %dma_wait3A_637] : memref<81920x128xf32, #tpu.memory_space<hbm>> -> memref<64x128xf32, #tpu.memory_space<hbm>>
    tpu.wait_dma2 semaphore(%arg31 : memref<!tpu.dma_semaphore, #tpu.memory_space<semaphore_mem>>) src(%arg7 : memref<64x128xf32, #tpu.memory_space<vmem>>) dst(%dma_wait3A_638 : memref<64x128xf32, #tpu.memory_space<hbm>>)
    %dma_start3A_639 = arith.constant 2368 : i32
    %dma_start3A_640 = tpu.memref_slice %arg5[%dma_start3A_639] : memref<2560xi32, #tpu.memory_space<vmem>> -> memref<64xi32, #tpu.memory_space<vmem>>
    %dma_start3A_641 = arith.constant 0 : i32
    %dma_start3A_642 = arith.constant 0 : i32
    %dma_start3A_643 = tpu.memref_slice %arg3[%dma_start3A_641, %dma_start3A_642] : memref<100000x128xf32, #tpu.memory_space<hbm>> -> memref<100000x128xf32, #tpu.memory_space<hbm>>
    tpu.enqueue_indirect_dma source(%dma_start3A_643 : memref<100000x128xf32, #tpu.memory_space<hbm>>) target(%arg7 : memref<64x128xf32, #tpu.memory_space<vmem>>) offsets(%dma_start3A_640 : memref<64xi32, #tpu.memory_space<vmem>>) semaphore(%arg19 : memref<!tpu.dma_semaphore, #tpu.memory_space<semaphore_mem>>)
    %dma_wait3A_644 = arith.constant 1728 : i32
    %dma_wait3A_645 = tpu.memref_slice %arg5[%dma_wait3A_644] : memref<2560xi32, #tpu.memory_space<vmem>> -> memref<64xi32, #tpu.memory_space<vmem>>
    %dma_wait3A_646 = arith.constant 0 : i32
    %dma_wait3A_647 = arith.constant 0 : i32
    %dma_wait3A_648 = tpu.memref_slice %arg3[%dma_wait3A_646, %dma_wait3A_647] : memref<100000x128xf32, #tpu.memory_space<hbm>> -> memref<100000x128xf32, #tpu.memory_space<hbm>>
    tpu.wait_indirect_dma semaphore(%arg21 : memref<!tpu.dma_semaphore, #tpu.memory_space<semaphore_mem>>) src(%dma_wait3A_648 : memref<100000x128xf32, #tpu.memory_space<hbm>>) dst(%arg9 : memref<64x128xf32, #tpu.memory_space<vmem>>)
    %add3A_649 = arith.constant 1728 : i32
    %add3A_650 = arith.addi %mul3A_2, %add3A_649 : i32
    %dma_start3A_651 = arith.constant 0 : i32
    %dma_start3A_652 = tpu.memref_slice %arg4[%add3A_650, %dma_start3A_651] : memref<81920x128xf32, #tpu.memory_space<hbm>> -> memref<64x128xf32, #tpu.memory_space<hbm>>
    %dma_start3A_653 = arith.constant 0 : i32
    %dma_start3A_654 = tpu.memref_slice %arg4[%add3A_650, %dma_start3A_653] : memref<81920x128xf32, #tpu.memory_space<hbm>> -> memref<64x128xf32, #tpu.memory_space<hbm>>
    tpu.enqueue_dma source(%arg9 : memref<64x128xf32, #tpu.memory_space<vmem>>) target(%dma_start3A_654 : memref<64x128xf32, #tpu.memory_space<hbm>>) target_semaphore(%arg33 : memref<!tpu.dma_semaphore, #tpu.memory_space<semaphore_mem>>)
    %add3A_655 = arith.constant 1664 : i32
    %add3A_656 = arith.addi %mul3A_2, %add3A_655 : i32
    %dma_wait3A_657 = arith.constant 0 : i32
    %dma_wait3A_658 = tpu.memref_slice %arg4[%add3A_656, %dma_wait3A_657] : memref<81920x128xf32, #tpu.memory_space<hbm>> -> memref<64x128xf32, #tpu.memory_space<hbm>>
    %dma_wait3A_659 = arith.constant 0 : i32
    %dma_wait3A_660 = tpu.memref_slice %arg4[%add3A_656, %dma_wait3A_659] : memref<81920x128xf32, #tpu.memory_space<hbm>> -> memref<64x128xf32, #tpu.memory_space<hbm>>
    tpu.wait_dma2 semaphore(%arg32 : memref<!tpu.dma_semaphore, #tpu.memory_space<semaphore_mem>>) src(%arg8 : memref<64x128xf32, #tpu.memory_space<vmem>>) dst(%dma_wait3A_660 : memref<64x128xf32, #tpu.memory_space<hbm>>)
    %dma_start3A_661 = arith.constant 2432 : i32
    %dma_start3A_662 = tpu.memref_slice %arg5[%dma_start3A_661] : memref<2560xi32, #tpu.memory_space<vmem>> -> memref<64xi32, #tpu.memory_space<vmem>>
    %dma_start3A_663 = arith.constant 0 : i32
    %dma_start3A_664 = arith.constant 0 : i32
    %dma_start3A_665 = tpu.memref_slice %arg3[%dma_start3A_663, %dma_start3A_664] : memref<100000x128xf32, #tpu.memory_space<hbm>> -> memref<100000x128xf32, #tpu.memory_space<hbm>>
    tpu.enqueue_indirect_dma source(%dma_start3A_665 : memref<100000x128xf32, #tpu.memory_space<hbm>>) target(%arg8 : memref<64x128xf32, #tpu.memory_space<vmem>>) offsets(%dma_start3A_662 : memref<64xi32, #tpu.memory_space<vmem>>) semaphore(%arg20 : memref<!tpu.dma_semaphore, #tpu.memory_space<semaphore_mem>>)
    %dma_wait3A_666 = arith.constant 1792 : i32
    %dma_wait3A_667 = tpu.memref_slice %arg5[%dma_wait3A_666] : memref<2560xi32, #tpu.memory_space<vmem>> -> memref<64xi32, #tpu.memory_space<vmem>>
    %dma_wait3A_668 = arith.constant 0 : i32
    %dma_wait3A_669 = arith.constant 0 : i32
    %dma_wait3A_670 = tpu.memref_slice %arg3[%dma_wait3A_668, %dma_wait3A_669] : memref<100000x128xf32, #tpu.memory_space<hbm>> -> memref<100000x128xf32, #tpu.memory_space<hbm>>
    tpu.wait_indirect_dma semaphore(%arg22 : memref<!tpu.dma_semaphore, #tpu.memory_space<semaphore_mem>>) src(%dma_wait3A_670 : memref<100000x128xf32, #tpu.memory_space<hbm>>) dst(%arg10 : memref<64x128xf32, #tpu.memory_space<vmem>>)
    %add3A_671 = arith.constant 1792 : i32
    %add3A_672 = arith.addi %mul3A_2, %add3A_671 : i32
    %dma_start3A_673 = arith.constant 0 : i32
    %dma_start3A_674 = tpu.memref_slice %arg4[%add3A_672, %dma_start3A_673] : memref<81920x128xf32, #tpu.memory_space<hbm>> -> memref<64x128xf32, #tpu.memory_space<hbm>>
    %dma_start3A_675 = arith.constant 0 : i32
    %dma_start3A_676 = tpu.memref_slice %arg4[%add3A_672, %dma_start3A_675] : memref<81920x128xf32, #tpu.memory_space<hbm>> -> memref<64x128xf32, #tpu.memory_space<hbm>>
    tpu.enqueue_dma source(%arg10 : memref<64x128xf32, #tpu.memory_space<vmem>>) target(%dma_start3A_676 : memref<64x128xf32, #tpu.memory_space<hbm>>) target_semaphore(%arg34 : memref<!tpu.dma_semaphore, #tpu.memory_space<semaphore_mem>>)
    %add3A_677 = arith.constant 1728 : i32
    %add3A_678 = arith.addi %mul3A_2, %add3A_677 : i32
    %dma_wait3A_679 = arith.constant 0 : i32
    %dma_wait3A_680 = tpu.memref_slice %arg4[%add3A_678, %dma_wait3A_679] : memref<81920x128xf32, #tpu.memory_space<hbm>> -> memref<64x128xf32, #tpu.memory_space<hbm>>
    %dma_wait3A_681 = arith.constant 0 : i32
    %dma_wait3A_682 = tpu.memref_slice %arg4[%add3A_678, %dma_wait3A_681] : memref<81920x128xf32, #tpu.memory_space<hbm>> -> memref<64x128xf32, #tpu.memory_space<hbm>>
    tpu.wait_dma2 semaphore(%arg33 : memref<!tpu.dma_semaphore, #tpu.memory_space<semaphore_mem>>) src(%arg9 : memref<64x128xf32, #tpu.memory_space<vmem>>) dst(%dma_wait3A_682 : memref<64x128xf32, #tpu.memory_space<hbm>>)
    %dma_start3A_683 = arith.constant 2496 : i32
    %dma_start3A_684 = tpu.memref_slice %arg5[%dma_start3A_683] : memref<2560xi32, #tpu.memory_space<vmem>> -> memref<64xi32, #tpu.memory_space<vmem>>
    %dma_start3A_685 = arith.constant 0 : i32
    %dma_start3A_686 = arith.constant 0 : i32
    %dma_start3A_687 = tpu.memref_slice %arg3[%dma_start3A_685, %dma_start3A_686] : memref<100000x128xf32, #tpu.memory_space<hbm>> -> memref<100000x128xf32, #tpu.memory_space<hbm>>
    tpu.enqueue_indirect_dma source(%dma_start3A_687 : memref<100000x128xf32, #tpu.memory_space<hbm>>) target(%arg9 : memref<64x128xf32, #tpu.memory_space<vmem>>) offsets(%dma_start3A_684 : memref<64xi32, #tpu.memory_space<vmem>>) semaphore(%arg21 : memref<!tpu.dma_semaphore, #tpu.memory_space<semaphore_mem>>)
    %dma_wait3A_688 = arith.constant 1856 : i32
    %dma_wait3A_689 = tpu.memref_slice %arg5[%dma_wait3A_688] : memref<2560xi32, #tpu.memory_space<vmem>> -> memref<64xi32, #tpu.memory_space<vmem>>
    %dma_wait3A_690 = arith.constant 0 : i32
    %dma_wait3A_691 = arith.constant 0 : i32
    %dma_wait3A_692 = tpu.memref_slice %arg3[%dma_wait3A_690, %dma_wait3A_691] : memref<100000x128xf32, #tpu.memory_space<hbm>> -> memref<100000x128xf32, #tpu.memory_space<hbm>>
    tpu.wait_indirect_dma semaphore(%arg23 : memref<!tpu.dma_semaphore, #tpu.memory_space<semaphore_mem>>) src(%dma_wait3A_692 : memref<100000x128xf32, #tpu.memory_space<hbm>>) dst(%arg11 : memref<64x128xf32, #tpu.memory_space<vmem>>)
    %add3A_693 = arith.constant 1856 : i32
    %add3A_694 = arith.addi %mul3A_2, %add3A_693 : i32
    %dma_start3A_695 = arith.constant 0 : i32
    %dma_start3A_696 = tpu.memref_slice %arg4[%add3A_694, %dma_start3A_695] : memref<81920x128xf32, #tpu.memory_space<hbm>> -> memref<64x128xf32, #tpu.memory_space<hbm>>
    %dma_start3A_697 = arith.constant 0 : i32
    %dma_start3A_698 = tpu.memref_slice %arg4[%add3A_694, %dma_start3A_697] : memref<81920x128xf32, #tpu.memory_space<hbm>> -> memref<64x128xf32, #tpu.memory_space<hbm>>
    tpu.enqueue_dma source(%arg11 : memref<64x128xf32, #tpu.memory_space<vmem>>) target(%dma_start3A_698 : memref<64x128xf32, #tpu.memory_space<hbm>>) target_semaphore(%arg35 : memref<!tpu.dma_semaphore, #tpu.memory_space<semaphore_mem>>)
    %dma_wait3A_699 = arith.constant 1920 : i32
    %dma_wait3A_700 = tpu.memref_slice %arg5[%dma_wait3A_699] : memref<2560xi32, #tpu.memory_space<vmem>> -> memref<64xi32, #tpu.memory_space<vmem>>
    %dma_wait3A_701 = arith.constant 0 : i32
    %dma_wait3A_702 = arith.constant 0 : i32
    %dma_wait3A_703 = tpu.memref_slice %arg3[%dma_wait3A_701, %dma_wait3A_702] : memref<100000x128xf32, #tpu.memory_space<hbm>> -> memref<100000x128xf32, #tpu.memory_space<hbm>>
    tpu.wait_indirect_dma semaphore(%arg24 : memref<!tpu.dma_semaphore, #tpu.memory_space<semaphore_mem>>) src(%dma_wait3A_703 : memref<100000x128xf32, #tpu.memory_space<hbm>>) dst(%arg12 : memref<64x128xf32, #tpu.memory_space<vmem>>)
    %add3A_704 = arith.constant 1920 : i32
    %add3A_705 = arith.addi %mul3A_2, %add3A_704 : i32
    %dma_start3A_706 = arith.constant 0 : i32
    %dma_start3A_707 = tpu.memref_slice %arg4[%add3A_705, %dma_start3A_706] : memref<81920x128xf32, #tpu.memory_space<hbm>> -> memref<64x128xf32, #tpu.memory_space<hbm>>
    %dma_start3A_708 = arith.constant 0 : i32
    %dma_start3A_709 = tpu.memref_slice %arg4[%add3A_705, %dma_start3A_708] : memref<81920x128xf32, #tpu.memory_space<hbm>> -> memref<64x128xf32, #tpu.memory_space<hbm>>
    tpu.enqueue_dma source(%arg12 : memref<64x128xf32, #tpu.memory_space<vmem>>) target(%dma_start3A_709 : memref<64x128xf32, #tpu.memory_space<hbm>>) target_semaphore(%arg36 : memref<!tpu.dma_semaphore, #tpu.memory_space<semaphore_mem>>)
    %dma_wait3A_710 = arith.constant 1984 : i32
    %dma_wait3A_711 = tpu.memref_slice %arg5[%dma_wait3A_710] : memref<2560xi32, #tpu.memory_space<vmem>> -> memref<64xi32, #tpu.memory_space<vmem>>
    %dma_wait3A_712 = arith.constant 0 : i32
    %dma_wait3A_713 = arith.constant 0 : i32
    %dma_wait3A_714 = tpu.memref_slice %arg3[%dma_wait3A_712, %dma_wait3A_713] : memref<100000x128xf32, #tpu.memory_space<hbm>> -> memref<100000x128xf32, #tpu.memory_space<hbm>>
    tpu.wait_indirect_dma semaphore(%arg25 : memref<!tpu.dma_semaphore, #tpu.memory_space<semaphore_mem>>) src(%dma_wait3A_714 : memref<100000x128xf32, #tpu.memory_space<hbm>>) dst(%arg13 : memref<64x128xf32, #tpu.memory_space<vmem>>)
    %add3A_715 = arith.constant 1984 : i32
    %add3A_716 = arith.addi %mul3A_2, %add3A_715 : i32
    %dma_start3A_717 = arith.constant 0 : i32
    %dma_start3A_718 = tpu.memref_slice %arg4[%add3A_716, %dma_start3A_717] : memref<81920x128xf32, #tpu.memory_space<hbm>> -> memref<64x128xf32, #tpu.memory_space<hbm>>
    %dma_start3A_719 = arith.constant 0 : i32
    %dma_start3A_720 = tpu.memref_slice %arg4[%add3A_716, %dma_start3A_719] : memref<81920x128xf32, #tpu.memory_space<hbm>> -> memref<64x128xf32, #tpu.memory_space<hbm>>
    tpu.enqueue_dma source(%arg13 : memref<64x128xf32, #tpu.memory_space<vmem>>) target(%dma_start3A_720 : memref<64x128xf32, #tpu.memory_space<hbm>>) target_semaphore(%arg37 : memref<!tpu.dma_semaphore, #tpu.memory_space<semaphore_mem>>)
    %dma_wait3A_721 = arith.constant 2048 : i32
    %dma_wait3A_722 = tpu.memref_slice %arg5[%dma_wait3A_721] : memref<2560xi32, #tpu.memory_space<vmem>> -> memref<64xi32, #tpu.memory_space<vmem>>
    %dma_wait3A_723 = arith.constant 0 : i32
    %dma_wait3A_724 = arith.constant 0 : i32
    %dma_wait3A_725 = tpu.memref_slice %arg3[%dma_wait3A_723, %dma_wait3A_724] : memref<100000x128xf32, #tpu.memory_space<hbm>> -> memref<100000x128xf32, #tpu.memory_space<hbm>>
    tpu.wait_indirect_dma semaphore(%arg26 : memref<!tpu.dma_semaphore, #tpu.memory_space<semaphore_mem>>) src(%dma_wait3A_725 : memref<100000x128xf32, #tpu.memory_space<hbm>>) dst(%arg14 : memref<64x128xf32, #tpu.memory_space<vmem>>)
    %add3A_726 = arith.constant 2048 : i32
    %add3A_727 = arith.addi %mul3A_2, %add3A_726 : i32
    %dma_start3A_728 = arith.constant 0 : i32
    %dma_start3A_729 = tpu.memref_slice %arg4[%add3A_727, %dma_start3A_728] : memref<81920x128xf32, #tpu.memory_space<hbm>> -> memref<64x128xf32, #tpu.memory_space<hbm>>
    %dma_start3A_730 = arith.constant 0 : i32
    %dma_start3A_731 = tpu.memref_slice %arg4[%add3A_727, %dma_start3A_730] : memref<81920x128xf32, #tpu.memory_space<hbm>> -> memref<64x128xf32, #tpu.memory_space<hbm>>
    tpu.enqueue_dma source(%arg14 : memref<64x128xf32, #tpu.memory_space<vmem>>) target(%dma_start3A_731 : memref<64x128xf32, #tpu.memory_space<hbm>>) target_semaphore(%arg38 : memref<!tpu.dma_semaphore, #tpu.memory_space<semaphore_mem>>)
    %dma_wait3A_732 = arith.constant 2112 : i32
    %dma_wait3A_733 = tpu.memref_slice %arg5[%dma_wait3A_732] : memref<2560xi32, #tpu.memory_space<vmem>> -> memref<64xi32, #tpu.memory_space<vmem>>
    %dma_wait3A_734 = arith.constant 0 : i32
    %dma_wait3A_735 = arith.constant 0 : i32
    %dma_wait3A_736 = tpu.memref_slice %arg3[%dma_wait3A_734, %dma_wait3A_735] : memref<100000x128xf32, #tpu.memory_space<hbm>> -> memref<100000x128xf32, #tpu.memory_space<hbm>>
    tpu.wait_indirect_dma semaphore(%arg27 : memref<!tpu.dma_semaphore, #tpu.memory_space<semaphore_mem>>) src(%dma_wait3A_736 : memref<100000x128xf32, #tpu.memory_space<hbm>>) dst(%arg15 : memref<64x128xf32, #tpu.memory_space<vmem>>)
    %add3A_737 = arith.constant 2112 : i32
    %add3A_738 = arith.addi %mul3A_2, %add3A_737 : i32
    %dma_start3A_739 = arith.constant 0 : i32
    %dma_start3A_740 = tpu.memref_slice %arg4[%add3A_738, %dma_start3A_739] : memref<81920x128xf32, #tpu.memory_space<hbm>> -> memref<64x128xf32, #tpu.memory_space<hbm>>
    %dma_start3A_741 = arith.constant 0 : i32
    %dma_start3A_742 = tpu.memref_slice %arg4[%add3A_738, %dma_start3A_741] : memref<81920x128xf32, #tpu.memory_space<hbm>> -> memref<64x128xf32, #tpu.memory_space<hbm>>
    tpu.enqueue_dma source(%arg15 : memref<64x128xf32, #tpu.memory_space<vmem>>) target(%dma_start3A_742 : memref<64x128xf32, #tpu.memory_space<hbm>>) target_semaphore(%arg39 : memref<!tpu.dma_semaphore, #tpu.memory_space<semaphore_mem>>)
    %dma_wait3A_743 = arith.constant 2176 : i32
    %dma_wait3A_744 = tpu.memref_slice %arg5[%dma_wait3A_743] : memref<2560xi32, #tpu.memory_space<vmem>> -> memref<64xi32, #tpu.memory_space<vmem>>
    %dma_wait3A_745 = arith.constant 0 : i32
    %dma_wait3A_746 = arith.constant 0 : i32
    %dma_wait3A_747 = tpu.memref_slice %arg3[%dma_wait3A_745, %dma_wait3A_746] : memref<100000x128xf32, #tpu.memory_space<hbm>> -> memref<100000x128xf32, #tpu.memory_space<hbm>>
    tpu.wait_indirect_dma semaphore(%arg28 : memref<!tpu.dma_semaphore, #tpu.memory_space<semaphore_mem>>) src(%dma_wait3A_747 : memref<100000x128xf32, #tpu.memory_space<hbm>>) dst(%arg16 : memref<64x128xf32, #tpu.memory_space<vmem>>)
    %add3A_748 = arith.constant 2176 : i32
    %add3A_749 = arith.addi %mul3A_2, %add3A_748 : i32
    %dma_start3A_750 = arith.constant 0 : i32
    %dma_start3A_751 = tpu.memref_slice %arg4[%add3A_749, %dma_start3A_750] : memref<81920x128xf32, #tpu.memory_space<hbm>> -> memref<64x128xf32, #tpu.memory_space<hbm>>
    %dma_start3A_752 = arith.constant 0 : i32
    %dma_start3A_753 = tpu.memref_slice %arg4[%add3A_749, %dma_start3A_752] : memref<81920x128xf32, #tpu.memory_space<hbm>> -> memref<64x128xf32, #tpu.memory_space<hbm>>
    tpu.enqueue_dma source(%arg16 : memref<64x128xf32, #tpu.memory_space<vmem>>) target(%dma_start3A_753 : memref<64x128xf32, #tpu.memory_space<hbm>>) target_semaphore(%arg40 : memref<!tpu.dma_semaphore, #tpu.memory_space<semaphore_mem>>)
    %dma_wait3A_754 = arith.constant 2240 : i32
    %dma_wait3A_755 = tpu.memref_slice %arg5[%dma_wait3A_754] : memref<2560xi32, #tpu.memory_space<vmem>> -> memref<64xi32, #tpu.memory_space<vmem>>
    %dma_wait3A_756 = arith.constant 0 : i32
    %dma_wait3A_757 = arith.constant 0 : i32
    %dma_wait3A_758 = tpu.memref_slice %arg3[%dma_wait3A_756, %dma_wait3A_757] : memref<100000x128xf32, #tpu.memory_space<hbm>> -> memref<100000x128xf32, #tpu.memory_space<hbm>>
    tpu.wait_indirect_dma semaphore(%arg29 : memref<!tpu.dma_semaphore, #tpu.memory_space<semaphore_mem>>) src(%dma_wait3A_758 : memref<100000x128xf32, #tpu.memory_space<hbm>>) dst(%arg17 : memref<64x128xf32, #tpu.memory_space<vmem>>)
    %add3A_759 = arith.constant 2240 : i32
    %add3A_760 = arith.addi %mul3A_2, %add3A_759 : i32
    %dma_start3A_761 = arith.constant 0 : i32
    %dma_start3A_762 = tpu.memref_slice %arg4[%add3A_760, %dma_start3A_761] : memref<81920x128xf32, #tpu.memory_space<hbm>> -> memref<64x128xf32, #tpu.memory_space<hbm>>
    %dma_start3A_763 = arith.constant 0 : i32
    %dma_start3A_764 = tpu.memref_slice %arg4[%add3A_760, %dma_start3A_763] : memref<81920x128xf32, #tpu.memory_space<hbm>> -> memref<64x128xf32, #tpu.memory_space<hbm>>
    tpu.enqueue_dma source(%arg17 : memref<64x128xf32, #tpu.memory_space<vmem>>) target(%dma_start3A_764 : memref<64x128xf32, #tpu.memory_space<hbm>>) target_semaphore(%arg41 : memref<!tpu.dma_semaphore, #tpu.memory_space<semaphore_mem>>)
    %dma_wait3A_765 = arith.constant 2304 : i32
    %dma_wait3A_766 = tpu.memref_slice %arg5[%dma_wait3A_765] : memref<2560xi32, #tpu.memory_space<vmem>> -> memref<64xi32, #tpu.memory_space<vmem>>
    %dma_wait3A_767 = arith.constant 0 : i32
    %dma_wait3A_768 = arith.constant 0 : i32
    %dma_wait3A_769 = tpu.memref_slice %arg3[%dma_wait3A_767, %dma_wait3A_768] : memref<100000x128xf32, #tpu.memory_space<hbm>> -> memref<100000x128xf32, #tpu.memory_space<hbm>>
    tpu.wait_indirect_dma semaphore(%arg18 : memref<!tpu.dma_semaphore, #tpu.memory_space<semaphore_mem>>) src(%dma_wait3A_769 : memref<100000x128xf32, #tpu.memory_space<hbm>>) dst(%arg6 : memref<64x128xf32, #tpu.memory_space<vmem>>)
    %add3A_770 = arith.constant 2304 : i32
    %add3A_771 = arith.addi %mul3A_2, %add3A_770 : i32
    %dma_start3A_772 = arith.constant 0 : i32
    %dma_start3A_773 = tpu.memref_slice %arg4[%add3A_771, %dma_start3A_772] : memref<81920x128xf32, #tpu.memory_space<hbm>> -> memref<64x128xf32, #tpu.memory_space<hbm>>
    %dma_start3A_774 = arith.constant 0 : i32
    %dma_start3A_775 = tpu.memref_slice %arg4[%add3A_771, %dma_start3A_774] : memref<81920x128xf32, #tpu.memory_space<hbm>> -> memref<64x128xf32, #tpu.memory_space<hbm>>
    tpu.enqueue_dma source(%arg6 : memref<64x128xf32, #tpu.memory_space<vmem>>) target(%dma_start3A_775 : memref<64x128xf32, #tpu.memory_space<hbm>>) target_semaphore(%arg30 : memref<!tpu.dma_semaphore, #tpu.memory_space<semaphore_mem>>)
    %dma_wait3A_776 = arith.constant 2368 : i32
    %dma_wait3A_777 = tpu.memref_slice %arg5[%dma_wait3A_776] : memref<2560xi32, #tpu.memory_space<vmem>> -> memref<64xi32, #tpu.memory_space<vmem>>
    %dma_wait3A_778 = arith.constant 0 : i32
    %dma_wait3A_779 = arith.constant 0 : i32
    %dma_wait3A_780 = tpu.memref_slice %arg3[%dma_wait3A_778, %dma_wait3A_779] : memref<100000x128xf32, #tpu.memory_space<hbm>> -> memref<100000x128xf32, #tpu.memory_space<hbm>>
    tpu.wait_indirect_dma semaphore(%arg19 : memref<!tpu.dma_semaphore, #tpu.memory_space<semaphore_mem>>) src(%dma_wait3A_780 : memref<100000x128xf32, #tpu.memory_space<hbm>>) dst(%arg7 : memref<64x128xf32, #tpu.memory_space<vmem>>)
    %add3A_781 = arith.constant 2368 : i32
    %add3A_782 = arith.addi %mul3A_2, %add3A_781 : i32
    %dma_start3A_783 = arith.constant 0 : i32
    %dma_start3A_784 = tpu.memref_slice %arg4[%add3A_782, %dma_start3A_783] : memref<81920x128xf32, #tpu.memory_space<hbm>> -> memref<64x128xf32, #tpu.memory_space<hbm>>
    %dma_start3A_785 = arith.constant 0 : i32
    %dma_start3A_786 = tpu.memref_slice %arg4[%add3A_782, %dma_start3A_785] : memref<81920x128xf32, #tpu.memory_space<hbm>> -> memref<64x128xf32, #tpu.memory_space<hbm>>
    tpu.enqueue_dma source(%arg7 : memref<64x128xf32, #tpu.memory_space<vmem>>) target(%dma_start3A_786 : memref<64x128xf32, #tpu.memory_space<hbm>>) target_semaphore(%arg31 : memref<!tpu.dma_semaphore, #tpu.memory_space<semaphore_mem>>)
    %dma_wait3A_787 = arith.constant 2432 : i32
    %dma_wait3A_788 = tpu.memref_slice %arg5[%dma_wait3A_787] : memref<2560xi32, #tpu.memory_space<vmem>> -> memref<64xi32, #tpu.memory_space<vmem>>
    %dma_wait3A_789 = arith.constant 0 : i32
    %dma_wait3A_790 = arith.constant 0 : i32
    %dma_wait3A_791 = tpu.memref_slice %arg3[%dma_wait3A_789, %dma_wait3A_790] : memref<100000x128xf32, #tpu.memory_space<hbm>> -> memref<100000x128xf32, #tpu.memory_space<hbm>>
    tpu.wait_indirect_dma semaphore(%arg20 : memref<!tpu.dma_semaphore, #tpu.memory_space<semaphore_mem>>) src(%dma_wait3A_791 : memref<100000x128xf32, #tpu.memory_space<hbm>>) dst(%arg8 : memref<64x128xf32, #tpu.memory_space<vmem>>)
    %add3A_792 = arith.constant 2432 : i32
    %add3A_793 = arith.addi %mul3A_2, %add3A_792 : i32
    %dma_start3A_794 = arith.constant 0 : i32
    %dma_start3A_795 = tpu.memref_slice %arg4[%add3A_793, %dma_start3A_794] : memref<81920x128xf32, #tpu.memory_space<hbm>> -> memref<64x128xf32, #tpu.memory_space<hbm>>
    %dma_start3A_796 = arith.constant 0 : i32
    %dma_start3A_797 = tpu.memref_slice %arg4[%add3A_793, %dma_start3A_796] : memref<81920x128xf32, #tpu.memory_space<hbm>> -> memref<64x128xf32, #tpu.memory_space<hbm>>
    tpu.enqueue_dma source(%arg8 : memref<64x128xf32, #tpu.memory_space<vmem>>) target(%dma_start3A_797 : memref<64x128xf32, #tpu.memory_space<hbm>>) target_semaphore(%arg32 : memref<!tpu.dma_semaphore, #tpu.memory_space<semaphore_mem>>)
    %dma_wait3A_798 = arith.constant 2496 : i32
    %dma_wait3A_799 = tpu.memref_slice %arg5[%dma_wait3A_798] : memref<2560xi32, #tpu.memory_space<vmem>> -> memref<64xi32, #tpu.memory_space<vmem>>
    %dma_wait3A_800 = arith.constant 0 : i32
    %dma_wait3A_801 = arith.constant 0 : i32
    %dma_wait3A_802 = tpu.memref_slice %arg3[%dma_wait3A_800, %dma_wait3A_801] : memref<100000x128xf32, #tpu.memory_space<hbm>> -> memref<100000x128xf32, #tpu.memory_space<hbm>>
    tpu.wait_indirect_dma semaphore(%arg21 : memref<!tpu.dma_semaphore, #tpu.memory_space<semaphore_mem>>) src(%dma_wait3A_802 : memref<100000x128xf32, #tpu.memory_space<hbm>>) dst(%arg9 : memref<64x128xf32, #tpu.memory_space<vmem>>)
    %add3A_803 = arith.constant 2496 : i32
    %add3A_804 = arith.addi %mul3A_2, %add3A_803 : i32
    %dma_start3A_805 = arith.constant 0 : i32
    %dma_start3A_806 = tpu.memref_slice %arg4[%add3A_804, %dma_start3A_805] : memref<81920x128xf32, #tpu.memory_space<hbm>> -> memref<64x128xf32, #tpu.memory_space<hbm>>
    %dma_start3A_807 = arith.constant 0 : i32
    %dma_start3A_808 = tpu.memref_slice %arg4[%add3A_804, %dma_start3A_807] : memref<81920x128xf32, #tpu.memory_space<hbm>> -> memref<64x128xf32, #tpu.memory_space<hbm>>
    tpu.enqueue_dma source(%arg9 : memref<64x128xf32, #tpu.memory_space<vmem>>) target(%dma_start3A_808 : memref<64x128xf32, #tpu.memory_space<hbm>>) target_semaphore(%arg33 : memref<!tpu.dma_semaphore, #tpu.memory_space<semaphore_mem>>)
    %add3A_809 = arith.constant 1792 : i32
    %add3A_810 = arith.addi %mul3A_2, %add3A_809 : i32
    %dma_wait3A_811 = arith.constant 0 : i32
    %dma_wait3A_812 = tpu.memref_slice %arg4[%add3A_810, %dma_wait3A_811] : memref<81920x128xf32, #tpu.memory_space<hbm>> -> memref<64x128xf32, #tpu.memory_space<hbm>>
    %dma_wait3A_813 = arith.constant 0 : i32
    %dma_wait3A_814 = tpu.memref_slice %arg4[%add3A_810, %dma_wait3A_813] : memref<81920x128xf32, #tpu.memory_space<hbm>> -> memref<64x128xf32, #tpu.memory_space<hbm>>
    tpu.wait_dma2 semaphore(%arg34 : memref<!tpu.dma_semaphore, #tpu.memory_space<semaphore_mem>>) src(%arg10 : memref<64x128xf32, #tpu.memory_space<vmem>>) dst(%dma_wait3A_814 : memref<64x128xf32, #tpu.memory_space<hbm>>)
    %add3A_815 = arith.constant 1856 : i32
    %add3A_816 = arith.addi %mul3A_2, %add3A_815 : i32
    %dma_wait3A_817 = arith.constant 0 : i32
    %dma_wait3A_818 = tpu.memref_slice %arg4[%add3A_816, %dma_wait3A_817] : memref<81920x128xf32, #tpu.memory_space<hbm>> -> memref<64x128xf32, #tpu.memory_space<hbm>>
    %dma_wait3A_819 = arith.constant 0 : i32
    %dma_wait3A_820 = tpu.memref_slice %arg4[%add3A_816, %dma_wait3A_819] : memref<81920x128xf32, #tpu.memory_space<hbm>> -> memref<64x128xf32, #tpu.memory_space<hbm>>
    tpu.wait_dma2 semaphore(%arg35 : memref<!tpu.dma_semaphore, #tpu.memory_space<semaphore_mem>>) src(%arg11 : memref<64x128xf32, #tpu.memory_space<vmem>>) dst(%dma_wait3A_820 : memref<64x128xf32, #tpu.memory_space<hbm>>)
    %add3A_821 = arith.constant 1920 : i32
    %add3A_822 = arith.addi %mul3A_2, %add3A_821 : i32
    %dma_wait3A_823 = arith.constant 0 : i32
    %dma_wait3A_824 = tpu.memref_slice %arg4[%add3A_822, %dma_wait3A_823] : memref<81920x128xf32, #tpu.memory_space<hbm>> -> memref<64x128xf32, #tpu.memory_space<hbm>>
    %dma_wait3A_825 = arith.constant 0 : i32
    %dma_wait3A_826 = tpu.memref_slice %arg4[%add3A_822, %dma_wait3A_825] : memref<81920x128xf32, #tpu.memory_space<hbm>> -> memref<64x128xf32, #tpu.memory_space<hbm>>
    tpu.wait_dma2 semaphore(%arg36 : memref<!tpu.dma_semaphore, #tpu.memory_space<semaphore_mem>>) src(%arg12 : memref<64x128xf32, #tpu.memory_space<vmem>>) dst(%dma_wait3A_826 : memref<64x128xf32, #tpu.memory_space<hbm>>)
    %add3A_827 = arith.constant 1984 : i32
    %add3A_828 = arith.addi %mul3A_2, %add3A_827 : i32
    %dma_wait3A_829 = arith.constant 0 : i32
    %dma_wait3A_830 = tpu.memref_slice %arg4[%add3A_828, %dma_wait3A_829] : memref<81920x128xf32, #tpu.memory_space<hbm>> -> memref<64x128xf32, #tpu.memory_space<hbm>>
    %dma_wait3A_831 = arith.constant 0 : i32
    %dma_wait3A_832 = tpu.memref_slice %arg4[%add3A_828, %dma_wait3A_831] : memref<81920x128xf32, #tpu.memory_space<hbm>> -> memref<64x128xf32, #tpu.memory_space<hbm>>
    tpu.wait_dma2 semaphore(%arg37 : memref<!tpu.dma_semaphore, #tpu.memory_space<semaphore_mem>>) src(%arg13 : memref<64x128xf32, #tpu.memory_space<vmem>>) dst(%dma_wait3A_832 : memref<64x128xf32, #tpu.memory_space<hbm>>)
    %add3A_833 = arith.constant 2048 : i32
    %add3A_834 = arith.addi %mul3A_2, %add3A_833 : i32
    %dma_wait3A_835 = arith.constant 0 : i32
    %dma_wait3A_836 = tpu.memref_slice %arg4[%add3A_834, %dma_wait3A_835] : memref<81920x128xf32, #tpu.memory_space<hbm>> -> memref<64x128xf32, #tpu.memory_space<hbm>>
    %dma_wait3A_837 = arith.constant 0 : i32
    %dma_wait3A_838 = tpu.memref_slice %arg4[%add3A_834, %dma_wait3A_837] : memref<81920x128xf32, #tpu.memory_space<hbm>> -> memref<64x128xf32, #tpu.memory_space<hbm>>
    tpu.wait_dma2 semaphore(%arg38 : memref<!tpu.dma_semaphore, #tpu.memory_space<semaphore_mem>>) src(%arg14 : memref<64x128xf32, #tpu.memory_space<vmem>>) dst(%dma_wait3A_838 : memref<64x128xf32, #tpu.memory_space<hbm>>)
    %add3A_839 = arith.constant 2112 : i32
    %add3A_840 = arith.addi %mul3A_2, %add3A_839 : i32
    %dma_wait3A_841 = arith.constant 0 : i32
    %dma_wait3A_842 = tpu.memref_slice %arg4[%add3A_840, %dma_wait3A_841] : memref<81920x128xf32, #tpu.memory_space<hbm>> -> memref<64x128xf32, #tpu.memory_space<hbm>>
    %dma_wait3A_843 = arith.constant 0 : i32
    %dma_wait3A_844 = tpu.memref_slice %arg4[%add3A_840, %dma_wait3A_843] : memref<81920x128xf32, #tpu.memory_space<hbm>> -> memref<64x128xf32, #tpu.memory_space<hbm>>
    tpu.wait_dma2 semaphore(%arg39 : memref<!tpu.dma_semaphore, #tpu.memory_space<semaphore_mem>>) src(%arg15 : memref<64x128xf32, #tpu.memory_space<vmem>>) dst(%dma_wait3A_844 : memref<64x128xf32, #tpu.memory_space<hbm>>)
    %add3A_845 = arith.constant 2176 : i32
    %add3A_846 = arith.addi %mul3A_2, %add3A_845 : i32
    %dma_wait3A_847 = arith.constant 0 : i32
    %dma_wait3A_848 = tpu.memref_slice %arg4[%add3A_846, %dma_wait3A_847] : memref<81920x128xf32, #tpu.memory_space<hbm>> -> memref<64x128xf32, #tpu.memory_space<hbm>>
    %dma_wait3A_849 = arith.constant 0 : i32
    %dma_wait3A_850 = tpu.memref_slice %arg4[%add3A_846, %dma_wait3A_849] : memref<81920x128xf32, #tpu.memory_space<hbm>> -> memref<64x128xf32, #tpu.memory_space<hbm>>
    tpu.wait_dma2 semaphore(%arg40 : memref<!tpu.dma_semaphore, #tpu.memory_space<semaphore_mem>>) src(%arg16 : memref<64x128xf32, #tpu.memory_space<vmem>>) dst(%dma_wait3A_850 : memref<64x128xf32, #tpu.memory_space<hbm>>)
    %add3A_851 = arith.constant 2240 : i32
    %add3A_852 = arith.addi %mul3A_2, %add3A_851 : i32
    %dma_wait3A_853 = arith.constant 0 : i32
    %dma_wait3A_854 = tpu.memref_slice %arg4[%add3A_852, %dma_wait3A_853] : memref<81920x128xf32, #tpu.memory_space<hbm>> -> memref<64x128xf32, #tpu.memory_space<hbm>>
    %dma_wait3A_855 = arith.constant 0 : i32
    %dma_wait3A_856 = tpu.memref_slice %arg4[%add3A_852, %dma_wait3A_855] : memref<81920x128xf32, #tpu.memory_space<hbm>> -> memref<64x128xf32, #tpu.memory_space<hbm>>
    tpu.wait_dma2 semaphore(%arg41 : memref<!tpu.dma_semaphore, #tpu.memory_space<semaphore_mem>>) src(%arg17 : memref<64x128xf32, #tpu.memory_space<vmem>>) dst(%dma_wait3A_856 : memref<64x128xf32, #tpu.memory_space<hbm>>)
    %add3A_857 = arith.constant 2304 : i32
    %add3A_858 = arith.addi %mul3A_2, %add3A_857 : i32
    %dma_wait3A_859 = arith.constant 0 : i32
    %dma_wait3A_860 = tpu.memref_slice %arg4[%add3A_858, %dma_wait3A_859] : memref<81920x128xf32, #tpu.memory_space<hbm>> -> memref<64x128xf32, #tpu.memory_space<hbm>>
    %dma_wait3A_861 = arith.constant 0 : i32
    %dma_wait3A_862 = tpu.memref_slice %arg4[%add3A_858, %dma_wait3A_861] : memref<81920x128xf32, #tpu.memory_space<hbm>> -> memref<64x128xf32, #tpu.memory_space<hbm>>
    tpu.wait_dma2 semaphore(%arg30 : memref<!tpu.dma_semaphore, #tpu.memory_space<semaphore_mem>>) src(%arg6 : memref<64x128xf32, #tpu.memory_space<vmem>>) dst(%dma_wait3A_862 : memref<64x128xf32, #tpu.memory_space<hbm>>)
    %add3A_863 = arith.constant 2368 : i32
    %add3A_864 = arith.addi %mul3A_2, %add3A_863 : i32
    %dma_wait3A_865 = arith.constant 0 : i32
    %dma_wait3A_866 = tpu.memref_slice %arg4[%add3A_864, %dma_wait3A_865] : memref<81920x128xf32, #tpu.memory_space<hbm>> -> memref<64x128xf32, #tpu.memory_space<hbm>>
    %dma_wait3A_867 = arith.constant 0 : i32
    %dma_wait3A_868 = tpu.memref_slice %arg4[%add3A_864, %dma_wait3A_867] : memref<81920x128xf32, #tpu.memory_space<hbm>> -> memref<64x128xf32, #tpu.memory_space<hbm>>
    tpu.wait_dma2 semaphore(%arg31 : memref<!tpu.dma_semaphore, #tpu.memory_space<semaphore_mem>>) src(%arg7 : memref<64x128xf32, #tpu.memory_space<vmem>>) dst(%dma_wait3A_868 : memref<64x128xf32, #tpu.memory_space<hbm>>)
    %add3A_869 = arith.constant 2432 : i32
    %add3A_870 = arith.addi %mul3A_2, %add3A_869 : i32
    %dma_wait3A_871 = arith.constant 0 : i32
    %dma_wait3A_872 = tpu.memref_slice %arg4[%add3A_870, %dma_wait3A_871] : memref<81920x128xf32, #tpu.memory_space<hbm>> -> memref<64x128xf32, #tpu.memory_space<hbm>>
    %dma_wait3A_873 = arith.constant 0 : i32
    %dma_wait3A_874 = tpu.memref_slice %arg4[%add3A_870, %dma_wait3A_873] : memref<81920x128xf32, #tpu.memory_space<hbm>> -> memref<64x128xf32, #tpu.memory_space<hbm>>
    tpu.wait_dma2 semaphore(%arg32 : memref<!tpu.dma_semaphore, #tpu.memory_space<semaphore_mem>>) src(%arg8 : memref<64x128xf32, #tpu.memory_space<vmem>>) dst(%dma_wait3A_874 : memref<64x128xf32, #tpu.memory_space<hbm>>)
    %add3A_875 = arith.constant 2496 : i32
    %add3A_876 = arith.addi %mul3A_2, %add3A_875 : i32
    %dma_wait3A_877 = arith.constant 0 : i32
    %dma_wait3A_878 = tpu.memref_slice %arg4[%add3A_876, %dma_wait3A_877] : memref<81920x128xf32, #tpu.memory_space<hbm>> -> memref<64x128xf32, #tpu.memory_space<hbm>>
    %dma_wait3A_879 = arith.constant 0 : i32
    %dma_wait3A_880 = tpu.memref_slice %arg4[%add3A_876, %dma_wait3A_879] : memref<81920x128xf32, #tpu.memory_space<hbm>> -> memref<64x128xf32, #tpu.memory_space<hbm>>
    tpu.wait_dma2 semaphore(%arg33 : memref<!tpu.dma_semaphore, #tpu.memory_space<semaphore_mem>>) src(%arg9 : memref<64x128xf32, #tpu.memory_space<vmem>>) dst(%dma_wait3A_880 : memref<64x128xf32, #tpu.memory_space<hbm>>)
    return
  }
}

</mosaic_0001>

<sc_bundles>
// kernel: kernel.3.cloned.1.call-start
scs
__scs_entry_jumppad:
0x0: {  	(pc) =	sbr.rel $0x88, $3  }
0x1: {  	(tag) =	ssettag $0x0;
	lr =	simm.s32 $0x1  }
0x2: {  	[smem:$0x3F9F] =	sst lr;
	_ =	strace $0xD0000000  }
0x3: {  	_ = 	snop  }
0x4: {  	_ = 	snop  }
0x5: {  	_ = 	snop  }
0x6: {  	_ = 	snop  }
0x7: {  	_ = 	snop  }
__scs_overlays_trampoline_lowered:
0x8: {  	[smem:$0x3FAE] =	sst s0  }
0x9: {  	[smem:$0x3FAF] =	sst s1  }
0xa: {  	[smem:$0x3FB0] =	sst s2  }
0xb: {  	[smem:$0x3FB1] =	sst s3  }
0xc: {  	[smem:$0x3FB2] =	sst s4  }
0xd: {  	[smem:$0x3FB3] =	sst s5  }
0xe: {  	[smem:$0x3FB4] =	sst s6  }
0xf: {  	[smem:$0x3FB5] =	sst s7  }
0x10: {  	[smem:$0x3FB6] =	sst s8  }
0x11: {  	[smem:$0x3FB7] =	sst s9;
	s0 =	simm.s32 @!p0 $0x0  }
0x12: {  	s1 =	sld [smem:$0x3F9D];
	s0 =	simm.s32 @p0 $0x1  }
0x13: {  	[smem:$0x3FB8] =	sst s0;
	s0 =	simm.s32 @!p1 $0x0  }
0x14: {  	s2 =	sld [smem:$0x3F9C];
	s0 =	simm.s32 @p1 $0x1  }
0x15: {  	[smem:$0x3FB9] =	sst s0;
	s0 =	simm.s32 @!p2 $0x0  }
0x16: {  	s3 =	sld [smem:$0x3FDB];
	s0 =	simm.s32 @p2 $0x1  }
0x17: {  	s4 =	simm.s32 $0x1BF5;
	[smem:$0x3FBB] =	sst s0  }
0x18: {  	s0 =	sld [smem:$0x3F9E];
	_ =	swait.ge [sflag:s4], $0x0  }
0x19: {  	s7 =	sld [smem:$0x3F9F]  }
0x1a: {  	s8 =	sadd.s32 $0xFFFFE003, lr  }
0x1b: {  	s9 =	sadd.s32 $0xFFFFFEF7, lr;
	s5 =	simm.s32 $0xFFFFFFFF;
	p2 =	slt.u32 s8, $0xFFFFF086  }
0x1c: {  	p1 =	slt.u32 s9, $0xF7A;
	s5 =	simm.s32 @!p2 $0x0  }
0x1d: {  	s5 =	simm.s32 @p1 $0x1;
	p0 =	seq.s32 s7, s2  }
0x1e: {  	s7 =	smul.u32 @!p0 $0xF7A, s2;
	p2 =	seq.s32 @!p0 s5, $0x0  }
0x1f: {  	s9 =	smul.u32 $0xF7A, s1;
	s8 =	simm.s32 @!p0 $0x1BF5;
	p2 =	por !p2, p0  }
0x20: {  	[sflag:s8] =	ssyncset.s32 @!p0 $0xFFFFF086;
	s6 =	sadd.s32 @!p0 s3, s7;
	s7 =	simm.s32 @!p0 $0x108  }
0x21: {  	s3 =	sadd.s32 s3, s9;
	s6 =	sadd.s32 @!p0 $0x88, s6;
	s7 =	simm.s32 @p2 $0x1082  }
0x22: {  	[simem:s7], [sflag:s8] =	dma.local @!p0 [hbm:s6], $0xF7A  }
0x23: {  	s9 =	sor.u32 $0xD0000000, s2;
	s6 =	simm.s32 $0x108;
	_ =	swait.ge @!p0 [sflag:s8], $0x0  }
0x24: {  	s3 =	sadd.s32 $0x88, s3;
	s6 =	simm.s32 @!p1 $0x1082;
	[sflag:s4] =	ssyncset.s32 $0xFFFFF086  }
0x25: {  	[simem:s6], [sflag:s4] =	dma.local [hbm:s3], $0xF7A  }
0x26: {  	[smem:$0x3F9F] =	sst s1;
	(tag) =	ssettag s2;
	_ =	strace s9  }
0x27: {  	s1 =	sld [smem:$0x3FAF]  }
0x28: {  	s2 =	sld [smem:$0x3FB0]  }
0x29: {  	s4 =	sld [smem:$0x3FB2]  }
0x2a: {  	p0 =	seq.s32 s5, $0x0;
	s5 =	sld [smem:$0x3FB3]  }
0x2b: {  	s6 =	sld [smem:$0x3FB4]  }
0x2c: {  	s7 =	sld [smem:$0x3FB5]  }
0x2d: {  	s3 =	simm.s32 $0x108;
	s8 =	sld [smem:$0x3FB6]  }
0x2e: {  	s3 =	simm.s32 @!p0 $0x1082;
	s9 =	sld [smem:$0x3FB7]  }
0x2f: {  	lr =	sadd.s32 s0, s3;
	s0 =	sld [smem:$0x3FAE]  }
0x30: {  	s3 =	sld [smem:$0x3FB1]  }
0x31: {  	[smem:$0x3FBA] =	sst s10  }
0x32: {  	s10 =	sld [smem:$0x3FB8];
	_ =	sdelay $0x3  }
0x33: {  	p0 =	seq.s32 s10, $0x1;
	s10 =	sld [smem:$0x3FBA];
	_ =	sdelay $0x3  }
0x34: {  	[smem:$0x3FBA] =	sst s10  }
0x35: {  	s10 =	sld [smem:$0x3FB9];
	_ =	sdelay $0x3  }
0x36: {  	p1 =	seq.s32 s10, $0x1;
	s10 =	sld [smem:$0x3FBA];
	_ =	sdelay $0x3  }
0x37: {  	[smem:$0x3FBA] =	sst s10  }
0x38: {  	s10 =	sld [smem:$0x3FBB]  }
0x39: {  	_ = 	snop;
	(pc) =	sbr.ind lr, $3  }
0x3a: {  	_ = 	snop  }
0x3b: {  	_ = 	snop  }
0x3c: {  	p2 =	seq.s32 s10, $0x1;
	s10 =	sld [smem:$0x3FBA]  }
0x3d: {  	_ =	shalt  }
0x3e: {  	_ =	shalt  }
0x3f: {  	_ =	shalt  }
0x40: {  	_ =	shalt  }
0x41: {  	_ =	shalt  }
0x42: {  	_ =	shalt  }
0x43: {  	_ =	shalt  }
0x44: {  	_ =	shalt  }
0x45: {  	_ =	shalt  }
0x46: {  	_ =	shalt  }
0x47: {  	_ =	shalt  }
0x48: {  	_ =	shalt  }
0x49: {  	_ =	shalt  }
0x4a: {  	_ =	shalt  }
0x4b: {  	_ =	shalt  }
0x4c: {  	_ =	shalt  }
0x4d: {  	_ =	shalt  }
0x4e: {  	_ =	shalt  }
0x4f: {  	_ =	shalt  }
0x50: {  	_ =	shalt  }
0x51: {  	_ =	shalt  }
0x52: {  	_ =	shalt  }
0x53: {  	_ =	shalt  }
0x54: {  	_ =	shalt  }
0x55: {  	_ =	shalt  }
0x56: {  	_ =	shalt  }
0x57: {  	_ =	shalt  }
0x58: {  	_ =	shalt  }
0x59: {  	_ =	shalt  }
0x5a: {  	_ =	shalt  }
0x5b: {  	_ =	shalt  }
0x5c: {  	_ =	shalt  }
0x5d: {  	_ =	shalt  }
0x5e: {  	_ =	shalt  }
0x5f: {  	_ =	shalt  }
0x60: {  	_ =	shalt  }
0x61: {  	_ =	shalt  }
0x62: {  	_ =	shalt  }
0x63: {  	_ =	shalt  }
0x64: {  	_ =	shalt  }
0x65: {  	_ =	shalt  }
0x66: {  	_ =	shalt  }
0x67: {  	_ =	shalt  }
0x68: {  	_ =	shalt  }
0x69: {  	_ =	shalt  }
0x6a: {  	_ =	shalt  }
0x6b: {  	_ =	shalt  }
0x6c: {  	_ =	shalt  }
0x6d: {  	_ =	shalt  }
0x6e: {  	_ =	shalt  }
0x6f: {  	_ =	shalt  }
0x70: {  	_ =	shalt  }
0x71: {  	_ =	shalt  }
0x72: {  	_ =	shalt  }
0x73: {  	_ =	shalt  }
0x74: {  	_ =	shalt  }
0x75: {  	_ =	shalt  }
0x76: {  	_ =	shalt  }
0x77: {  	_ =	shalt  }
0x78: {  	_ =	shalt  }
0x79: {  	_ =	shalt  }
0x7a: {  	_ =	shalt  }
0x7b: {  	_ =	shalt  }
0x7c: {  	_ =	shalt  }
0x7d: {  	_ =	shalt  }
0x7e: {  	_ =	shalt  }
0x7f: {  	_ =	shalt  }
0x80: {  	_ =	shalt  }
0x81: {  	_ =	shalt  }
0x82: {  	_ =	shalt  }
0x83: {  	_ =	shalt  }
0x84: {  	_ =	shalt  }
0x85: {  	_ =	shalt  }
0x86: {  	_ =	shalt  }
0x87: {  	_ =	shalt  }
.Lfunc_end0:
.L_simem_size_0:
called_computation_lowered:
.L_overlay_start_0:
0x88: {  	s2 =	sld [smem:$0x3FD9]  }
0x89: {  	s3 =	sld [smem:$0x3FFE];
	_ =	sdelay $0x1  }
0x8a: {  	s1 =	srdreg.scid  }
0x8b: {  	s0 =	sand.u32 $0x1, s1  }
0x8c: {  	s17 =	sshll.u32 s0, $0xA;
	s2 =	sadd.s32 s3, s2  }
0x8d: {  	s2 =	sadd.s32 s2, s17  }
0x8e: {  	[smem:$0x3FC6] =	sst s2  }
0x8f: {  	_ = 	snop  }
0x90: {  	s2 =	sld [smem:$0x3FC8]  }
0x91: {  	s18 =	sld [smem:$0x3FD0];
	(tm) =	ssettm $0x1  }
0x92: {  	s4 =	sld [smem:$0x3FFB];
	_ =	sdelay $0x3  }
0x93: {  	_ =	strace s4  }
0x94: {  	s4 =	sld [smem:$0x3FFC];
	_ =	sdelay $0x3  }
0x95: {  	_ =	strace s4  }
0x96: {  	s4 =	sld [smem:$0x3FFD];
	_ =	sdelay $0x3  }
0x97: {  	_ =	strace s4  }
0x98: {  	_ =	strace $0x8FFFFFFF  }
0x99: {  	s19 =	sld [smem:$0x3FDB];
	_ =	sdelay $0x1  }
0x9a: {  	s5 =	simm.s32 $_scs_section_size  }
0x9b: {  	s6 =	simm.s32 $_size__tile_overlayer_lowered;
	s7 =	simm.s32 $_tile_overlayer_lowered  }
0x9c: {  	s22 =	simm.s32 $0x1BFF;
	s21 =	sshll.u32 s7, $0x1;
	s4 =	sadd.s32 s5, s19  }
0x9d: {  	s8 =	simm.s32 $0x0;
	s20 =	sshll.u32 s6, $0x1;
	s6 =	sadd.s32 s21, s4  }
0x9e: {  	[timem:s8], [sflag:s22] =	dma.local [hbm:s6], s20  }
0x9f: {  	_ =	swait.ge [sflag:s22], s20  }
0xa0: {  	s5 =	ssub.s32 $0x0, s20;
	[sflag:s22] =	ssyncset.done $0x0  }
0xa1: {  	[sflag:s22] =	ssyncadd.s32 s5;
	_ =	sdelay $0x1  }
0xa2: {  	s23 =	simm.s32 $0x1B8B  }
0xa3: {  	_ =	swait.ge [sflag:s23], $0x1  }
0xa4: {  	[sflag:s23] =	ssyncset.done $0x0  }
0xa5: {  	s25 =	simm.s32 $0x1B8E;
	s24 =	sld [smem:$0x3FFE];
	[sflag:s23] =	ssyncadd.s32 $0xFFFFFFFF  }
0xa6: {  	s26 =	simm.s32 $execute0_lowered;
	[smem:$0x3FD2] =	sst s25  }
0xa7: {  	s6 =	sshll.u32 s26, $0x1;
	_ =	strace $0x80000046;
	[dreg:$0x1] =	wrdreg $0xFFFFFFFF  }
0xa8: {  	s28 =	simm.s32 $_size_execute0_lowered;
	s4 =	sadd.s32 s4, s6;
	[dreg:$0x0] =	wrdreg $0x0  }
0xa9: {  	s6 =	sshll.u32 s28, $0x1;
	[dreg:$0x2] =	wrdreg s4  }
0xaa: {  	[dreg:$0x3] =	wrdreg s6  }
0xab: {  	[dreg:$0x4] =	wrdreg $0xC0  }
0xac: {  	_ =	task [dreg:s8], $0x5FFFF  }
0xad: {  	[dreg:$0x1] =	wrdreg $0xFFFFFFFF  }
0xae: {  	[dreg:$0x0] =	wrdreg $0x60  }
0xaf: {  	[dreg:$0x2] =	wrdreg s24  }
0xb0: {  	[dreg:$0x3] =	wrdreg s2  }
0xb1: {  	[dreg:$0x4] =	wrdreg s18  }
0xb2: {  	[dreg:$0x5] =	wrdreg $0x9  }
0xb3: {  	_ =	task.clear_ibuf [dreg:s8], $0x6FFFF;
	_ =	strace $0x90000046  }
0xb4: {  	s29 =	simm.s32 $0x9;
	_ =	strace $0x80000048  }
0xb5: {  	_ =	swait.ge [sflag:s29], $0x1  }
0xb6: {  	[sflag:s29] =	ssyncadd.s32 $0xFFFFFFFF  }
0xb7: {  	_ =	strace $0x90000048  }
0xb8: {  	_ =	sfence  }
0xb9: {  	s30 =	sld [smem:$0x0];
	_ =	sdelay $0x2  }
0xba: {  	s31 =	sshll.u32 s1, $0xD;
	s1 =	sshrl.u32 s1, $0x2  }
0xbb: {  	s3 =	sand.u32 $0x4000, s31;
	s1 =	sadd.s32 s1, s30  }
0xbc: {  	s0 =	sor.u32 s3, s0;
	s1 =	sshll.u32 s1, $0x11  }
0xbd: {  	s0 =	sor.u32 s1, s0  }
0xbe: {  	s0 =	sadd.s32 $0x8F2B, s0  }
0xbf: {  	[sflag:s0] =	ssyncadd.remote.s32 $0x1  }
0xc0: {  	_ =	sfence.sel $0xFFFF  }
0xc1: {  	[dreg:$0x0] =	wrdreg $0xFFFFFFFF;
	(pc) =	sbr.abs _section_cstart, $3  }
0xc2: {  	[dreg:$0x1] =	wrdreg $0xFFFFFFFF  }
0xc3: {  	_ =	task.clear_ibuf [dreg:s8], $0x2FFFF;
	_ =	strace $0x9FFFFFFF  }
0xc4: {  	(tm) =	ssettm $0x7FFFFFFF  }
0xc5: {  	_ =	shalt  }
tec
execute0_lowered:
.L_overlay_start_1:
0x0: {  	(tag) =	ssettag $0x1  }
0x1: {  	s0 =	srdreg.scid;
	s2 =	stileid.u32  }
0x2: {  	s0 =	sand.u32 $0x1, s0;
	s2 =	sshll.u32 s2, $0x1  }
0x3: {  	s4 =	sor.u32 s0, s2  }
0x4: {  	s1 =	rddreg [dreg:$0x0];
	s6 =	smul.u32 $0x140, s4  }
0x5: {  	s3 =	rddreg [dreg:$0x1];
	s7 =	smul.u32 $0xA000, s4  }
0x6: {  	s5 =	rddreg [dreg:$0x2];
	s2 =	simm.s32 $0x0  }
0x7: {  	[smem:$0x7FF] =	sst s2;
	s1 =	sadd.s32 s6, s1;
	s31 =	sadd.s32 s5, s7  }
0x8: {  	_ =	strace $0x80000047;
	s1 =	sadd.s32 $0x400, s1;
	[smem:$0x7CB] =	sst s31  }
0x9: {  	s7 =	sadd.s32 $0x400, s31;
	[dreg:$0x4] =	wrdreg s1  }
0xa: {  	s8 =	sadd.s32 $0x800, s31;
	[dreg:$0x5] =	wrdreg s7  }
0xb: {  	s9 =	sadd.s32 $0xC00, s31;
	[dreg:$0x6] =	wrdreg s8  }
0xc: {  	s4 =	smul.u32 $0x50000, s4;
	s10 =	sadd.s32 $0x1000, s31;
	[dreg:$0x7] =	wrdreg s9  }
0xd: {  	s11 =	sadd.s32 $0x1400, s31;
	[dreg:$0x8] =	wrdreg s10  }
0xe: {  	s4 =	sshrl.u32 s4, $0x3;
	s12 =	sadd.s32 $0x1800, s31;
	[dreg:$0x9] =	wrdreg s11  }
0xf: {  	s6 =	sadd.s32 $0x1C00, s31;
	[dreg:$0xa] =	wrdreg s12;
	s1 =	sadd.s32 s5, s4  }
0x10: {  	[dreg:$0xb] =	wrdreg s6;
	s4 =	sadd.s32 $0x2000, s1  }
0x11: {  	s13 =	sadd.s32 $0x2400, s1;
	[dreg:$0xc] =	wrdreg s4  }
0x12: {  	s14 =	sadd.s32 $0x2800, s1;
	[dreg:$0xd] =	wrdreg s13  }
0x13: {  	s15 =	sadd.s32 $0x2C00, s1;
	[dreg:$0xe] =	wrdreg s14  }
0x14: {  	s16 =	sadd.s32 $0x3000, s1;
	[dreg:$0xf] =	wrdreg s15  }
0x15: {  	s17 =	sadd.s32 $0x3400, s1;
	[dreg:$0x10] =	wrdreg s16  }
0x16: {  	s18 =	sadd.s32 $0x3800, s1;
	[dreg:$0x11] =	wrdreg s17  }
0x17: {  	s19 =	sadd.s32 $0x3C00, s1;
	[dreg:$0x12] =	wrdreg s18  }
0x18: {  	s20 =	sadd.s32 $0x4000, s1;
	[dreg:$0x13] =	wrdreg s19  }
0x19: {  	s21 =	sadd.s32 $0x4400, s1;
	[dreg:$0x14] =	wrdreg s20  }
0x1a: {  	s22 =	sadd.s32 $0x4800, s1;
	[dreg:$0x15] =	wrdreg s21  }
0x1b: {  	s23 =	sadd.s32 $0x4C00, s1;
	[dreg:$0x16] =	wrdreg s22  }
0x1c: {  	s24 =	sadd.s32 $0x5000, s1;
	[dreg:$0x17] =	wrdreg s23  }
0x1d: {  	s25 =	sadd.s32 $0x5400, s1;
	[dreg:$0x18] =	wrdreg s24  }
0x1e: {  	s26 =	sadd.s32 $0x5800, s1;
	[dreg:$0x19] =	wrdreg s25  }
0x1f: {  	s28 =	sadd.s32 $0x5C00, s1;
	[dreg:$0x1a] =	wrdreg s26  }
0x20: {  	s29 =	sadd.s32 $0x6000, s1;
	[dreg:$0x1b] =	wrdreg s28  }
0x21: {  	s30 =	sadd.s32 $0x6400, s1;
	[dreg:$0x1c] =	wrdreg s29  }
0x22: {  	s31 =	sadd.s32 $0x6800, s1;
	[dreg:$0x1d] =	wrdreg s30  }
0x23: {  	s5 =	sadd.s32 $0x6C00, s1;
	[dreg:$0x1e] =	wrdreg s31  }
0x24: {  	s6 =	sadd.s32 $0x7000, s1;
	[dreg:$0x1f] =	wrdreg s5  }
0x25: {  	s7 =	sadd.s32 $0x7400, s1;
	[smem:$0x7CC] =	sst s6  }
0x26: {  	s8 =	sadd.s32 $0x7800, s1;
	[smem:$0x7CD] =	sst s7  }
0x27: {  	s9 =	sadd.s32 $0x7C00, s1;
	[smem:$0x7CE] =	sst s8  }
0x28: {  	s10 =	sadd.s32 $0x8000, s1;
	[smem:$0x7CF] =	sst s9  }
0x29: {  	s11 =	sadd.s32 $0x8400, s1;
	[smem:$0x7D0] =	sst s10  }
0x2a: {  	s12 =	sadd.s32 $0x8800, s1;
	[smem:$0x7D1] =	sst s11  }
0x2b: {  	[smem:$0x7D2] =	sst s12;
	s13 =	sadd.s32 $0x8C00, s1  }
0x2c: {  	s14 =	sadd.s32 $0x9000, s1;
	[smem:$0x7D3] =	sst s13  }
0x2d: {  	s15 =	sadd.s32 $0x9400, s1;
	[smem:$0x7D4] =	sst s14  }
0x2e: {  	s16 =	sadd.s32 $0x9800, s1;
	[smem:$0x7D5] =	sst s15  }
0x2f: {  	s1 =	sadd.s32 $0x9C00, s1;
	[smem:$0x7D6] =	sst s16  }
0x30: {  	s17 =	simm.s32 $0x80;
	[smem:$0x7D7] =	sst s1  }
0x31: {  	s18 =	simm.s32 $0xC0;
	[smem:$0x7D8] =	sst s17  }
0x32: {  	s19 =	simm.s32 $0x100;
	[smem:$0x7D9] =	sst s18  }
0x33: {  	s20 =	simm.s32 $0x140;
	[smem:$0x7DA] =	sst s19  }
0x34: {  	s21 =	simm.s32 $0x180;
	[smem:$0x7DB] =	sst s20  }
0x35: {  	s22 =	simm.s32 $0x1C0;
	[smem:$0x7DC] =	sst s21  }
0x36: {  	s23 =	simm.s32 $0x200;
	[smem:$0x7DD] =	sst s22  }
0x37: {  	s24 =	simm.s32 $0x240;
	[smem:$0x7DE] =	sst s23  }
0x38: {  	s25 =	simm.s32 $0x280;
	[smem:$0x7DF] =	sst s24  }
0x39: {  	s26 =	simm.s32 $0x2C0;
	[smem:$0x7E0] =	sst s25  }
0x3a: {  	s28 =	simm.s32 $0x300;
	[smem:$0x7E1] =	sst s26  }
0x3b: {  	s29 =	simm.s32 $0x340;
	[smem:$0x7E2] =	sst s28  }
0x3c: {  	s30 =	simm.s32 $0x380;
	[smem:$0x7E3] =	sst s29  }
0x3d: {  	s31 =	simm.s32 $0x3C0;
	[smem:$0x7E4] =	sst s30  }
0x3e: {  	s4 =	simm.s32 $0x400;
	[smem:$0x7E5] =	sst s31  }
0x3f: {  	s5 =	simm.s32 $0x440;
	[smem:$0x7E6] =	sst s4  }
0x40: {  	s7 =	simm.s32 $0x480;
	[smem:$0x7E7] =	sst s5  }
0x41: {  	s8 =	simm.s32 $0x4C0;
	[smem:$0x7E8] =	sst s7  }
0x42: {  	s9 =	simm.s32 $0x500;
	[smem:$0x7E9] =	sst s8  }
0x43: {  	s10 =	simm.s32 $0x540;
	[smem:$0x7EA] =	sst s9  }
0x44: {  	s11 =	simm.s32 $0x580;
	[smem:$0x7EB] =	sst s10  }
0x45: {  	s12 =	simm.s32 $0x5C0;
	[smem:$0x7EC] =	sst s11  }
0x46: {  	[smem:$0x7ED] =	sst s12  }
0x47: {  	s13 =	simm.s32 $0x600;
	s5 =	rddreg [dreg:$0x4]  }
0x48: {  	s14 =	simm.s32 $0x640;
	[smem:$0x7EE] =	sst s13  }
0x49: {  	s15 =	simm.s32 $0x680;
	[smem:$0x7EF] =	sst s14  }
0x4a: {  	s16 =	simm.s32 $0x6C0;
	[smem:$0x7F0] =	sst s15  }
0x4b: {  	s18 =	simm.s32 $0x700;
	[smem:$0x7F1] =	sst s16  }
0x4c: {  	p0 =	por $0x0, $0x0;
	s19 =	simm.s32 $0x740;
	[smem:$0x7F2] =	sst s18  }
0x4d: {  	s0 =	ssub.s32 $0x2, s0;
	s20 =	simm.s32 $0x780;
	[smem:$0x7F3] =	sst s19  }
0x4e: {  	s6 =	sshrl.u32 s0, $0x1;
	s21 =	simm.s32 $0x7C0;
	[smem:$0x7F4] =	sst s20  }
0x4f: {  	s0 =	ssub.s32 s0, s6;
	s22 =	simm.s32 $0x800;
	[smem:$0x7F5] =	sst s21  }
0x50: {  	s17 =	simm.s32 $0x40;
	s23 =	simm.s32 $0x840;
	[smem:$0x7F6] =	sst s22  }
0x51: {  	s4 =	simm.s32 $0xA00;
	s24 =	simm.s32 $0x880;
	[smem:$0x7F7] =	sst s23  }
0x52: {  	s25 =	simm.s32 $0x8C0;
	s0 =	smax.u32 s0, $0x1;
	[smem:$0x7F8] =	sst s24  }
0x53: {  	s28 =	simm.s32 $0x900;
	[smem:$0x7F9] =	sst s25;
	p1 =	sne.s32 s0, $0x1  }
.Ltmp0:
0x54: {  	s29 =	simm.s32 $0x940;
	[smem:$0x7FA] =	sst s28;
	(pc) =	sbr.rel @!p1 .LBB2_1-.Ltmp0, $4  }
0x55: {  	s26 =	simm.s32 $0x1;
	s30 =	simm.s32 $0x980;
	[smem:$0x7FB] =	sst s29  }
0x56: {  	s31 =	simm.s32 $0x9C0;
	s11 =	simm.s32 $0xF;
	[smem:$0x7FC] =	sst s30  }
0x57: {  	s14 =	simm.s32 $0x2;
	s15 =	simm.s32 $0x3;
	[smem:$0x7FD] =	sst s31  }
0x58: {  	s19 =	simm.s32 $0x4;
	s16 =	simm.s32 $0x6;
	s0 =	sadd.s32 $0xFFFFFFFF, s0  }
0x59: {  	[tilespmem:s2], [sflag:$0x19] =	stream.linear.gather [hbm4b:s5+s2], $0xA00, $0x38;
	[tilespmem:$0x18A00] =	vst v63  }
0x5a: {  	[smem:$0x7CA] =	sst s0;
	s7 =	simm.s32 $0x19  }
0x5b: {  	_ =	swait.ge [sflag:s7], $0xA00  }
0x5c: {  	[sflag:s7] =	ssyncset.done $0x0  }
0x5d: {  	[sflag:s7] =	ssyncadd.s32 $0xFFFFF600  }
0x5e: {  	[tilespmem:s4], [sflag:$0x1] =	stream.indirect.gather [hbm4b:s3+s17], $0x80, s2, s17, $0xb8;
	[tilespmem:$0x18A00] =	vst v63  }
0x5f: {  	s28 =	simm.s32 $0x2A00;
	s8 =	sld [smem:$0x7D8]  }
0x60: {  	[tilespmem:s28], [sflag:$0x2] =	stream.indirect.gather [hbm4b:s3+s17], $0x80, s17, s17, $0xb8;
	[tilespmem:$0x18A00] =	vst v63  }
0x61: {  	s10 =	simm.s32 $0x4A00;
	s9 =	sld [smem:$0x7D9]  }
0x62: {  	[tilespmem:s10], [sflag:$0x3] =	stream.indirect.gather [hbm4b:s3+s17], $0x80, s8, s17, $0xb8;
	[tilespmem:$0x18A00] =	vst v63  }
0x63: {  	s12 =	simm.s32 $0x6A00;
	s11 =	sld [smem:$0x7DA]  }
0x64: {  	[tilespmem:s12], [sflag:$0x4] =	stream.indirect.gather [hbm4b:s3+s17], $0x80, s9, s17, $0xb8;
	[tilespmem:$0x18A00] =	vst v63  }
0x65: {  	s16 =	simm.s32 $0x8A00;
	s13 =	sld [smem:$0x7DB]  }
0x66: {  	[tilespmem:s16], [sflag:$0x5] =	stream.indirect.gather [hbm4b:s3+s17], $0x80, s11, s17, $0xb8;
	[tilespmem:$0x18A00] =	vst v63  }
0x67: {  	s20 =	simm.s32 $0xAA00;
	s18 =	sld [smem:$0x7DC]  }
0x68: {  	[tilespmem:s20], [sflag:$0x6] =	stream.indirect.gather [hbm4b:s3+s17], $0x80, s13, s17, $0xb8;
	[tilespmem:$0x18A00] =	vst v63  }
0x69: {  	s22 =	simm.s32 $0xCA00;
	s21 =	sld [smem:$0x7DD]  }
0x6a: {  	[tilespmem:s22], [sflag:$0x7] =	stream.indirect.gather [hbm4b:s3+s17], $0x80, s18, s17, $0xb8;
	[tilespmem:$0x18A00] =	vst v63  }
0x6b: {  	s29 =	simm.s32 $0xEA00;
	s24 =	sld [smem:$0x7DE]  }
0x6c: {  	[tilespmem:s29], [sflag:$0x8] =	stream.indirect.gather [hbm4b:s3+s17], $0x80, s21, s17, $0xb8;
	[tilespmem:$0x18A00] =	vst v63  }
0x6d: {  	s31 =	simm.s32 $0x10A00;
	s30 =	sld [smem:$0x7DF]  }
0x6e: {  	[tilespmem:s31], [sflag:$0x9] =	stream.indirect.gather [hbm4b:s3+s17], $0x80, s24, s17, $0xb8;
	[tilespmem:$0x18A00] =	vst v63  }
0x6f: {  	s6 =	simm.s32 $0x12A00;
	s1 =	sld [smem:$0x7E0]  }
0x70: {  	[tilespmem:s6], [sflag:$0xA] =	stream.indirect.gather [hbm4b:s3+s17], $0x80, s30, s17, $0xb8;
	[tilespmem:$0x18A00] =	vst v63  }
0x71: {  	s7 =	simm.s32 $0x14A00  }
0x72: {  	[tilespmem:s7], [sflag:$0xB] =	stream.indirect.gather [hbm4b:s3+s17], $0x80, s1, s17, $0xb8;
	[tilespmem:$0x18A00] =	vst v63  }
0x73: {  	_ =	swait.ge [sflag:s26], $0x2000  }
0x74: {  	s9 =	sld [smem:$0x7CB]  }
0x75: {  	[sflag:s26] =	ssyncset.done $0x0  }
0x76: {  	s11 =	simm.s32 $0xA00;
	s8 =	sld [smem:$0x7E1];
	[sflag:s26] =	ssyncadd.s32 $0xFFFFE000  }
0x77: {  	[hbm4b:s9+s2] =	stream.linear.scatter [tilespmem:s11], [sflag:$0xD], $0x2000, $0x38;
	[tilespmem:$0x18A00] =	vst v63  }
0x78: {  	s1 =	simm.s32 $0x16A00  }
0x79: {  	[tilespmem:s1], [sflag:$0xC] =	stream.indirect.gather [hbm4b:s3+s17], $0x80, s8, s17, $0xb8;
	[tilespmem:$0x18A00] =	vst v63  }
0x7a: {  	_ =	swait.ge [sflag:s14], $0x2000  }
0x7b: {  	[sflag:s14] =	ssyncset.done $0x0  }
0x7c: {  	s18 =	simm.s32 $0xD;
	s12 =	rddreg [dreg:$0x5];
	[sflag:s14] =	ssyncadd.s32 $0xFFFFE000  }
0x7d: {  	[hbm4b:s12+s2] =	stream.linear.scatter [tilespmem:s28], [sflag:$0xE], $0x2000, $0x38;
	[tilespmem:$0x18A00] =	vst v63  }
0x7e: {  	_ =	swait.ge [sflag:s18], $0x2000  }
0x7f: {  	s13 =	sld [smem:$0x7E2]  }
0x80: {  	[sflag:s18] =	ssyncset.done $0x0  }
0x81: {  	[sflag:s18] =	ssyncadd.s32 $0xFFFFE000  }
0x82: {  	[tilespmem:s11], [sflag:$0x1] =	stream.indirect.gather [hbm4b:s3+s17], $0x80, s13, s17, $0xb8;
	[tilespmem:$0x18A00] =	vst v63  }
0x83: {  	_ =	swait.ge [sflag:s15], $0x2000  }
0x84: {  	s22 =	simm.s32 $0xE;
	[sflag:s15] =	ssyncset.done $0x0  }
0x85: {  	s14 =	rddreg [dreg:$0x6];
	[sflag:s15] =	ssyncadd.s32 $0xFFFFE000;
	s15 =	simm.s32 $0x4A00  }
0x86: {  	[hbm4b:s14+s2] =	stream.linear.scatter [tilespmem:s15], [sflag:$0xF], $0x2000, $0x38;
	[tilespmem:$0x18A00] =	vst v63  }
0x87: {  	_ =	swait.ge [sflag:s22], $0x2000  }
0x88: {  	s16 =	sld [smem:$0x7E3]  }
0x89: {  	[sflag:s22] =	ssyncset.done $0x0  }
0x8a: {  	[sflag:s22] =	ssyncadd.s32 $0xFFFFE000  }
0x8b: {  	[tilespmem:s28], [sflag:$0x2] =	stream.indirect.gather [hbm4b:s3+s17], $0x80, s16, s17, $0xb8;
	[tilespmem:$0x18A00] =	vst v63  }
0x8c: {  	_ =	swait.ge [sflag:s19], $0x2000  }
0x8d: {  	s23 =	simm.s32 $0xF;
	[sflag:s19] =	ssyncset.done $0x0  }
0x8e: {  	s21 =	simm.s32 $0x6A00;
	s20 =	rddreg [dreg:$0x7];
	[sflag:s19] =	ssyncadd.s32 $0xFFFFE000  }
0x8f: {  	[hbm4b:s20+s2] =	stream.linear.scatter [tilespmem:s21], [sflag:$0x10], $0x2000, $0x38;
	[tilespmem:$0x18A00] =	vst v63  }
0x90: {  	_ =	swait.ge [sflag:s23], $0x2000  }
0x91: {  	s24 =	sld [smem:$0x7E4]  }
0x92: {  	[sflag:s23] =	ssyncset.done $0x0  }
0x93: {  	s8 =	simm.s32 $0x5;
	[sflag:s23] =	ssyncadd.s32 $0xFFFFE000  }
0x94: {  	[tilespmem:s15], [sflag:$0x3] =	stream.indirect.gather [hbm4b:s3+s17], $0x80, s24, s17, $0xb8;
	[tilespmem:$0x18A00] =	vst v63  }
0x95: {  	_ =	swait.ge [sflag:s8], $0x2000  }
0x96: {  	s29 =	simm.s32 $0x8A00;
	[sflag:s8] =	ssyncset.done $0x0  }
0x97: {  	s31 =	simm.s32 $0x10;
	s26 =	rddreg [dreg:$0x8];
	[sflag:s8] =	ssyncadd.s32 $0xFFFFE000  }
0x98: {  	[hbm4b:s26+s2] =	stream.linear.scatter [tilespmem:s29], [sflag:$0x11], $0x2000, $0x38;
	[tilespmem:$0x18A00] =	vst v63  }
0x99: {  	_ =	swait.ge [sflag:s31], $0x2000  }
0x9a: {  	s30 =	sld [smem:$0x7E5]  }
0x9b: {  	[sflag:s31] =	ssyncset.done $0x0  }
0x9c: {  	s25 =	simm.s32 $0x6;
	[sflag:s31] =	ssyncadd.s32 $0xFFFFE000  }
0x9d: {  	[tilespmem:s21], [sflag:$0x4] =	stream.indirect.gather [hbm4b:s3+s17], $0x80, s30, s17, $0xb8;
	[tilespmem:$0x18A00] =	vst v63  }
0x9e: {  	_ =	swait.ge [sflag:s25], $0x2000  }
0x9f: {  	s6 =	simm.s32 $0xAA00;
	[sflag:s25] =	ssyncset.done $0x0  }
0xa0: {  	s21 =	simm.s32 $0x11;
	s0 =	rddreg [dreg:$0x9];
	[sflag:s25] =	ssyncadd.s32 $0xFFFFE000  }
0xa1: {  	[hbm4b:s0+s2] =	stream.linear.scatter [tilespmem:s6], [sflag:$0x12], $0x2000, $0x38;
	[tilespmem:$0x18A00] =	vst v63  }
0xa2: {  	_ =	swait.ge [sflag:s21], $0x2000  }
0xa3: {  	s7 =	sld [smem:$0x7E6]  }
0xa4: {  	[sflag:s21] =	ssyncset.done $0x0  }
0xa5: {  	[sflag:s21] =	ssyncadd.s32 $0xFFFFE000  }
0xa6: {  	[tilespmem:s29], [sflag:$0x5] =	stream.indirect.gather [hbm4b:s3+s17], $0x80, s7, s17, $0xb8;
	[tilespmem:$0x18A00] =	vst v63  }
0xa7: {  	s29 =	simm.s32 $0x7  }
0xa8: {  	_ =	swait.ge [sflag:s29], $0x2000  }
0xa9: {  	s11 =	simm.s32 $0xCA00;
	[sflag:s29] =	ssyncset.done $0x0  }
0xaa: {  	s30 =	simm.s32 $0x12;
	s9 =	rddreg [dreg:$0xa];
	[sflag:s29] =	ssyncadd.s32 $0xFFFFE000  }
0xab: {  	[hbm4b:s9+s2] =	stream.linear.scatter [tilespmem:s11], [sflag:$0x13], $0x2000, $0x38;
	[tilespmem:$0x18A00] =	vst v63  }
0xac: {  	_ =	swait.ge [sflag:s30], $0x2000  }
0xad: {  	s12 =	sld [smem:$0x7E7]  }
0xae: {  	[sflag:s30] =	ssyncset.done $0x0  }
0xaf: {  	s26 =	simm.s32 $0x8;
	[sflag:s30] =	ssyncadd.s32 $0xFFFFE000  }
0xb0: {  	[tilespmem:s6], [sflag:$0x6] =	stream.indirect.gather [hbm4b:s3+s17], $0x80, s12, s17, $0xb8;
	[tilespmem:$0x18A00] =	vst v63  }
0xb1: {  	_ =	swait.ge [sflag:s26], $0x2000  }
0xb2: {  	s16 =	simm.s32 $0xEA00;
	[sflag:s26] =	ssyncset.done $0x0  }
0xb3: {  	s20 =	simm.s32 $0x13;
	s13 =	rddreg [dreg:$0xb];
	[sflag:s26] =	ssyncadd.s32 $0xFFFFE000  }
0xb4: {  	[hbm4b:s13+s2] =	stream.linear.scatter [tilespmem:s16], [sflag:$0x14], $0x2000, $0x38;
	[tilespmem:$0x18A00] =	vst v63  }
0xb5: {  	_ =	swait.ge [sflag:s20], $0x2000  }
0xb6: {  	s19 =	sld [smem:$0x7E8]  }
0xb7: {  	[sflag:s20] =	ssyncset.done $0x0  }
0xb8: {  	[sflag:s20] =	ssyncadd.s32 $0xFFFFE000  }
0xb9: {  	[tilespmem:s11], [sflag:$0x7] =	stream.indirect.gather [hbm4b:s3+s17], $0x80, s19, s17, $0xb8;
	[tilespmem:$0x18A00] =	vst v63  }
0xba: {  	s19 =	simm.s32 $0x9  }
0xbb: {  	_ =	swait.ge [sflag:s19], $0x2000  }
0xbc: {  	[sflag:s19] =	ssyncset.done $0x0  }
0xbd: {  	s1 =	simm.s32 $0x10A00;
	s24 =	rddreg [dreg:$0xc];
	[sflag:s19] =	ssyncadd.s32 $0xFFFFE000  }
0xbe: {  	[hbm4b:s24+s2] =	stream.linear.scatter [tilespmem:s1], [sflag:$0x15], $0x2000, $0x38;
	[tilespmem:$0x18A00] =	vst v63  }
0xbf: {  	s24 =	simm.s32 $0x14  }
0xc0: {  	_ =	swait.ge [sflag:s24], $0x2000  }
0xc1: {  	s6 =	sld [smem:$0x7E9]  }
0xc2: {  	[sflag:s24] =	ssyncset.done $0x0  }
0xc3: {  	s9 =	simm.s32 $0xA;
	[sflag:s24] =	ssyncadd.s32 $0xFFFFE000  }
0xc4: {  	[tilespmem:s16], [sflag:$0x8] =	stream.indirect.gather [hbm4b:s3+s17], $0x80, s6, s17, $0xb8;
	[tilespmem:$0x18A00] =	vst v63  }
0xc5: {  	_ =	swait.ge [sflag:s9], $0x2000  }
0xc6: {  	s12 =	simm.s32 $0x12A00;
	[sflag:s9] =	ssyncset.done $0x0  }
0xc7: {  	s16 =	simm.s32 $0x15;
	s7 =	rddreg [dreg:$0xd];
	[sflag:s9] =	ssyncadd.s32 $0xFFFFE000  }
0xc8: {  	[hbm4b:s7+s2] =	stream.linear.scatter [tilespmem:s12], [sflag:$0x16], $0x2000, $0x38;
	[tilespmem:$0x18A00] =	vst v63  }
0xc9: {  	_ =	swait.ge [sflag:s16], $0x2000  }
0xca: {  	s13 =	sld [smem:$0x7EA]  }
0xcb: {  	[sflag:s16] =	ssyncset.done $0x0  }
0xcc: {  	s7 =	simm.s32 $0xB;
	[sflag:s16] =	ssyncadd.s32 $0xFFFFE000  }
0xcd: {  	[tilespmem:s1], [sflag:$0x9] =	stream.indirect.gather [hbm4b:s3+s17], $0x80, s13, s17, $0xb8;
	[tilespmem:$0x18A00] =	vst v63  }
0xce: {  	_ =	swait.ge [sflag:s7], $0x2000  }
0xcf: {  	s10 =	simm.s32 $0x14A00;
	[sflag:s7] =	ssyncset.done $0x0  }
0xd0: {  	s13 =	simm.s32 $0x16;
	s1 =	rddreg [dreg:$0xe];
	[sflag:s7] =	ssyncadd.s32 $0xFFFFE000  }
0xd1: {  	[hbm4b:s1+s2] =	stream.linear.scatter [tilespmem:s10], [sflag:$0x17], $0x2000, $0x38;
	[tilespmem:$0x18A00] =	vst v63  }
0xd2: {  	_ =	swait.ge [sflag:s13], $0x2000  }
0xd3: {  	s6 =	sld [smem:$0x7EB]  }
0xd4: {  	[sflag:s13] =	ssyncset.done $0x0  }
0xd5: {  	[sflag:s13] =	ssyncadd.s32 $0xFFFFE000  }
0xd6: {  	[tilespmem:s12], [sflag:$0xA] =	stream.indirect.gather [hbm4b:s3+s17], $0x80, s6, s17, $0xb8;
	[tilespmem:$0x18A00] =	vst v63  }
0xd7: {  	s6 =	simm.s32 $0xC  }
0xd8: {  	_ =	swait.ge [sflag:s6], $0x2000  }
0xd9: {  	[sflag:s6] =	ssyncset.done $0x0  }
0xda: {  	s0 =	simm.s32 $0x16A00;
	s12 =	rddreg [dreg:$0xf];
	[sflag:s6] =	ssyncadd.s32 $0xFFFFE000  }
0xdb: {  	[hbm4b:s12+s2] =	stream.linear.scatter [tilespmem:s0], [sflag:$0x18], $0x2000, $0x38;
	[tilespmem:$0x18A00] =	vst v63  }
0xdc: {  	s12 =	simm.s32 $0x17  }
0xdd: {  	_ =	swait.ge [sflag:s12], $0x2000  }
0xde: {  	s1 =	sld [smem:$0x7EC]  }
0xdf: {  	[sflag:s12] =	ssyncset.done $0x0  }
0xe0: {  	s14 =	simm.s32 $0x1;
	[sflag:s12] =	ssyncadd.s32 $0xFFFFE000  }
0xe1: {  	[tilespmem:s10], [sflag:$0xB] =	stream.indirect.gather [hbm4b:s3+s17], $0x80, s1, s17, $0xb8;
	[tilespmem:$0x18A00] =	vst v63  }
0xe2: {  	_ =	swait.ge [sflag:s14], $0x2000  }
0xe3: {  	[sflag:s14] =	ssyncset.done $0x0  }
0xe4: {  	s1 =	simm.s32 $0xA00;
	s10 =	rddreg [dreg:$0x10];
	[sflag:s14] =	ssyncadd.s32 $0xFFFFE000  }
0xe5: {  	[hbm4b:s10+s2] =	stream.linear.scatter [tilespmem:s1], [sflag:$0xD], $0x2000, $0x38;
	[tilespmem:$0x18A00] =	vst v63  }
0xe6: {  	s10 =	simm.s32 $0x18  }
0xe7: {  	_ =	swait.ge [sflag:s10], $0x2000  }
0xe8: {  	s4 =	sld [smem:$0x7ED]  }
0xe9: {  	[sflag:s10] =	ssyncset.done $0x0  }
0xea: {  	s15 =	simm.s32 $0x2;
	[sflag:s10] =	ssyncadd.s32 $0xFFFFE000  }
0xeb: {  	[tilespmem:s0], [sflag:$0xC] =	stream.indirect.gather [hbm4b:s3+s17], $0x80, s4, s17, $0xb8;
	[tilespmem:$0x18A00] =	vst v63  }
0xec: {  	_ =	swait.ge [sflag:s15], $0x2000  }
0xed: {  	[sflag:s15] =	ssyncset.done $0x0  }
0xee: {  	s0 =	rddreg [dreg:$0x11];
	[sflag:s15] =	ssyncadd.s32 $0xFFFFE000  }
0xef: {  	[hbm4b:s0+s2] =	stream.linear.scatter [tilespmem:s28], [sflag:$0xE], $0x2000, $0x38;
	[tilespmem:$0x18A00] =	vst v63  }
0xf0: {  	_ =	swait.ge [sflag:s18], $0x2000  }
0xf1: {  	s0 =	sld [smem:$0x7EE]  }
0xf2: {  	[sflag:s18] =	ssyncset.done $0x0  }
0xf3: {  	s15 =	simm.s32 $0x3;
	[sflag:s18] =	ssyncadd.s32 $0xFFFFE000  }
0xf4: {  	[tilespmem:s1], [sflag:$0x1] =	stream.indirect.gather [hbm4b:s3+s17], $0x80, s0, s17, $0xb8;
	[tilespmem:$0x18A00] =	vst v63  }
0xf5: {  	_ =	swait.ge [sflag:s15], $0x2000  }
0xf6: {  	[sflag:s15] =	ssyncset.done $0x0  }
0xf7: {  	s5 =	simm.s32 $0x4A00;
	s1 =	rddreg [dreg:$0x12];
	[sflag:s15] =	ssyncadd.s32 $0xFFFFE000  }
0xf8: {  	[hbm4b:s1+s2] =	stream.linear.scatter [tilespmem:s5], [sflag:$0xF], $0x2000, $0x38;
	[tilespmem:$0x18A00] =	vst v63  }
0xf9: {  	_ =	swait.ge [sflag:s22], $0x2000  }
0xfa: {  	s0 =	sld [smem:$0x7EF]  }
0xfb: {  	[sflag:s22] =	ssyncset.done $0x0  }
0xfc: {  	s11 =	simm.s32 $0x4;
	[sflag:s22] =	ssyncadd.s32 $0xFFFFE000  }
0xfd: {  	[tilespmem:s28], [sflag:$0x2] =	stream.indirect.gather [hbm4b:s3+s17], $0x80, s0, s17, $0xb8;
	[tilespmem:$0x18A00] =	vst v63  }
0xfe: {  	_ =	swait.ge [sflag:s11], $0x2000  }
0xff: {  	[sflag:s11] =	ssyncset.done $0x0  }
0x100: {  	s0 =	simm.s32 $0x6A00;
	s1 =	rddreg [dreg:$0x13];
	[sflag:s11] =	ssyncadd.s32 $0xFFFFE000  }
0x101: {  	[hbm4b:s1+s2] =	stream.linear.scatter [tilespmem:s0], [sflag:$0x10], $0x2000, $0x38;
	[tilespmem:$0x18A00] =	vst v63  }
0x102: {  	_ =	swait.ge [sflag:s23], $0x2000  }
0x103: {  	s1 =	sld [smem:$0x7F0]  }
0x104: {  	[sflag:s23] =	ssyncset.done $0x0  }
0x105: {  	[sflag:s23] =	ssyncadd.s32 $0xFFFFE000  }
0x106: {  	[tilespmem:s5], [sflag:$0x3] =	stream.indirect.gather [hbm4b:s3+s17], $0x80, s1, s17, $0xb8;
	[tilespmem:$0x18A00] =	vst v63  }
0x107: {  	_ =	swait.ge [sflag:s8], $0x2000  }
0x108: {  	[sflag:s8] =	ssyncset.done $0x0  }
0x109: {  	s1 =	simm.s32 $0x8A00;
	s5 =	rddreg [dreg:$0x14];
	[sflag:s8] =	ssyncadd.s32 $0xFFFFE000  }
0x10a: {  	[hbm4b:s5+s2] =	stream.linear.scatter [tilespmem:s1], [sflag:$0x11], $0x2000, $0x38;
	[tilespmem:$0x18A00] =	vst v63  }
0x10b: {  	_ =	swait.ge [sflag:s31], $0x2000  }
0x10c: {  	s5 =	sld [smem:$0x7F1]  }
0x10d: {  	[sflag:s31] =	ssyncset.done $0x0  }
0x10e: {  	[sflag:s31] =	ssyncadd.s32 $0xFFFFE000  }
0x10f: {  	[tilespmem:s0], [sflag:$0x4] =	stream.indirect.gather [hbm4b:s3+s17], $0x80, s5, s17, $0xb8;
	[tilespmem:$0x18A00] =	vst v63  }
0x110: {  	_ =	swait.ge [sflag:s25], $0x2000  }
0x111: {  	[sflag:s25] =	ssyncset.done $0x0  }
0x112: {  	s0 =	simm.s32 $0xAA00;
	s5 =	rddreg [dreg:$0x15];
	[sflag:s25] =	ssyncadd.s32 $0xFFFFE000  }
0x113: {  	[hbm4b:s5+s2] =	stream.linear.scatter [tilespmem:s0], [sflag:$0x12], $0x2000, $0x38;
	[tilespmem:$0x18A00] =	vst v63  }
0x114: {  	_ =	swait.ge [sflag:s21], $0x2000  }
0x115: {  	s5 =	sld [smem:$0x7F2]  }
0x116: {  	[sflag:s21] =	ssyncset.done $0x0  }
0x117: {  	[sflag:s21] =	ssyncadd.s32 $0xFFFFE000  }
0x118: {  	[tilespmem:s1], [sflag:$0x5] =	stream.indirect.gather [hbm4b:s3+s17], $0x80, s5, s17, $0xb8;
	[tilespmem:$0x18A00] =	vst v63  }
0x119: {  	_ =	swait.ge [sflag:s29], $0x2000  }
0x11a: {  	[sflag:s29] =	ssyncset.done $0x0  }
0x11b: {  	s1 =	simm.s32 $0xCA00;
	s5 =	rddreg [dreg:$0x16];
	[sflag:s29] =	ssyncadd.s32 $0xFFFFE000  }
0x11c: {  	[hbm4b:s5+s2] =	stream.linear.scatter [tilespmem:s1], [sflag:$0x13], $0x2000, $0x38;
	[tilespmem:$0x18A00] =	vst v63  }
0x11d: {  	_ =	swait.ge [sflag:s30], $0x2000  }
0x11e: {  	s5 =	sld [smem:$0x7F3]  }
0x11f: {  	[sflag:s30] =	ssyncset.done $0x0  }
0x120: {  	[sflag:s30] =	ssyncadd.s32 $0xFFFFE000  }
0x121: {  	[tilespmem:s0], [sflag:$0x6] =	stream.indirect.gather [hbm4b:s3+s17], $0x80, s5, s17, $0xb8;
	[tilespmem:$0x18A00] =	vst v63  }
0x122: {  	_ =	swait.ge [sflag:s26], $0x2000  }
0x123: {  	[sflag:s26] =	ssyncset.done $0x0  }
0x124: {  	s0 =	simm.s32 $0xEA00;
	s5 =	rddreg [dreg:$0x17];
	[sflag:s26] =	ssyncadd.s32 $0xFFFFE000  }
0x125: {  	[hbm4b:s5+s2] =	stream.linear.scatter [tilespmem:s0], [sflag:$0x14], $0x2000, $0x38;
	[tilespmem:$0x18A00] =	vst v63  }
0x126: {  	_ =	swait.ge [sflag:s20], $0x2000  }
0x127: {  	s5 =	sld [smem:$0x7F4]  }
0x128: {  	[sflag:s20] =	ssyncset.done $0x0  }
0x129: {  	[sflag:s20] =	ssyncadd.s32 $0xFFFFE000  }
0x12a: {  	[tilespmem:s1], [sflag:$0x7] =	stream.indirect.gather [hbm4b:s3+s17], $0x80, s5, s17, $0xb8;
	[tilespmem:$0x18A00] =	vst v63  }
0x12b: {  	_ =	swait.ge [sflag:s19], $0x2000  }
0x12c: {  	[sflag:s19] =	ssyncset.done $0x0  }
0x12d: {  	s1 =	simm.s32 $0x10A00;
	s5 =	rddreg [dreg:$0x18];
	[sflag:s19] =	ssyncadd.s32 $0xFFFFE000  }
0x12e: {  	[hbm4b:s5+s2] =	stream.linear.scatter [tilespmem:s1], [sflag:$0x15], $0x2000, $0x38;
	[tilespmem:$0x18A00] =	vst v63  }
0x12f: {  	_ =	swait.ge [sflag:s24], $0x2000  }
0x130: {  	s5 =	sld [smem:$0x7F5]  }
0x131: {  	[sflag:s24] =	ssyncset.done $0x0  }
0x132: {  	[sflag:s24] =	ssyncadd.s32 $0xFFFFE000  }
0x133: {  	[tilespmem:s0], [sflag:$0x8] =	stream.indirect.gather [hbm4b:s3+s17], $0x80, s5, s17, $0xb8;
	[tilespmem:$0x18A00] =	vst v63  }
0x134: {  	_ =	swait.ge [sflag:s9], $0x2000  }
0x135: {  	[sflag:s9] =	ssyncset.done $0x0  }
0x136: {  	s0 =	simm.s32 $0x12A00;
	s5 =	rddreg [dreg:$0x19];
	[sflag:s9] =	ssyncadd.s32 $0xFFFFE000  }
0x137: {  	[hbm4b:s5+s2] =	stream.linear.scatter [tilespmem:s0], [sflag:$0x16], $0x2000, $0x38;
	[tilespmem:$0x18A00] =	vst v63  }
0x138: {  	_ =	swait.ge [sflag:s16], $0x2000  }
0x139: {  	s5 =	sld [smem:$0x7F6]  }
0x13a: {  	[sflag:s16] =	ssyncset.done $0x0  }
0x13b: {  	[sflag:s16] =	ssyncadd.s32 $0xFFFFE000  }
0x13c: {  	[tilespmem:s1], [sflag:$0x9] =	stream.indirect.gather [hbm4b:s3+s17], $0x80, s5, s17, $0xb8;
	[tilespmem:$0x18A00] =	vst v63  }
0x13d: {  	_ =	swait.ge [sflag:s7], $0x2000  }
0x13e: {  	[sflag:s7] =	ssyncset.done $0x0  }
0x13f: {  	s1 =	simm.s32 $0x14A00;
	s5 =	rddreg [dreg:$0x1a];
	[sflag:s7] =	ssyncadd.s32 $0xFFFFE000  }
0x140: {  	[hbm4b:s5+s2] =	stream.linear.scatter [tilespmem:s1], [sflag:$0x17], $0x2000, $0x38;
	[tilespmem:$0x18A00] =	vst v63  }
0x141: {  	_ =	swait.ge [sflag:s13], $0x2000  }
0x142: {  	s5 =	sld [smem:$0x7F7]  }
0x143: {  	[sflag:s13] =	ssyncset.done $0x0  }
0x144: {  	[sflag:s13] =	ssyncadd.s32 $0xFFFFE000  }
0x145: {  	[tilespmem:s0], [sflag:$0xA] =	stream.indirect.gather [hbm4b:s3+s17], $0x80, s5, s17, $0xb8;
	[tilespmem:$0x18A00] =	vst v63  }
0x146: {  	_ =	swait.ge [sflag:s6], $0x2000  }
0x147: {  	[sflag:s6] =	ssyncset.done $0x0  }
0x148: {  	s5 =	simm.s32 $0x16A00;
	s0 =	rddreg [dreg:$0x1b];
	[sflag:s6] =	ssyncadd.s32 $0xFFFFE000  }
0x149: {  	[hbm4b:s0+s2] =	stream.linear.scatter [tilespmem:s5], [sflag:$0x18], $0x2000, $0x38;
	[tilespmem:$0x18A00] =	vst v63  }
0x14a: {  	_ =	swait.ge [sflag:s12], $0x2000  }
0x14b: {  	s0 =	sld [smem:$0x7F8]  }
0x14c: {  	[sflag:s12] =	ssyncset.done $0x0  }
0x14d: {  	[sflag:s12] =	ssyncadd.s32 $0xFFFFE000  }
0x14e: {  	[tilespmem:s1], [sflag:$0xB] =	stream.indirect.gather [hbm4b:s3+s17], $0x80, s0, s17, $0xb8;
	[tilespmem:$0x18A00] =	vst v63  }
0x14f: {  	_ =	swait.ge [sflag:s14], $0x2000  }
0x150: {  	[sflag:s14] =	ssyncset.done $0x0  }
0x151: {  	s0 =	simm.s32 $0xA00;
	s1 =	rddreg [dreg:$0x1c];
	[sflag:s14] =	ssyncadd.s32 $0xFFFFE000  }
0x152: {  	[hbm4b:s1+s2] =	stream.linear.scatter [tilespmem:s0], [sflag:$0xD], $0x2000, $0x38;
	[tilespmem:$0x18A00] =	vst v63  }
0x153: {  	_ =	swait.ge [sflag:s10], $0x2000  }
0x154: {  	s1 =	sld [smem:$0x7F9]  }
0x155: {  	[sflag:s10] =	ssyncset.done $0x0  }
0x156: {  	s14 =	simm.s32 $0x2;
	[sflag:s10] =	ssyncadd.s32 $0xFFFFE000  }
0x157: {  	[tilespmem:s5], [sflag:$0xC] =	stream.indirect.gather [hbm4b:s3+s17], $0x80, s1, s17, $0xb8;
	[tilespmem:$0x18A00] =	vst v63  }
0x158: {  	_ =	swait.ge [sflag:s14], $0x2000  }
0x159: {  	[sflag:s14] =	ssyncset.done $0x0  }
0x15a: {  	s5 =	rddreg [dreg:$0x1d];
	[sflag:s14] =	ssyncadd.s32 $0xFFFFE000  }
0x15b: {  	[hbm4b:s5+s2] =	stream.linear.scatter [tilespmem:s28], [sflag:$0xE], $0x2000, $0x38;
	[tilespmem:$0x18A00] =	vst v63  }
0x15c: {  	_ =	swait.ge [sflag:s18], $0x2000  }
0x15d: {  	s5 =	sld [smem:$0x7FA]  }
0x15e: {  	[sflag:s18] =	ssyncset.done $0x0  }
0x15f: {  	[sflag:s18] =	ssyncadd.s32 $0xFFFFE000  }
0x160: {  	[tilespmem:s0], [sflag:$0x1] =	stream.indirect.gather [hbm4b:s3+s17], $0x80, s5, s17, $0xb8;
	[tilespmem:$0x18A00] =	vst v63  }
0x161: {  	_ =	swait.ge [sflag:s15], $0x2000  }
0x162: {  	[sflag:s15] =	ssyncset.done $0x0  }
0x163: {  	s5 =	simm.s32 $0x4A00;
	s4 =	rddreg [dreg:$0x1e];
	[sflag:s15] =	ssyncadd.s32 $0xFFFFE000  }
0x164: {  	[hbm4b:s4+s2] =	stream.linear.scatter [tilespmem:s5], [sflag:$0xF], $0x2000, $0x38;
	[tilespmem:$0x18A00] =	vst v63  }
0x165: {  	_ =	swait.ge [sflag:s22], $0x2000  }
0x166: {  	s4 =	sld [smem:$0x7FB]  }
0x167: {  	[sflag:s22] =	ssyncset.done $0x0  }
0x168: {  	[sflag:s22] =	ssyncadd.s32 $0xFFFFE000  }
0x169: {  	[tilespmem:s28], [sflag:$0x2] =	stream.indirect.gather [hbm4b:s3+s17], $0x80, s4, s17, $0xb8;
	[tilespmem:$0x18A00] =	vst v63  }
0x16a: {  	_ =	swait.ge [sflag:s11], $0x2000  }
0x16b: {  	[sflag:s11] =	ssyncset.done $0x0  }
0x16c: {  	s4 =	rddreg [dreg:$0x1f];
	[sflag:s11] =	ssyncadd.s32 $0xFFFFE000;
	s11 =	simm.s32 $0x6A00  }
0x16d: {  	[hbm4b:s4+s2] =	stream.linear.scatter [tilespmem:s11], [sflag:$0x10], $0x2000, $0x38;
	[tilespmem:$0x18A00] =	vst v63  }
0x16e: {  	_ =	swait.ge [sflag:s23], $0x2000  }
0x16f: {  	s4 =	sld [smem:$0x7FC]  }
0x170: {  	[sflag:s23] =	ssyncset.done $0x0  }
0x171: {  	[sflag:s23] =	ssyncadd.s32 $0xFFFFE000  }
0x172: {  	[tilespmem:s5], [sflag:$0x3] =	stream.indirect.gather [hbm4b:s3+s17], $0x80, s4, s17, $0xb8;
	[tilespmem:$0x18A00] =	vst v63  }
0x173: {  	_ =	swait.ge [sflag:s8], $0x2000  }
0x174: {  	s4 =	sld [smem:$0x7CC]  }
0x175: {  	[sflag:s8] =	ssyncset.done $0x0  }
0x176: {  	s23 =	simm.s32 $0x8A00;
	[sflag:s8] =	ssyncadd.s32 $0xFFFFE000  }
0x177: {  	[hbm4b:s4+s2] =	stream.linear.scatter [tilespmem:s23], [sflag:$0x11], $0x2000, $0x38;
	[tilespmem:$0x18A00] =	vst v63  }
0x178: {  	_ =	swait.ge [sflag:s31], $0x2000  }
0x179: {  	s8 =	sld [smem:$0x7FD]  }
0x17a: {  	[sflag:s31] =	ssyncset.done $0x0  }
0x17b: {  	[sflag:s31] =	ssyncadd.s32 $0xFFFFE000  }
0x17c: {  	[tilespmem:s11], [sflag:$0x4] =	stream.indirect.gather [hbm4b:s3+s17], $0x80, s8, s17, $0xb8;
	[tilespmem:$0x18A00] =	vst v63  }
0x17d: {  	_ =	swait.ge [sflag:s25], $0x2000  }
0x17e: {  	s23 =	sld [smem:$0x7CD]  }
0x17f: {  	[sflag:s25] =	ssyncset.done $0x0  }
0x180: {  	[sflag:s25] =	ssyncadd.s32 $0xFFFFE000;
	s25 =	simm.s32 $0xAA00  }
0x181: {  	[hbm4b:s23+s2] =	stream.linear.scatter [tilespmem:s25], [sflag:$0x12], $0x2000, $0x38;
	[tilespmem:$0x18A00] =	vst v63  }
0x182: {  	_ =	swait.ge [sflag:s29], $0x2000  }
0x183: {  	s11 =	sld [smem:$0x7CE]  }
0x184: {  	[sflag:s29] =	ssyncset.done $0x0  }
0x185: {  	s23 =	simm.s32 $0xCA00;
	[sflag:s29] =	ssyncadd.s32 $0xFFFFE000  }
0x186: {  	[hbm4b:s11+s2] =	stream.linear.scatter [tilespmem:s23], [sflag:$0x13], $0x2000, $0x38;
	[tilespmem:$0x18A00] =	vst v63  }
0x187: {  	_ =	swait.ge [sflag:s26], $0x2000  }
0x188: {  	s25 =	sld [smem:$0x7CF]  }
0x189: {  	[sflag:s26] =	ssyncset.done $0x0  }
0x18a: {  	s29 =	simm.s32 $0xEA00;
	[sflag:s26] =	ssyncadd.s32 $0xFFFFE000  }
0x18b: {  	[hbm4b:s25+s2] =	stream.linear.scatter [tilespmem:s29], [sflag:$0x14], $0x2000, $0x38;
	[tilespmem:$0x18A00] =	vst v63  }
0x18c: {  	_ =	swait.ge [sflag:s19], $0x2000  }
0x18d: {  	s23 =	sld [smem:$0x7D0]  }
0x18e: {  	[sflag:s19] =	ssyncset.done $0x0  }
0x18f: {  	s25 =	simm.s32 $0x10A00;
	[sflag:s19] =	ssyncadd.s32 $0xFFFFE000  }
0x190: {  	[hbm4b:s23+s2] =	stream.linear.scatter [tilespmem:s25], [sflag:$0x15], $0x2000, $0x38;
	[tilespmem:$0x18A00] =	vst v63  }
0x191: {  	_ =	swait.ge [sflag:s9], $0x2000  }
0x192: {  	s29 =	sld [smem:$0x7D1]  }
0x193: {  	[sflag:s9] =	ssyncset.done $0x0  }
0x194: {  	s23 =	simm.s32 $0x12A00;
	[sflag:s9] =	ssyncadd.s32 $0xFFFFE000  }
0x195: {  	[hbm4b:s29+s2] =	stream.linear.scatter [tilespmem:s23], [sflag:$0x16], $0x2000, $0x38;
	[tilespmem:$0x18A00] =	vst v63  }
0x196: {  	_ =	swait.ge [sflag:s7], $0x2000  }
0x197: {  	s25 =	sld [smem:$0x7D2]  }
0x198: {  	[sflag:s7] =	ssyncset.done $0x0  }
0x199: {  	s29 =	simm.s32 $0x14A00;
	[sflag:s7] =	ssyncadd.s32 $0xFFFFE000  }
0x19a: {  	[hbm4b:s25+s2] =	stream.linear.scatter [tilespmem:s29], [sflag:$0x17], $0x2000, $0x38;
	[tilespmem:$0x18A00] =	vst v63  }
0x19b: {  	_ =	swait.ge [sflag:s6], $0x2000  }
0x19c: {  	s9 =	sld [smem:$0x7D3]  }
0x19d: {  	[sflag:s6] =	ssyncset.done $0x0  }
0x19e: {  	s1 =	simm.s32 $0x16A00;
	s26 =	simm.s32 $0x1;
	[sflag:s6] =	ssyncadd.s32 $0xFFFFE000  }
0x19f: {  	[hbm4b:s9+s2] =	stream.linear.scatter [tilespmem:s1], [sflag:$0x18], $0x2000, $0x38;
	[tilespmem:$0x18A00] =	vst v63  }
0x1a0: {  	_ =	swait.ge [sflag:s26], $0x2000  }
0x1a1: {  	s23 =	sld [smem:$0x7D4]  }
0x1a2: {  	[sflag:s26] =	ssyncset.done $0x0  }
0x1a3: {  	s0 =	simm.s32 $0xA00;
	[sflag:s26] =	ssyncadd.s32 $0xFFFFE000  }
0x1a4: {  	[hbm4b:s23+s2] =	stream.linear.scatter [tilespmem:s0], [sflag:$0xD], $0x2000, $0x38;
	[tilespmem:$0x18A00] =	vst v63  }
0x1a5: {  	_ =	swait.ge [sflag:s14], $0x2000  }
0x1a6: {  	s25 =	sld [smem:$0x7D5]  }
0x1a7: {  	[sflag:s14] =	ssyncset.done $0x0  }
0x1a8: {  	[sflag:s14] =	ssyncadd.s32 $0xFFFFE000  }
0x1a9: {  	[hbm4b:s25+s2] =	stream.linear.scatter [tilespmem:s28], [sflag:$0xE], $0x2000, $0x38;
	[tilespmem:$0x18A00] =	vst v63  }
0x1aa: {  	_ =	swait.ge [sflag:s15], $0x2000  }
0x1ab: {  	s28 =	sld [smem:$0x7D6]  }
0x1ac: {  	[sflag:s15] =	ssyncset.done $0x0  }
0x1ad: {  	s5 =	simm.s32 $0x4A00;
	s19 =	simm.s32 $0x4;
	[sflag:s15] =	ssyncadd.s32 $0xFFFFE000  }
0x1ae: {  	[hbm4b:s28+s2] =	stream.linear.scatter [tilespmem:s5], [sflag:$0xF], $0x2000, $0x38;
	[tilespmem:$0x18A00] =	vst v63  }
0x1af: {  	_ =	swait.ge [sflag:s19], $0x2000  }
0x1b0: {  	s29 =	sld [smem:$0x7D7]  }
0x1b1: {  	[sflag:s19] =	ssyncset.done $0x0  }
0x1b2: {  	s8 =	simm.s32 $0x6A00;
	[sflag:s19] =	ssyncadd.s32 $0xFFFFE000  }
0x1b3: {  	[hbm4b:s29+s2] =	stream.linear.scatter [tilespmem:s8], [sflag:$0x10], $0x2000, $0x38;
	[tilespmem:$0x18A00] =	vst v63  }
0x1b4: {  	_ =	swait.ge [sflag:s21], $0x2000  }
0x1b5: {  	[sflag:s21] =	ssyncset.done $0x0  }
0x1b6: {  	[sflag:s21] =	ssyncadd.s32 $0xFFFFE000  }
0x1b7: {  	_ =	swait.ge [sflag:s30], $0x2000  }
0x1b8: {  	[sflag:s30] =	ssyncset.done $0x0  }
0x1b9: {  	[sflag:s30] =	ssyncadd.s32 $0xFFFFE000  }
0x1ba: {  	_ =	swait.ge [sflag:s20], $0x2000  }
0x1bb: {  	[sflag:s20] =	ssyncset.done $0x0  }
0x1bc: {  	[sflag:s20] =	ssyncadd.s32 $0xFFFFE000  }
0x1bd: {  	_ =	swait.ge [sflag:s24], $0x2000  }
0x1be: {  	[sflag:s24] =	ssyncset.done $0x0  }
0x1bf: {  	[sflag:s24] =	ssyncadd.s32 $0xFFFFE000  }
0x1c0: {  	_ =	swait.ge [sflag:s16], $0x2000  }
0x1c1: {  	[sflag:s16] =	ssyncset.done $0x0  }
0x1c2: {  	[sflag:s16] =	ssyncadd.s32 $0xFFFFE000  }
0x1c3: {  	_ =	swait.ge [sflag:s13], $0x2000  }
0x1c4: {  	[sflag:s13] =	ssyncset.done $0x0  }
0x1c5: {  	[sflag:s13] =	ssyncadd.s32 $0xFFFFE000  }
0x1c6: {  	_ =	swait.ge [sflag:s12], $0x2000  }
0x1c7: {  	[sflag:s12] =	ssyncset.done $0x0  }
0x1c8: {  	[sflag:s12] =	ssyncadd.s32 $0xFFFFE000  }
0x1c9: {  	_ =	swait.ge [sflag:s10], $0x2000  }
0x1ca: {  	[sflag:s10] =	ssyncset.done $0x0  }
0x1cb: {  	[sflag:s10] =	ssyncadd.s32 $0xFFFFE000  }
0x1cc: {  	_ =	swait.ge [sflag:s18], $0x2000  }
0x1cd: {  	[sflag:s18] =	ssyncset.done $0x0  }
0x1ce: {  	[sflag:s18] =	ssyncadd.s32 $0xFFFFE000  }
0x1cf: {  	_ =	swait.ge [sflag:s22], $0x2000  }
0x1d0: {  	[sflag:s22] =	ssyncset.done $0x0  }
0x1d1: {  	s11 =	simm.s32 $0xF;
	[sflag:s22] =	ssyncadd.s32 $0xFFFFE000  }
0x1d2: {  	_ =	swait.ge [sflag:s11], $0x2000  }
0x1d3: {  	s30 =	sld [smem:$0x7CA];
	_ =	sdelay $0x2  }
0x1d4: {  	p1 =	sne.s32 s30, $0x1  }
.Ltmp1:
0x1d5: {  	_ = 	snop;
	(pc) =	sbr.rel @!p1 .LBB2_7-.Ltmp1, $4  }
0x1d6: {  	[sflag:s11] =	ssyncset.done $0x0  }
0x1d7: {  	[sflag:s11] =	ssyncadd.s32 $0xFFFFE000  }
0x1d8: {  	p0 =	por $0x1, $0x1;
	s1 =	simm.s32 $0x2A00;
	_ =	swait.ge [sflag:s31], $0x2000  }
0x1d9: {  	s8 =	sadd.s32 $0xFFFFFFFF, s30;
	s5 =	rddreg [dreg:$0x4];
	[sflag:s31] =	ssyncset.done $0x0  }
0x1da: {  	s10 =	simm.s32 $0xD;
	s22 =	simm.s32 $0xE  }
0x1db: {  	s31 =	simm.s32 $0x11;
	s29 =	simm.s32 $0x7;
	s30 =	simm.s32 $0x12  }
0x1dc: {  	s20 =	simm.s32 $0x16;
	s18 =	simm.s32 $0xC;
	s21 =	simm.s32 $0x17  }
.LBB2_4:
0x1dd: {  	s0 =	simm.s32 $0x10  }
0x1de: {  	s25 =	simm.s32 $0x19;
	[sflag:s0] =	ssyncadd.s32 $0xFFFFE000  }
0x1df: {  	[tilespmem:s2], [sflag:$0x19] =	stream.linear.gather [hbm4b:s5+s2], $0xA00, $0x38;
	[tilespmem:$0x18A00] =	vst v63  }
0x1e0: {  	_ =	swait.ge [sflag:s25], $0xA00  }
0x1e1: {  	[sflag:s25] =	ssyncset.done $0x0  }
0x1e2: {  	s28 =	simm.s32 $0xA00;
	[sflag:s25] =	ssyncadd.s32 $0xFFFFF600  }
0x1e3: {  	[tilespmem:s28], [sflag:$0x1] =	stream.indirect.gather [hbm4b:s3+s17], $0x80, s2, s17, $0xb8;
	[tilespmem:$0x18A00] =	vst v63  }
0x1e4: {  	s0 =	sld [smem:$0x7D8]  }
0x1e5: {  	[tilespmem:s1], [sflag:$0x2] =	stream.indirect.gather [hbm4b:s3+s17], $0x80, s17, s17, $0xb8;
	[tilespmem:$0x18A00] =	vst v63  }
0x1e6: {  	s13 =	simm.s32 $0x4A00;
	s6 =	sld [smem:$0x7D9]  }
0x1e7: {  	[tilespmem:s13], [sflag:$0x3] =	stream.indirect.gather [hbm4b:s3+s17], $0x80, s0, s17, $0xb8;
	[tilespmem:$0x18A00] =	vst v63  }
0x1e8: {  	s7 =	simm.s32 $0x6A00;
	s4 =	sld [smem:$0x7DA]  }
0x1e9: {  	[tilespmem:s7], [sflag:$0x4] =	stream.indirect.gather [hbm4b:s3+s17], $0x80, s6, s17, $0xb8;
	[tilespmem:$0x18A00] =	vst v63  }
0x1ea: {  	s11 =	simm.s32 $0x8A00;
	s9 =	sld [smem:$0x7DB]  }
0x1eb: {  	[tilespmem:s11], [sflag:$0x5] =	stream.indirect.gather [hbm4b:s3+s17], $0x80, s4, s17, $0xb8;
	[tilespmem:$0x18A00] =	vst v63  }
0x1ec: {  	s12 =	sld [smem:$0x7DC];
	s13 =	simm.s32 $0xAA00  }
0x1ed: {  	[tilespmem:s13], [sflag:$0x6] =	stream.indirect.gather [hbm4b:s3+s17], $0x80, s9, s17, $0xb8;
	[tilespmem:$0x18A00] =	vst v63  }
0x1ee: {  	s24 =	simm.s32 $0xCA00;
	s16 =	sld [smem:$0x7DD]  }
0x1ef: {  	[tilespmem:s24], [sflag:$0x7] =	stream.indirect.gather [hbm4b:s3+s17], $0x80, s12, s17, $0xb8;
	[tilespmem:$0x18A00] =	vst v63  }
0x1f0: {  	s28 =	sld [smem:$0x7DE];
	s1 =	simm.s32 $0xEA00  }
0x1f1: {  	[tilespmem:s1], [sflag:$0x8] =	stream.indirect.gather [hbm4b:s3+s17], $0x80, s16, s17, $0xb8;
	[tilespmem:$0x18A00] =	vst v63  }
0x1f2: {  	s7 =	simm.s32 $0x10A00;
	s4 =	sld [smem:$0x7DF]  }
0x1f3: {  	[tilespmem:s7], [sflag:$0x9] =	stream.indirect.gather [hbm4b:s3+s17], $0x80, s28, s17, $0xb8;
	[tilespmem:$0x18A00] =	vst v63  }
0x1f4: {  	s12 =	sld [smem:$0x7E0];
	s16 =	simm.s32 $0x12A00  }
0x1f5: {  	[tilespmem:s16], [sflag:$0xA] =	stream.indirect.gather [hbm4b:s3+s17], $0x80, s4, s17, $0xb8;
	[tilespmem:$0x18A00] =	vst v63  }
0x1f6: {  	s24 =	simm.s32 $0x14A00  }
0x1f7: {  	[tilespmem:s24], [sflag:$0xB] =	stream.indirect.gather [hbm4b:s3+s17], $0x80, s12, s17, $0xb8;
	[tilespmem:$0x18A00] =	vst v63  }
0x1f8: {  	_ =	swait.ge [sflag:s26], $0x2000  }
0x1f9: {  	s24 =	sld [smem:$0x7CB]  }
0x1fa: {  	[sflag:s26] =	ssyncset.done $0x0  }
0x1fb: {  	s28 =	simm.s32 $0xA00;
	[sflag:s26] =	ssyncadd.s32 $0xFFFFE000;
	s26 =	sld [smem:$0x7E1]  }
0x1fc: {  	[hbm4b:s24+s2] =	stream.linear.scatter [tilespmem:s28], [sflag:$0xD], $0x2000, $0x38;
	[tilespmem:$0x18A00] =	vst v63  }
0x1fd: {  	s4 =	simm.s32 $0x16A00  }
0x1fe: {  	[tilespmem:s4], [sflag:$0xC] =	stream.indirect.gather [hbm4b:s3+s17], $0x80, s26, s17, $0xb8;
	[tilespmem:$0x18A00] =	vst v63  }
0x1ff: {  	_ =	swait.ge [sflag:s14], $0x2000  }
0x200: {  	[sflag:s14] =	ssyncset.done $0x0  }
0x201: {  	s25 =	simm.s32 $0x2A00;
	s6 =	rddreg [dreg:$0x5];
	[sflag:s14] =	ssyncadd.s32 $0xFFFFE000  }
0x202: {  	[hbm4b:s6+s2] =	stream.linear.scatter [tilespmem:s25], [sflag:$0xE], $0x2000, $0x38;
	[tilespmem:$0x18A00] =	vst v63  }
0x203: {  	_ =	swait.ge [sflag:s10], $0x2000  }
0x204: {  	s12 =	sld [smem:$0x7E2]  }
0x205: {  	[sflag:s10] =	ssyncset.done $0x0  }
0x206: {  	[sflag:s10] =	ssyncadd.s32 $0xFFFFE000  }
0x207: {  	[tilespmem:s28], [sflag:$0x1] =	stream.indirect.gather [hbm4b:s3+s17], $0x80, s12, s17, $0xb8;
	[tilespmem:$0x18A00] =	vst v63  }
0x208: {  	_ =	swait.ge [sflag:s15], $0x2000  }
0x209: {  	[sflag:s15] =	ssyncset.done $0x0  }
0x20a: {  	s16 =	simm.s32 $0x4A00;
	s14 =	rddreg [dreg:$0x6];
	[sflag:s15] =	ssyncadd.s32 $0xFFFFE000  }
0x20b: {  	[hbm4b:s14+s2] =	stream.linear.scatter [tilespmem:s16], [sflag:$0xF], $0x2000, $0x38;
	[tilespmem:$0x18A00] =	vst v63  }
0x20c: {  	_ =	swait.ge [sflag:s22], $0x2000  }
0x20d: {  	s24 =	sld [smem:$0x7E3]  }
0x20e: {  	[sflag:s22] =	ssyncset.done $0x0  }
0x20f: {  	[sflag:s22] =	ssyncadd.s32 $0xFFFFE000  }
0x210: {  	[tilespmem:s25], [sflag:$0x2] =	stream.indirect.gather [hbm4b:s3+s17], $0x80, s24, s17, $0xb8;
	[tilespmem:$0x18A00] =	vst v63  }
0x211: {  	_ =	swait.ge [sflag:s19], $0x2000  }
0x212: {  	s23 =	simm.s32 $0xF;
	[sflag:s19] =	ssyncset.done $0x0  }
0x213: {  	s28 =	simm.s32 $0x6A00;
	s26 =	rddreg [dreg:$0x7];
	[sflag:s19] =	ssyncadd.s32 $0xFFFFE000  }
0x214: {  	[hbm4b:s26+s2] =	stream.linear.scatter [tilespmem:s28], [sflag:$0x10], $0x2000, $0x38;
	[tilespmem:$0x18A00] =	vst v63  }
0x215: {  	_ =	swait.ge [sflag:s23], $0x2000  }
0x216: {  	s12 =	sld [smem:$0x7E4]  }
0x217: {  	[sflag:s23] =	ssyncset.done $0x0  }
0x218: {  	s1 =	simm.s32 $0x5;
	[sflag:s23] =	ssyncadd.s32 $0xFFFFE000  }
0x219: {  	[tilespmem:s16], [sflag:$0x3] =	stream.indirect.gather [hbm4b:s3+s17], $0x80, s12, s17, $0xb8;
	[tilespmem:$0x18A00] =	vst v63  }
0x21a: {  	_ =	swait.ge [sflag:s1], $0x2000  }
0x21b: {  	[sflag:s1] =	ssyncset.done $0x0  }
0x21c: {  	s15 =	simm.s32 $0x10;
	s14 =	rddreg [dreg:$0x8];
	[sflag:s1] =	ssyncadd.s32 $0xFFFFE000  }
0x21d: {  	[hbm4b:s14+s2] =	stream.linear.scatter [tilespmem:s11], [sflag:$0x11], $0x2000, $0x38;
	[tilespmem:$0x18A00] =	vst v63  }
0x21e: {  	_ =	swait.ge [sflag:s15], $0x2000  }
0x21f: {  	s16 =	sld [smem:$0x7E5]  }
0x220: {  	[sflag:s15] =	ssyncset.done $0x0  }
0x221: {  	s6 =	simm.s32 $0x6;
	[sflag:s15] =	ssyncadd.s32 $0xFFFFE000  }
0x222: {  	[tilespmem:s28], [sflag:$0x4] =	stream.indirect.gather [hbm4b:s3+s17], $0x80, s16, s17, $0xb8;
	[tilespmem:$0x18A00] =	vst v63  }
0x223: {  	_ =	swait.ge [sflag:s6], $0x2000  }
0x224: {  	[sflag:s6] =	ssyncset.done $0x0  }
0x225: {  	s12 =	simm.s32 $0xAA00;
	s19 =	rddreg [dreg:$0x9];
	[sflag:s6] =	ssyncadd.s32 $0xFFFFE000  }
0x226: {  	[hbm4b:s19+s2] =	stream.linear.scatter [tilespmem:s12], [sflag:$0x12], $0x2000, $0x38;
	[tilespmem:$0x18A00] =	vst v63  }
0x227: {  	_ =	swait.ge [sflag:s31], $0x2000  }
0x228: {  	s24 =	sld [smem:$0x7E6]  }
0x229: {  	[sflag:s31] =	ssyncset.done $0x0  }
0x22a: {  	[sflag:s31] =	ssyncadd.s32 $0xFFFFE000  }
0x22b: {  	[tilespmem:s11], [sflag:$0x5] =	stream.indirect.gather [hbm4b:s3+s17], $0x80, s24, s17, $0xb8;
	[tilespmem:$0x18A00] =	vst v63  }
0x22c: {  	_ =	swait.ge [sflag:s29], $0x2000  }
0x22d: {  	[sflag:s29] =	ssyncset.done $0x0  }
0x22e: {  	s28 =	simm.s32 $0xCA00;
	s26 =	rddreg [dreg:$0xa];
	[sflag:s29] =	ssyncadd.s32 $0xFFFFE000  }
0x22f: {  	[hbm4b:s26+s2] =	stream.linear.scatter [tilespmem:s28], [sflag:$0x13], $0x2000, $0x38;
	[tilespmem:$0x18A00] =	vst v63  }
0x230: {  	_ =	swait.ge [sflag:s30], $0x2000  }
0x231: {  	s15 =	sld [smem:$0x7E7]  }
0x232: {  	[sflag:s30] =	ssyncset.done $0x0  }
0x233: {  	s26 =	simm.s32 $0x8;
	[sflag:s30] =	ssyncadd.s32 $0xFFFFE000  }
0x234: {  	[tilespmem:s12], [sflag:$0x6] =	stream.indirect.gather [hbm4b:s3+s17], $0x80, s15, s17, $0xb8;
	[tilespmem:$0x18A00] =	vst v63  }
0x235: {  	_ =	swait.ge [sflag:s26], $0x2000  }
0x236: {  	s9 =	simm.s32 $0xEA00;
	[sflag:s26] =	ssyncset.done $0x0  }
0x237: {  	s12 =	simm.s32 $0x13;
	s16 =	rddreg [dreg:$0xb];
	[sflag:s26] =	ssyncadd.s32 $0xFFFFE000  }
0x238: {  	[hbm4b:s16+s2] =	stream.linear.scatter [tilespmem:s9], [sflag:$0x14], $0x2000, $0x38;
	[tilespmem:$0x18A00] =	vst v63  }
0x239: {  	_ =	swait.ge [sflag:s12], $0x2000  }
0x23a: {  	s19 =	sld [smem:$0x7E8]  }
0x23b: {  	[sflag:s12] =	ssyncset.done $0x0  }
0x23c: {  	[sflag:s12] =	ssyncadd.s32 $0xFFFFE000  }
0x23d: {  	[tilespmem:s28], [sflag:$0x7] =	stream.indirect.gather [hbm4b:s3+s17], $0x80, s19, s17, $0xb8;
	[tilespmem:$0x18A00] =	vst v63  }
0x23e: {  	s19 =	simm.s32 $0x9  }
0x23f: {  	_ =	swait.ge [sflag:s19], $0x2000  }
0x240: {  	[sflag:s19] =	ssyncset.done $0x0  }
0x241: {  	s7 =	simm.s32 $0x10A00;
	s24 =	rddreg [dreg:$0xc];
	[sflag:s19] =	ssyncadd.s32 $0xFFFFE000  }
0x242: {  	[hbm4b:s24+s2] =	stream.linear.scatter [tilespmem:s7], [sflag:$0x15], $0x2000, $0x38;
	[tilespmem:$0x18A00] =	vst v63  }
0x243: {  	s24 =	simm.s32 $0x14  }
0x244: {  	_ =	swait.ge [sflag:s24], $0x2000  }
0x245: {  	s28 =	sld [smem:$0x7E9]  }
0x246: {  	[sflag:s24] =	ssyncset.done $0x0  }
0x247: {  	[sflag:s24] =	ssyncadd.s32 $0xFFFFE000  }
0x248: {  	[tilespmem:s9], [sflag:$0x8] =	stream.indirect.gather [hbm4b:s3+s17], $0x80, s28, s17, $0xb8;
	[tilespmem:$0x18A00] =	vst v63  }
0x249: {  	s9 =	simm.s32 $0xA  }
0x24a: {  	_ =	swait.ge [sflag:s9], $0x2000  }
0x24b: {  	[sflag:s9] =	ssyncset.done $0x0  }
0x24c: {  	s13 =	simm.s32 $0x12A00;
	s0 =	rddreg [dreg:$0xd];
	[sflag:s9] =	ssyncadd.s32 $0xFFFFE000  }
0x24d: {  	[hbm4b:s0+s2] =	stream.linear.scatter [tilespmem:s13], [sflag:$0x16], $0x2000, $0x38;
	[tilespmem:$0x18A00] =	vst v63  }
0x24e: {  	s0 =	simm.s32 $0x15  }
0x24f: {  	_ =	swait.ge [sflag:s0], $0x2000  }
0x250: {  	s28 =	sld [smem:$0x7EA]  }
0x251: {  	[sflag:s0] =	ssyncset.done $0x0  }
0x252: {  	[sflag:s0] =	ssyncadd.s32 $0xFFFFE000  }
0x253: {  	[tilespmem:s7], [sflag:$0x9] =	stream.indirect.gather [hbm4b:s3+s17], $0x80, s28, s17, $0xb8;
	[tilespmem:$0x18A00] =	vst v63  }
0x254: {  	s7 =	simm.s32 $0xB  }
0x255: {  	_ =	swait.ge [sflag:s7], $0x2000  }
0x256: {  	[sflag:s7] =	ssyncset.done $0x0  }
0x257: {  	s28 =	simm.s32 $0x14A00;
	s5 =	rddreg [dreg:$0xe];
	[sflag:s7] =	ssyncadd.s32 $0xFFFFE000  }
0x258: {  	[hbm4b:s5+s2] =	stream.linear.scatter [tilespmem:s28], [sflag:$0x17], $0x2000, $0x38;
	[tilespmem:$0x18A00] =	vst v63  }
0x259: {  	_ =	swait.ge [sflag:s20], $0x2000  }
0x25a: {  	s5 =	sld [smem:$0x7EB]  }
0x25b: {  	[sflag:s20] =	ssyncset.done $0x0  }
0x25c: {  	[sflag:s20] =	ssyncadd.s32 $0xFFFFE000  }
0x25d: {  	[tilespmem:s13], [sflag:$0xA] =	stream.indirect.gather [hbm4b:s3+s17], $0x80, s5, s17, $0xb8;
	[tilespmem:$0x18A00] =	vst v63  }
0x25e: {  	_ =	swait.ge [sflag:s18], $0x2000  }
0x25f: {  	[sflag:s18] =	ssyncset.done $0x0  }
0x260: {  	s13 =	simm.s32 $0x16A00;
	s5 =	rddreg [dreg:$0xf];
	[sflag:s18] =	ssyncadd.s32 $0xFFFFE000  }
0x261: {  	[hbm4b:s5+s2] =	stream.linear.scatter [tilespmem:s13], [sflag:$0x18], $0x2000, $0x38;
	[tilespmem:$0x18A00] =	vst v63  }
0x262: {  	_ =	swait.ge [sflag:s21], $0x2000  }
0x263: {  	s5 =	sld [smem:$0x7EC]  }
0x264: {  	[sflag:s21] =	ssyncset.done $0x0  }
0x265: {  	s14 =	simm.s32 $0x1;
	[sflag:s21] =	ssyncadd.s32 $0xFFFFE000  }
0x266: {  	[tilespmem:s28], [sflag:$0xB] =	stream.indirect.gather [hbm4b:s3+s17], $0x80, s5, s17, $0xb8;
	[tilespmem:$0x18A00] =	vst v63  }
0x267: {  	_ =	swait.ge [sflag:s14], $0x2000  }
0x268: {  	[sflag:s14] =	ssyncset.done $0x0  }
0x269: {  	s4 =	simm.s32 $0xA00;
	s28 =	rddreg [dreg:$0x10];
	[sflag:s14] =	ssyncadd.s32 $0xFFFFE000  }
0x26a: {  	[hbm4b:s28+s2] =	stream.linear.scatter [tilespmem:s4], [sflag:$0xD], $0x2000, $0x38;
	[tilespmem:$0x18A00] =	vst v63  }
0x26b: {  	s28 =	simm.s32 $0x18  }
0x26c: {  	_ =	swait.ge [sflag:s28], $0x2000  }
0x26d: {  	s5 =	sld [smem:$0x7ED]  }
0x26e: {  	[sflag:s28] =	ssyncset.done $0x0  }
0x26f: {  	s15 =	simm.s32 $0x2;
	[sflag:s28] =	ssyncadd.s32 $0xFFFFE000  }
0x270: {  	[tilespmem:s13], [sflag:$0xC] =	stream.indirect.gather [hbm4b:s3+s17], $0x80, s5, s17, $0xb8;
	[tilespmem:$0x18A00] =	vst v63  }
0x271: {  	_ =	swait.ge [sflag:s15], $0x2000  }
0x272: {  	[sflag:s15] =	ssyncset.done $0x0  }
0x273: {  	s13 =	rddreg [dreg:$0x11];
	[sflag:s15] =	ssyncadd.s32 $0xFFFFE000  }
0x274: {  	[hbm4b:s13+s2] =	stream.linear.scatter [tilespmem:s25], [sflag:$0xE], $0x2000, $0x38;
	[tilespmem:$0x18A00] =	vst v63  }
0x275: {  	_ =	swait.ge [sflag:s10], $0x2000  }
0x276: {  	s13 =	sld [smem:$0x7EE]  }
0x277: {  	[sflag:s10] =	ssyncset.done $0x0  }
0x278: {  	s15 =	simm.s32 $0x3;
	[sflag:s10] =	ssyncadd.s32 $0xFFFFE000  }
0x279: {  	[tilespmem:s4], [sflag:$0x1] =	stream.indirect.gather [hbm4b:s3+s17], $0x80, s13, s17, $0xb8;
	[tilespmem:$0x18A00] =	vst v63  }
0x27a: {  	_ =	swait.ge [sflag:s15], $0x2000  }
0x27b: {  	[sflag:s15] =	ssyncset.done $0x0  }
0x27c: {  	s13 =	simm.s32 $0x4A00;
	s4 =	rddreg [dreg:$0x12];
	[sflag:s15] =	ssyncadd.s32 $0xFFFFE000  }
0x27d: {  	[hbm4b:s4+s2] =	stream.linear.scatter [tilespmem:s13], [sflag:$0xF], $0x2000, $0x38;
	[tilespmem:$0x18A00] =	vst v63  }
0x27e: {  	_ =	swait.ge [sflag:s22], $0x2000  }
0x27f: {  	s4 =	sld [smem:$0x7EF]  }
0x280: {  	[sflag:s22] =	ssyncset.done $0x0  }
0x281: {  	s16 =	simm.s32 $0x4;
	[sflag:s22] =	ssyncadd.s32 $0xFFFFE000  }
0x282: {  	[tilespmem:s25], [sflag:$0x2] =	stream.indirect.gather [hbm4b:s3+s17], $0x80, s4, s17, $0xb8;
	[tilespmem:$0x18A00] =	vst v63  }
0x283: {  	_ =	swait.ge [sflag:s16], $0x2000  }
0x284: {  	[sflag:s16] =	ssyncset.done $0x0  }
0x285: {  	s25 =	simm.s32 $0x6A00;
	s4 =	rddreg [dreg:$0x13];
	[sflag:s16] =	ssyncadd.s32 $0xFFFFE000  }
0x286: {  	[hbm4b:s4+s2] =	stream.linear.scatter [tilespmem:s25], [sflag:$0x10], $0x2000, $0x38;
	[tilespmem:$0x18A00] =	vst v63  }
0x287: {  	_ =	swait.ge [sflag:s23], $0x2000  }
0x288: {  	s4 =	sld [smem:$0x7F0]  }
0x289: {  	[sflag:s23] =	ssyncset.done $0x0  }
0x28a: {  	[sflag:s23] =	ssyncadd.s32 $0xFFFFE000  }
0x28b: {  	[tilespmem:s13], [sflag:$0x3] =	stream.indirect.gather [hbm4b:s3+s17], $0x80, s4, s17, $0xb8;
	[tilespmem:$0x18A00] =	vst v63  }
0x28c: {  	_ =	swait.ge [sflag:s1], $0x2000  }
0x28d: {  	[sflag:s1] =	ssyncset.done $0x0  }
0x28e: {  	s5 =	simm.s32 $0x10;
	s4 =	rddreg [dreg:$0x14];
	[sflag:s1] =	ssyncadd.s32 $0xFFFFE000  }
0x28f: {  	[hbm4b:s4+s2] =	stream.linear.scatter [tilespmem:s11], [sflag:$0x11], $0x2000, $0x38;
	[tilespmem:$0x18A00] =	vst v63  }
0x290: {  	_ =	swait.ge [sflag:s5], $0x2000  }
0x291: {  	s13 =	sld [smem:$0x7F1]  }
0x292: {  	[sflag:s5] =	ssyncset.done $0x0  }
0x293: {  	[sflag:s5] =	ssyncadd.s32 $0xFFFFE000  }
0x294: {  	[tilespmem:s25], [sflag:$0x4] =	stream.indirect.gather [hbm4b:s3+s17], $0x80, s13, s17, $0xb8;
	[tilespmem:$0x18A00] =	vst v63  }
0x295: {  	_ =	swait.ge [sflag:s6], $0x2000  }
0x296: {  	[sflag:s6] =	ssyncset.done $0x0  }
0x297: {  	s13 =	simm.s32 $0xAA00;
	s4 =	rddreg [dreg:$0x15];
	[sflag:s6] =	ssyncadd.s32 $0xFFFFE000  }
0x298: {  	[hbm4b:s4+s2] =	stream.linear.scatter [tilespmem:s13], [sflag:$0x12], $0x2000, $0x38;
	[tilespmem:$0x18A00] =	vst v63  }
0x299: {  	_ =	swait.ge [sflag:s31], $0x2000  }
0x29a: {  	s25 =	sld [smem:$0x7F2]  }
0x29b: {  	[sflag:s31] =	ssyncset.done $0x0  }
0x29c: {  	[sflag:s31] =	ssyncadd.s32 $0xFFFFE000  }
0x29d: {  	[tilespmem:s11], [sflag:$0x5] =	stream.indirect.gather [hbm4b:s3+s17], $0x80, s25, s17, $0xb8;
	[tilespmem:$0x18A00] =	vst v63  }
0x29e: {  	_ =	swait.ge [sflag:s29], $0x2000  }
0x29f: {  	[sflag:s29] =	ssyncset.done $0x0  }
0x2a0: {  	s25 =	simm.s32 $0xCA00;
	s4 =	rddreg [dreg:$0x16];
	[sflag:s29] =	ssyncadd.s32 $0xFFFFE000  }
0x2a1: {  	[hbm4b:s4+s2] =	stream.linear.scatter [tilespmem:s25], [sflag:$0x13], $0x2000, $0x38;
	[tilespmem:$0x18A00] =	vst v63  }
0x2a2: {  	_ =	swait.ge [sflag:s30], $0x2000  }
0x2a3: {  	s4 =	sld [smem:$0x7F3]  }
0x2a4: {  	[sflag:s30] =	ssyncset.done $0x0  }
0x2a5: {  	[sflag:s30] =	ssyncadd.s32 $0xFFFFE000  }
0x2a6: {  	[tilespmem:s13], [sflag:$0x6] =	stream.indirect.gather [hbm4b:s3+s17], $0x80, s4, s17, $0xb8;
	[tilespmem:$0x18A00] =	vst v63  }
0x2a7: {  	_ =	swait.ge [sflag:s26], $0x2000  }
0x2a8: {  	[sflag:s26] =	ssyncset.done $0x0  }
0x2a9: {  	s13 =	simm.s32 $0xEA00;
	s4 =	rddreg [dreg:$0x17];
	[sflag:s26] =	ssyncadd.s32 $0xFFFFE000  }
0x2aa: {  	[hbm4b:s4+s2] =	stream.linear.scatter [tilespmem:s13], [sflag:$0x14], $0x2000, $0x38;
	[tilespmem:$0x18A00] =	vst v63  }
0x2ab: {  	_ =	swait.ge [sflag:s12], $0x2000  }
0x2ac: {  	s4 =	sld [smem:$0x7F4]  }
0x2ad: {  	[sflag:s12] =	ssyncset.done $0x0  }
0x2ae: {  	[sflag:s12] =	ssyncadd.s32 $0xFFFFE000  }
0x2af: {  	[tilespmem:s25], [sflag:$0x7] =	stream.indirect.gather [hbm4b:s3+s17], $0x80, s4, s17, $0xb8;
	[tilespmem:$0x18A00] =	vst v63  }
0x2b0: {  	_ =	swait.ge [sflag:s19], $0x2000  }
0x2b1: {  	[sflag:s19] =	ssyncset.done $0x0  }
0x2b2: {  	s25 =	simm.s32 $0x10A00;
	s4 =	rddreg [dreg:$0x18];
	[sflag:s19] =	ssyncadd.s32 $0xFFFFE000  }
0x2b3: {  	[hbm4b:s4+s2] =	stream.linear.scatter [tilespmem:s25], [sflag:$0x15], $0x2000, $0x38;
	[tilespmem:$0x18A00] =	vst v63  }
0x2b4: {  	_ =	swait.ge [sflag:s24], $0x2000  }
0x2b5: {  	s4 =	sld [smem:$0x7F5]  }
0x2b6: {  	[sflag:s24] =	ssyncset.done $0x0  }
0x2b7: {  	[sflag:s24] =	ssyncadd.s32 $0xFFFFE000  }
0x2b8: {  	[tilespmem:s13], [sflag:$0x8] =	stream.indirect.gather [hbm4b:s3+s17], $0x80, s4, s17, $0xb8;
	[tilespmem:$0x18A00] =	vst v63  }
0x2b9: {  	_ =	swait.ge [sflag:s9], $0x2000  }
0x2ba: {  	[sflag:s9] =	ssyncset.done $0x0  }
0x2bb: {  	s13 =	simm.s32 $0x12A00;
	s4 =	rddreg [dreg:$0x19];
	[sflag:s9] =	ssyncadd.s32 $0xFFFFE000  }
0x2bc: {  	[hbm4b:s4+s2] =	stream.linear.scatter [tilespmem:s13], [sflag:$0x16], $0x2000, $0x38;
	[tilespmem:$0x18A00] =	vst v63  }
0x2bd: {  	_ =	swait.ge [sflag:s0], $0x2000  }
0x2be: {  	s4 =	sld [smem:$0x7F6]  }
0x2bf: {  	[sflag:s0] =	ssyncset.done $0x0  }
0x2c0: {  	[sflag:s0] =	ssyncadd.s32 $0xFFFFE000  }
0x2c1: {  	[tilespmem:s25], [sflag:$0x9] =	stream.indirect.gather [hbm4b:s3+s17], $0x80, s4, s17, $0xb8;
	[tilespmem:$0x18A00] =	vst v63  }
0x2c2: {  	_ =	swait.ge [sflag:s7], $0x2000  }
0x2c3: {  	[sflag:s7] =	ssyncset.done $0x0  }
0x2c4: {  	s25 =	simm.s32 $0x14A00;
	s4 =	rddreg [dreg:$0x1a];
	[sflag:s7] =	ssyncadd.s32 $0xFFFFE000  }
0x2c5: {  	[hbm4b:s4+s2] =	stream.linear.scatter [tilespmem:s25], [sflag:$0x17], $0x2000, $0x38;
	[tilespmem:$0x18A00] =	vst v63  }
0x2c6: {  	_ =	swait.ge [sflag:s20], $0x2000  }
0x2c7: {  	s4 =	sld [smem:$0x7F7]  }
0x2c8: {  	[sflag:s20] =	ssyncset.done $0x0  }
0x2c9: {  	[sflag:s20] =	ssyncadd.s32 $0xFFFFE000  }
0x2ca: {  	[tilespmem:s13], [sflag:$0xA] =	stream.indirect.gather [hbm4b:s3+s17], $0x80, s4, s17, $0xb8;
	[tilespmem:$0x18A00] =	vst v63  }
0x2cb: {  	_ =	swait.ge [sflag:s18], $0x2000  }
0x2cc: {  	[sflag:s18] =	ssyncset.done $0x0  }
0x2cd: {  	s4 =	simm.s32 $0x16A00;
	s13 =	rddreg [dreg:$0x1b];
	[sflag:s18] =	ssyncadd.s32 $0xFFFFE000  }
0x2ce: {  	[hbm4b:s13+s2] =	stream.linear.scatter [tilespmem:s4], [sflag:$0x18], $0x2000, $0x38;
	[tilespmem:$0x18A00] =	vst v63  }
0x2cf: {  	_ =	swait.ge [sflag:s21], $0x2000  }
0x2d0: {  	s13 =	sld [smem:$0x7F8]  }
0x2d1: {  	[sflag:s21] =	ssyncset.done $0x0  }
0x2d2: {  	[sflag:s21] =	ssyncadd.s32 $0xFFFFE000  }
0x2d3: {  	[tilespmem:s25], [sflag:$0xB] =	stream.indirect.gather [hbm4b:s3+s17], $0x80, s13, s17, $0xb8;
	[tilespmem:$0x18A00] =	vst v63  }
0x2d4: {  	_ =	swait.ge [sflag:s14], $0x2000  }
0x2d5: {  	[sflag:s14] =	ssyncset.done $0x0  }
0x2d6: {  	s13 =	simm.s32 $0xA00;
	s25 =	rddreg [dreg:$0x1c];
	[sflag:s14] =	ssyncadd.s32 $0xFFFFE000  }
0x2d7: {  	[hbm4b:s25+s2] =	stream.linear.scatter [tilespmem:s13], [sflag:$0xD], $0x2000, $0x38;
	[tilespmem:$0x18A00] =	vst v63  }
0x2d8: {  	_ =	swait.ge [sflag:s28], $0x2000  }
0x2d9: {  	s25 =	sld [smem:$0x7F9]  }
0x2da: {  	[sflag:s28] =	ssyncset.done $0x0  }
0x2db: {  	s14 =	simm.s32 $0x2;
	[sflag:s28] =	ssyncadd.s32 $0xFFFFE000  }
0x2dc: {  	[tilespmem:s4], [sflag:$0xC] =	stream.indirect.gather [hbm4b:s3+s17], $0x80, s25, s17, $0xb8;
	[tilespmem:$0x18A00] =	vst v63  }
0x2dd: {  	_ =	swait.ge [sflag:s14], $0x2000  }
0x2de: {  	[sflag:s14] =	ssyncset.done $0x0  }
0x2df: {  	s25 =	simm.s32 $0x2A00;
	s4 =	rddreg [dreg:$0x1d];
	[sflag:s14] =	ssyncadd.s32 $0xFFFFE000  }
0x2e0: {  	[hbm4b:s4+s2] =	stream.linear.scatter [tilespmem:s25], [sflag:$0xE], $0x2000, $0x38;
	[tilespmem:$0x18A00] =	vst v63  }
0x2e1: {  	_ =	swait.ge [sflag:s10], $0x2000  }
0x2e2: {  	s4 =	sld [smem:$0x7FA]  }
0x2e3: {  	[sflag:s10] =	ssyncset.done $0x0  }
0x2e4: {  	[sflag:s10] =	ssyncadd.s32 $0xFFFFE000  }
0x2e5: {  	[tilespmem:s13], [sflag:$0x1] =	stream.indirect.gather [hbm4b:s3+s17], $0x80, s4, s17, $0xb8;
	[tilespmem:$0x18A00] =	vst v63  }
0x2e6: {  	_ =	swait.ge [sflag:s15], $0x2000  }
0x2e7: {  	[sflag:s15] =	ssyncset.done $0x0  }
0x2e8: {  	s4 =	simm.s32 $0x4A00;
	s5 =	rddreg [dreg:$0x1e];
	[sflag:s15] =	ssyncadd.s32 $0xFFFFE000  }
0x2e9: {  	[hbm4b:s5+s2] =	stream.linear.scatter [tilespmem:s4], [sflag:$0xF], $0x2000, $0x38;
	[tilespmem:$0x18A00] =	vst v63  }
0x2ea: {  	_ =	swait.ge [sflag:s22], $0x2000  }
0x2eb: {  	s5 =	sld [smem:$0x7FB]  }
0x2ec: {  	[sflag:s22] =	ssyncset.done $0x0  }
0x2ed: {  	[sflag:s22] =	ssyncadd.s32 $0xFFFFE000  }
0x2ee: {  	[tilespmem:s25], [sflag:$0x2] =	stream.indirect.gather [hbm4b:s3+s17], $0x80, s5, s17, $0xb8;
	[tilespmem:$0x18A00] =	vst v63  }
0x2ef: {  	_ =	swait.ge [sflag:s16], $0x2000  }
0x2f0: {  	[sflag:s16] =	ssyncset.done $0x0  }
0x2f1: {  	s5 =	rddreg [dreg:$0x1f];
	[sflag:s16] =	ssyncadd.s32 $0xFFFFE000;
	s16 =	simm.s32 $0x6A00  }
0x2f2: {  	[hbm4b:s5+s2] =	stream.linear.scatter [tilespmem:s16], [sflag:$0x10], $0x2000, $0x38;
	[tilespmem:$0x18A00] =	vst v63  }
0x2f3: {  	_ =	swait.ge [sflag:s23], $0x2000  }
0x2f4: {  	s5 =	sld [smem:$0x7FC]  }
0x2f5: {  	[sflag:s23] =	ssyncset.done $0x0  }
0x2f6: {  	[sflag:s23] =	ssyncadd.s32 $0xFFFFE000  }
0x2f7: {  	[tilespmem:s4], [sflag:$0x3] =	stream.indirect.gather [hbm4b:s3+s17], $0x80, s5, s17, $0xb8;
	[tilespmem:$0x18A00] =	vst v63  }
0x2f8: {  	_ =	swait.ge [sflag:s1], $0x2000  }
0x2f9: {  	s4 =	sld [smem:$0x7CC]  }
0x2fa: {  	[sflag:s1] =	ssyncset.done $0x0  }
0x2fb: {  	s5 =	simm.s32 $0x10;
	[sflag:s1] =	ssyncadd.s32 $0xFFFFE000  }
0x2fc: {  	[hbm4b:s4+s2] =	stream.linear.scatter [tilespmem:s11], [sflag:$0x11], $0x2000, $0x38;
	[tilespmem:$0x18A00] =	vst v63  }
0x2fd: {  	_ =	swait.ge [sflag:s5], $0x2000  }
0x2fe: {  	s11 =	sld [smem:$0x7FD]  }
0x2ff: {  	[sflag:s5] =	ssyncset.done $0x0  }
0x300: {  	[sflag:s5] =	ssyncadd.s32 $0xFFFFE000  }
0x301: {  	[tilespmem:s16], [sflag:$0x4] =	stream.indirect.gather [hbm4b:s3+s17], $0x80, s11, s17, $0xb8;
	[tilespmem:$0x18A00] =	vst v63  }
0x302: {  	_ =	swait.ge [sflag:s6], $0x2000  }
0x303: {  	s1 =	sld [smem:$0x7CD]  }
0x304: {  	[sflag:s6] =	ssyncset.done $0x0  }
0x305: {  	s11 =	simm.s32 $0xAA00;
	[sflag:s6] =	ssyncadd.s32 $0xFFFFE000  }
0x306: {  	[hbm4b:s1+s2] =	stream.linear.scatter [tilespmem:s11], [sflag:$0x12], $0x2000, $0x38;
	[tilespmem:$0x18A00] =	vst v63  }
0x307: {  	_ =	swait.ge [sflag:s29], $0x2000  }
0x308: {  	s6 =	sld [smem:$0x7CE]  }
0x309: {  	[sflag:s29] =	ssyncset.done $0x0  }
0x30a: {  	s11 =	simm.s32 $0xCA00;
	[sflag:s29] =	ssyncadd.s32 $0xFFFFE000  }
0x30b: {  	[hbm4b:s6+s2] =	stream.linear.scatter [tilespmem:s11], [sflag:$0x13], $0x2000, $0x38;
	[tilespmem:$0x18A00] =	vst v63  }
0x30c: {  	_ =	swait.ge [sflag:s26], $0x2000  }
0x30d: {  	s1 =	sld [smem:$0x7CF]  }
0x30e: {  	[sflag:s26] =	ssyncset.done $0x0  }
0x30f: {  	s6 =	simm.s32 $0xEA00;
	[sflag:s26] =	ssyncadd.s32 $0xFFFFE000  }
0x310: {  	[hbm4b:s1+s2] =	stream.linear.scatter [tilespmem:s6], [sflag:$0x14], $0x2000, $0x38;
	[tilespmem:$0x18A00] =	vst v63  }
0x311: {  	_ =	swait.ge [sflag:s19], $0x2000  }
0x312: {  	s1 =	sld [smem:$0x7D0]  }
0x313: {  	[sflag:s19] =	ssyncset.done $0x0  }
0x314: {  	s6 =	simm.s32 $0x10A00;
	[sflag:s19] =	ssyncadd.s32 $0xFFFFE000  }
0x315: {  	[hbm4b:s1+s2] =	stream.linear.scatter [tilespmem:s6], [sflag:$0x15], $0x2000, $0x38;
	[tilespmem:$0x18A00] =	vst v63  }
0x316: {  	_ =	swait.ge [sflag:s9], $0x2000  }
0x317: {  	s6 =	sld [smem:$0x7D1]  }
0x318: {  	[sflag:s9] =	ssyncset.done $0x0  }
0x319: {  	[sflag:s9] =	ssyncadd.s32 $0xFFFFE000;
	s9 =	simm.s32 $0x12A00  }
0x31a: {  	[hbm4b:s6+s2] =	stream.linear.scatter [tilespmem:s9], [sflag:$0x16], $0x2000, $0x38;
	[tilespmem:$0x18A00] =	vst v63  }
0x31b: {  	_ =	swait.ge [sflag:s7], $0x2000  }
0x31c: {  	s6 =	sld [smem:$0x7D2]  }
0x31d: {  	[sflag:s7] =	ssyncset.done $0x0  }
0x31e: {  	s9 =	simm.s32 $0x14A00;
	[sflag:s7] =	ssyncadd.s32 $0xFFFFE000  }
0x31f: {  	[hbm4b:s6+s2] =	stream.linear.scatter [tilespmem:s9], [sflag:$0x17], $0x2000, $0x38;
	[tilespmem:$0x18A00] =	vst v63  }
0x320: {  	_ =	swait.ge [sflag:s18], $0x2000  }
0x321: {  	s1 =	sld [smem:$0x7D3]  }
0x322: {  	[sflag:s18] =	ssyncset.done $0x0  }
0x323: {  	s26 =	simm.s32 $0x1;
	s6 =	simm.s32 $0x16A00;
	[sflag:s18] =	ssyncadd.s32 $0xFFFFE000  }
0x324: {  	[hbm4b:s1+s2] =	stream.linear.scatter [tilespmem:s6], [sflag:$0x18], $0x2000, $0x38;
	[tilespmem:$0x18A00] =	vst v63  }
0x325: {  	_ =	swait.ge [sflag:s26], $0x2000  }
0x326: {  	s7 =	sld [smem:$0x7D4]  }
0x327: {  	[sflag:s26] =	ssyncset.done $0x0  }
0x328: {  	s13 =	simm.s32 $0xA00;
	[sflag:s26] =	ssyncadd.s32 $0xFFFFE000  }
0x329: {  	[hbm4b:s7+s2] =	stream.linear.scatter [tilespmem:s13], [sflag:$0xD], $0x2000, $0x38;
	[tilespmem:$0x18A00] =	vst v63  }
0x32a: {  	_ =	swait.ge [sflag:s14], $0x2000  }
0x32b: {  	s9 =	sld [smem:$0x7D5]  }
0x32c: {  	[sflag:s14] =	ssyncset.done $0x0  }
0x32d: {  	s25 =	simm.s32 $0x2A00;
	[sflag:s14] =	ssyncadd.s32 $0xFFFFE000  }
0x32e: {  	[hbm4b:s9+s2] =	stream.linear.scatter [tilespmem:s25], [sflag:$0xE], $0x2000, $0x38;
	[tilespmem:$0x18A00] =	vst v63  }
0x32f: {  	_ =	swait.ge [sflag:s15], $0x2000  }
0x330: {  	s13 =	sld [smem:$0x7D6]  }
0x331: {  	[sflag:s15] =	ssyncset.done $0x0  }
0x332: {  	s23 =	simm.s32 $0x4A00;
	s19 =	simm.s32 $0x4;
	[sflag:s15] =	ssyncadd.s32 $0xFFFFE000  }
0x333: {  	[hbm4b:s13+s2] =	stream.linear.scatter [tilespmem:s23], [sflag:$0xF], $0x2000, $0x38;
	[tilespmem:$0x18A00] =	vst v63  }
0x334: {  	_ =	swait.ge [sflag:s19], $0x2000  }
0x335: {  	s25 =	sld [smem:$0x7D7]  }
0x336: {  	[sflag:s19] =	ssyncset.done $0x0  }
0x337: {  	s16 =	simm.s32 $0x6A00;
	[sflag:s19] =	ssyncadd.s32 $0xFFFFE000  }
0x338: {  	[hbm4b:s25+s2] =	stream.linear.scatter [tilespmem:s16], [sflag:$0x10], $0x2000, $0x38;
	[tilespmem:$0x18A00] =	vst v63  }
0x339: {  	_ =	swait.ge [sflag:s31], $0x2000  }
0x33a: {  	[sflag:s31] =	ssyncset.done $0x0  }
0x33b: {  	[sflag:s31] =	ssyncadd.s32 $0xFFFFE000  }
0x33c: {  	_ =	swait.ge [sflag:s30], $0x2000  }
0x33d: {  	[sflag:s30] =	ssyncset.done $0x0  }
0x33e: {  	[sflag:s30] =	ssyncadd.s32 $0xFFFFE000  }
0x33f: {  	_ =	swait.ge [sflag:s12], $0x2000  }
0x340: {  	[sflag:s12] =	ssyncset.done $0x0  }
0x341: {  	[sflag:s12] =	ssyncadd.s32 $0xFFFFE000  }
0x342: {  	_ =	swait.ge [sflag:s24], $0x2000  }
0x343: {  	[sflag:s24] =	ssyncset.done $0x0  }
0x344: {  	[sflag:s24] =	ssyncadd.s32 $0xFFFFE000  }
0x345: {  	_ =	swait.ge [sflag:s0], $0x2000  }
0x346: {  	[sflag:s0] =	ssyncset.done $0x0  }
0x347: {  	[sflag:s0] =	ssyncadd.s32 $0xFFFFE000  }
0x348: {  	_ =	swait.ge [sflag:s20], $0x2000  }
0x349: {  	[sflag:s20] =	ssyncset.done $0x0  }
0x34a: {  	[sflag:s20] =	ssyncadd.s32 $0xFFFFE000  }
0x34b: {  	_ =	swait.ge [sflag:s21], $0x2000  }
0x34c: {  	[sflag:s21] =	ssyncset.done $0x0  }
0x34d: {  	[sflag:s21] =	ssyncadd.s32 $0xFFFFE000  }
0x34e: {  	_ =	swait.ge [sflag:s28], $0x2000  }
0x34f: {  	[sflag:s28] =	ssyncset.done $0x0  }
0x350: {  	[sflag:s28] =	ssyncadd.s32 $0xFFFFE000  }
0x351: {  	_ =	swait.ge [sflag:s10], $0x2000  }
0x352: {  	[sflag:s10] =	ssyncset.done $0x0  }
0x353: {  	[sflag:s10] =	ssyncadd.s32 $0xFFFFE000  }
0x354: {  	_ =	swait.ge [sflag:s22], $0x2000  }
0x355: {  	[sflag:s22] =	ssyncset.done $0x0  }
0x356: {  	p1 =	sne.s32 s8, $0x1;
	s11 =	simm.s32 $0xF;
	[sflag:s22] =	ssyncadd.s32 $0xFFFFE000  }
.Ltmp2:
0x357: {  	_ =	swait.ge [sflag:s11], $0x2000;
	(pc) =	sbr.rel @p1 .LBB2_4-.Ltmp2, $4  }
0x358: {  	[sflag:s11] =	ssyncset.done $0x0  }
0x359: {  	s4 =	simm.s32 $0x10;
	[sflag:s11] =	ssyncadd.s32 $0xFFFFE000  }
0x35a: {  	s8 =	sadd.s32 $0xFFFFFFFF, s8;
	_ =	swait.ge [sflag:s4], $0x2000  }
0x35b: {  	s1 =	simm.s32 $0x2A00;
	s5 =	rddreg [dreg:$0x4];
	[sflag:s4] =	ssyncset.done $0x0  }
0x35c: {  	s1 =	sld [smem:$0x7CB];
	s4 =	simm.s32 $0xA00;
	s16 =	simm.s32 $0x6  }
.LBB2_6:
0x35d: {  	s22 =	simm.s32 $0x10  }
0x35e: {  	s0 =	simm.s32 $0x19;
	[sflag:s22] =	ssyncadd.s32 @p0 $0xFFFFE000  }
0x35f: {  	[tilespmem:s2], [sflag:$0x19] =	stream.linear.gather [hbm4b:s5+s2], $0xA00, $0x38;
	[tilespmem:$0x18A00] =	vst v63  }
0x360: {  	_ =	swait.ge [sflag:s0], $0xA00  }
0x361: {  	[sflag:s0] =	ssyncset.done $0x0  }
0x362: {  	[sflag:s0] =	ssyncadd.s32 $0xFFFFF600  }
0x363: {  	[tilespmem:s4], [sflag:$0x1] =	stream.indirect.gather [hbm4b:s3+s17], $0x80, s2, s17, $0xb8;
	[tilespmem:$0x18A00] =	vst v63  }
0x364: {  	s25 =	simm.s32 $0x2A00;
	s12 =	sld [smem:$0x7D8]  }
0x365: {  	[tilespmem:s25], [sflag:$0x2] =	stream.indirect.gather [hbm4b:s3+s17], $0x80, s17, s17, $0xb8;
	[tilespmem:$0x18A00] =	vst v63  }
0x366: {  	s18 =	simm.s32 $0x4A00;
	s13 =	sld [smem:$0x7D9]  }
0x367: {  	[tilespmem:s18], [sflag:$0x3] =	stream.indirect.gather [hbm4b:s3+s17], $0x80, s12, s17, $0xb8;
	[tilespmem:$0x18A00] =	vst v63  }
0x368: {  	s21 =	simm.s32 $0x6A00;
	s20 =	sld [smem:$0x7DA]  }
0x369: {  	[tilespmem:s21], [sflag:$0x4] =	stream.indirect.gather [hbm4b:s3+s17], $0x80, s13, s17, $0xb8;
	[tilespmem:$0x18A00] =	vst v63  }
0x36a: {  	s24 =	simm.s32 $0x8A00;
	s23 =	sld [smem:$0x7DB]  }
0x36b: {  	[tilespmem:s24], [sflag:$0x5] =	stream.indirect.gather [hbm4b:s3+s17], $0x80, s20, s17, $0xb8;
	[tilespmem:$0x18A00] =	vst v63  }
0x36c: {  	s29 =	simm.s32 $0xAA00;
	s28 =	sld [smem:$0x7DC]  }
0x36d: {  	[tilespmem:s29], [sflag:$0x6] =	stream.indirect.gather [hbm4b:s3+s17], $0x80, s23, s17, $0xb8;
	[tilespmem:$0x18A00] =	vst v63  }
0x36e: {  	s31 =	simm.s32 $0xCA00;
	s30 =	sld [smem:$0x7DD]  }
0x36f: {  	[tilespmem:s31], [sflag:$0x7] =	stream.indirect.gather [hbm4b:s3+s17], $0x80, s28, s17, $0xb8;
	[tilespmem:$0x18A00] =	vst v63  }
0x370: {  	s7 =	simm.s32 $0xEA00;
	s6 =	sld [smem:$0x7DE]  }
0x371: {  	[tilespmem:s7], [sflag:$0x8] =	stream.indirect.gather [hbm4b:s3+s17], $0x80, s30, s17, $0xb8;
	[tilespmem:$0x18A00] =	vst v63  }
0x372: {  	s9 =	simm.s32 $0x10A00;
	s8 =	sld [smem:$0x7DF]  }
0x373: {  	[tilespmem:s9], [sflag:$0x9] =	stream.indirect.gather [hbm4b:s3+s17], $0x80, s6, s17, $0xb8;
	[tilespmem:$0x18A00] =	vst v63  }
0x374: {  	s10 =	sld [smem:$0x7E0];
	s7 =	simm.s32 $0x12A00  }
0x375: {  	[tilespmem:s7], [sflag:$0xA] =	stream.indirect.gather [hbm4b:s3+s17], $0x80, s8, s17, $0xb8;
	[tilespmem:$0x18A00] =	vst v63  }
0x376: {  	s12 =	simm.s32 $0x14A00  }
0x377: {  	[tilespmem:s12], [sflag:$0xB] =	stream.indirect.gather [hbm4b:s3+s17], $0x80, s10, s17, $0xb8;
	[tilespmem:$0x18A00] =	vst v63  }
0x378: {  	_ =	swait.ge [sflag:s26], $0x2000  }
0x379: {  	[sflag:s26] =	ssyncset.done $0x0  }
0x37a: {  	s18 =	simm.s32 $0xA00;
	s13 =	sld [smem:$0x7E1];
	[sflag:s26] =	ssyncadd.s32 $0xFFFFE000  }
0x37b: {  	[hbm4b:s1+s2] =	stream.linear.scatter [tilespmem:s18], [sflag:$0xD], $0x2000, $0x38;
	[tilespmem:$0x18A00] =	vst v63  }
0x37c: {  	s20 =	simm.s32 $0x16A00  }
0x37d: {  	[tilespmem:s20], [sflag:$0xC] =	stream.indirect.gather [hbm4b:s3+s17], $0x80, s13, s17, $0xb8;
	[tilespmem:$0x18A00] =	vst v63  }
0x37e: {  	_ =	swait.ge [sflag:s14], $0x2000  }
0x37f: {  	[sflag:s14] =	ssyncset.done $0x0  }
0x380: {  	s9 =	simm.s32 $0xD;
	s21 =	rddreg [dreg:$0x5];
	[sflag:s14] =	ssyncadd.s32 $0xFFFFE000  }
0x381: {  	[hbm4b:s21+s2] =	stream.linear.scatter [tilespmem:s25], [sflag:$0xE], $0x2000, $0x38;
	[tilespmem:$0x18A00] =	vst v63  }
0x382: {  	_ =	swait.ge [sflag:s9], $0x2000  }
0x383: {  	s23 =	sld [smem:$0x7E2]  }
0x384: {  	[sflag:s9] =	ssyncset.done $0x0  }
0x385: {  	[sflag:s9] =	ssyncadd.s32 $0xFFFFE000  }
0x386: {  	[tilespmem:s18], [sflag:$0x1] =	stream.indirect.gather [hbm4b:s3+s17], $0x80, s23, s17, $0xb8;
	[tilespmem:$0x18A00] =	vst v63  }
0x387: {  	_ =	swait.ge [sflag:s15], $0x2000  }
0x388: {  	s10 =	simm.s32 $0xE;
	[sflag:s15] =	ssyncset.done $0x0  }
0x389: {  	s26 =	simm.s32 $0x4A00;
	s24 =	rddreg [dreg:$0x6];
	[sflag:s15] =	ssyncadd.s32 $0xFFFFE000  }
0x38a: {  	[hbm4b:s24+s2] =	stream.linear.scatter [tilespmem:s26], [sflag:$0xF], $0x2000, $0x38;
	[tilespmem:$0x18A00] =	vst v63  }
0x38b: {  	_ =	swait.ge [sflag:s10], $0x2000  }
0x38c: {  	s28 =	sld [smem:$0x7E3]  }
0x38d: {  	[sflag:s10] =	ssyncset.done $0x0  }
0x38e: {  	[sflag:s10] =	ssyncadd.s32 $0xFFFFE000  }
0x38f: {  	[tilespmem:s25], [sflag:$0x2] =	stream.indirect.gather [hbm4b:s3+s17], $0x80, s28, s17, $0xb8;
	[tilespmem:$0x18A00] =	vst v63  }
0x390: {  	_ =	swait.ge [sflag:s19], $0x2000  }
0x391: {  	[sflag:s19] =	ssyncset.done $0x0  }
0x392: {  	s30 =	simm.s32 $0x6A00;
	s29 =	rddreg [dreg:$0x7];
	[sflag:s19] =	ssyncadd.s32 $0xFFFFE000  }
0x393: {  	[hbm4b:s29+s2] =	stream.linear.scatter [tilespmem:s30], [sflag:$0x10], $0x2000, $0x38;
	[tilespmem:$0x18A00] =	vst v63  }
0x394: {  	_ =	swait.ge [sflag:s11], $0x2000  }
0x395: {  	s31 =	sld [smem:$0x7E4]  }
0x396: {  	[sflag:s11] =	ssyncset.done $0x0  }
0x397: {  	s8 =	simm.s32 $0x5;
	[sflag:s11] =	ssyncadd.s32 $0xFFFFE000  }
0x398: {  	[tilespmem:s26], [sflag:$0x3] =	stream.indirect.gather [hbm4b:s3+s17], $0x80, s31, s17, $0xb8;
	[tilespmem:$0x18A00] =	vst v63  }
0x399: {  	_ =	swait.ge [sflag:s8], $0x2000  }
0x39a: {  	[sflag:s8] =	ssyncset.done $0x0  }
0x39b: {  	s6 =	simm.s32 $0x8A00;
	s5 =	rddreg [dreg:$0x8];
	[sflag:s8] =	ssyncadd.s32 $0xFFFFE000  }
0x39c: {  	[hbm4b:s5+s2] =	stream.linear.scatter [tilespmem:s6], [sflag:$0x11], $0x2000, $0x38;
	[tilespmem:$0x18A00] =	vst v63  }
0x39d: {  	_ =	swait.ge [sflag:s22], $0x2000  }
0x39e: {  	s7 =	sld [smem:$0x7E5]  }
0x39f: {  	[sflag:s22] =	ssyncset.done $0x0  }
0x3a0: {  	[sflag:s22] =	ssyncadd.s32 $0xFFFFE000  }
0x3a1: {  	[tilespmem:s30], [sflag:$0x4] =	stream.indirect.gather [hbm4b:s3+s17], $0x80, s7, s17, $0xb8;
	[tilespmem:$0x18A00] =	vst v63  }
0x3a2: {  	_ =	swait.ge [sflag:s16], $0x2000  }
0x3a3: {  	s18 =	simm.s32 $0xAA00;
	[sflag:s16] =	ssyncset.done $0x0  }
0x3a4: {  	s28 =	simm.s32 $0x11;
	s12 =	rddreg [dreg:$0x9];
	[sflag:s16] =	ssyncadd.s32 $0xFFFFE000  }
0x3a5: {  	[hbm4b:s12+s2] =	stream.linear.scatter [tilespmem:s18], [sflag:$0x12], $0x2000, $0x38;
	[tilespmem:$0x18A00] =	vst v63  }
0x3a6: {  	_ =	swait.ge [sflag:s28], $0x2000  }
0x3a7: {  	s20 =	sld [smem:$0x7E6]  }
0x3a8: {  	[sflag:s28] =	ssyncset.done $0x0  }
0x3a9: {  	s16 =	simm.s32 $0x7;
	[sflag:s28] =	ssyncadd.s32 $0xFFFFE000  }
0x3aa: {  	[tilespmem:s6], [sflag:$0x5] =	stream.indirect.gather [hbm4b:s3+s17], $0x80, s20, s17, $0xb8;
	[tilespmem:$0x18A00] =	vst v63  }
0x3ab: {  	_ =	swait.ge [sflag:s16], $0x2000  }
0x3ac: {  	s23 =	simm.s32 $0xCA00;
	[sflag:s16] =	ssyncset.done $0x0  }
0x3ad: {  	s24 =	simm.s32 $0x12;
	s21 =	rddreg [dreg:$0xa];
	[sflag:s16] =	ssyncadd.s32 $0xFFFFE000  }
0x3ae: {  	[hbm4b:s21+s2] =	stream.linear.scatter [tilespmem:s23], [sflag:$0x13], $0x2000, $0x38;
	[tilespmem:$0x18A00] =	vst v63  }
0x3af: {  	_ =	swait.ge [sflag:s24], $0x2000  }
0x3b0: {  	s26 =	sld [smem:$0x7E7]  }
0x3b1: {  	[sflag:s24] =	ssyncset.done $0x0  }
0x3b2: {  	s6 =	simm.s32 $0x8;
	[sflag:s24] =	ssyncadd.s32 $0xFFFFE000  }
0x3b3: {  	[tilespmem:s18], [sflag:$0x6] =	stream.indirect.gather [hbm4b:s3+s17], $0x80, s26, s17, $0xb8;
	[tilespmem:$0x18A00] =	vst v63  }
0x3b4: {  	_ =	swait.ge [sflag:s6], $0x2000  }
0x3b5: {  	s30 =	simm.s32 $0xEA00;
	[sflag:s6] =	ssyncset.done $0x0  }
0x3b6: {  	s21 =	simm.s32 $0x13;
	s29 =	rddreg [dreg:$0xb];
	[sflag:s6] =	ssyncadd.s32 $0xFFFFE000  }
0x3b7: {  	[hbm4b:s29+s2] =	stream.linear.scatter [tilespmem:s30], [sflag:$0x14], $0x2000, $0x38;
	[tilespmem:$0x18A00] =	vst v63  }
0x3b8: {  	_ =	swait.ge [sflag:s21], $0x2000  }
0x3b9: {  	s5 =	sld [smem:$0x7E8]  }
0x3ba: {  	[sflag:s21] =	ssyncset.done $0x0  }
0x3bb: {  	s31 =	simm.s32 $0x9;
	[sflag:s21] =	ssyncadd.s32 $0xFFFFE000  }
0x3bc: {  	[tilespmem:s23], [sflag:$0x7] =	stream.indirect.gather [hbm4b:s3+s17], $0x80, s5, s17, $0xb8;
	[tilespmem:$0x18A00] =	vst v63  }
0x3bd: {  	_ =	swait.ge [sflag:s31], $0x2000  }
0x3be: {  	s12 =	simm.s32 $0x10A00;
	[sflag:s31] =	ssyncset.done $0x0  }
0x3bf: {  	s23 =	simm.s32 $0x14;
	s7 =	rddreg [dreg:$0xc];
	[sflag:s31] =	ssyncadd.s32 $0xFFFFE000  }
0x3c0: {  	[hbm4b:s7+s2] =	stream.linear.scatter [tilespmem:s12], [sflag:$0x15], $0x2000, $0x38;
	[tilespmem:$0x18A00] =	vst v63  }
0x3c1: {  	_ =	swait.ge [sflag:s23], $0x2000  }
0x3c2: {  	s18 =	sld [smem:$0x7E9]  }
0x3c3: {  	[sflag:s23] =	ssyncset.done $0x0  }
0x3c4: {  	[sflag:s23] =	ssyncadd.s32 $0xFFFFE000  }
0x3c5: {  	[tilespmem:s30], [sflag:$0x8] =	stream.indirect.gather [hbm4b:s3+s17], $0x80, s18, s17, $0xb8;
	[tilespmem:$0x18A00] =	vst v63  }
0x3c6: {  	s30 =	simm.s32 $0xA  }
0x3c7: {  	_ =	swait.ge [sflag:s30], $0x2000  }
0x3c8: {  	s26 =	simm.s32 $0x12A00;
	[sflag:s30] =	ssyncset.done $0x0  }
0x3c9: {  	s18 =	simm.s32 $0x15;
	s20 =	rddreg [dreg:$0xd];
	[sflag:s30] =	ssyncadd.s32 $0xFFFFE000  }
0x3ca: {  	[hbm4b:s20+s2] =	stream.linear.scatter [tilespmem:s26], [sflag:$0x16], $0x2000, $0x38;
	[tilespmem:$0x18A00] =	vst v63  }
0x3cb: {  	_ =	swait.ge [sflag:s18], $0x2000  }
0x3cc: {  	s5 =	sld [smem:$0x7EA]  }
0x3cd: {  	[sflag:s18] =	ssyncset.done $0x0  }
0x3ce: {  	s29 =	simm.s32 $0xB;
	[sflag:s18] =	ssyncadd.s32 $0xFFFFE000  }
0x3cf: {  	[tilespmem:s12], [sflag:$0x9] =	stream.indirect.gather [hbm4b:s3+s17], $0x80, s5, s17, $0xb8;
	[tilespmem:$0x18A00] =	vst v63  }
0x3d0: {  	_ =	swait.ge [sflag:s29], $0x2000  }
0x3d1: {  	[sflag:s29] =	ssyncset.done $0x0  }
0x3d2: {  	s5 =	simm.s32 $0x14A00;
	s7 =	rddreg [dreg:$0xe];
	[sflag:s29] =	ssyncadd.s32 $0xFFFFE000  }
0x3d3: {  	[hbm4b:s7+s2] =	stream.linear.scatter [tilespmem:s5], [sflag:$0x17], $0x2000, $0x38;
	[tilespmem:$0x18A00] =	vst v63  }
0x3d4: {  	s7 =	simm.s32 $0x16  }
0x3d5: {  	_ =	swait.ge [sflag:s7], $0x2000  }
0x3d6: {  	s12 =	sld [smem:$0x7EB]  }
0x3d7: {  	[sflag:s7] =	ssyncset.done $0x0  }
0x3d8: {  	[sflag:s7] =	ssyncadd.s32 $0xFFFFE000  }
0x3d9: {  	[tilespmem:s26], [sflag:$0xA] =	stream.indirect.gather [hbm4b:s3+s17], $0x80, s12, s17, $0xb8;
	[tilespmem:$0x18A00] =	vst v63  }
0x3da: {  	s26 =	simm.s32 $0xC  }
0x3db: {  	_ =	swait.ge [sflag:s26], $0x2000  }
0x3dc: {  	[sflag:s26] =	ssyncset.done $0x0  }
0x3dd: {  	s0 =	simm.s32 $0x16A00;
	s20 =	rddreg [dreg:$0xf];
	[sflag:s26] =	ssyncadd.s32 $0xFFFFE000  }
0x3de: {  	[hbm4b:s20+s2] =	stream.linear.scatter [tilespmem:s0], [sflag:$0x18], $0x2000, $0x38;
	[tilespmem:$0x18A00] =	vst v63  }
0x3df: {  	s20 =	simm.s32 $0x17  }
0x3e0: {  	_ =	swait.ge [sflag:s20], $0x2000  }
0x3e1: {  	s1 =	sld [smem:$0x7EC]  }
0x3e2: {  	[sflag:s20] =	ssyncset.done $0x0  }
0x3e3: {  	s12 =	simm.s32 $0x1;
	[sflag:s20] =	ssyncadd.s32 $0xFFFFE000  }
0x3e4: {  	[tilespmem:s5], [sflag:$0xB] =	stream.indirect.gather [hbm4b:s3+s17], $0x80, s1, s17, $0xb8;
	[tilespmem:$0x18A00] =	vst v63  }
0x3e5: {  	_ =	swait.ge [sflag:s12], $0x2000  }
0x3e6: {  	[sflag:s12] =	ssyncset.done $0x0  }
0x3e7: {  	s1 =	simm.s32 $0xA00;
	s5 =	rddreg [dreg:$0x10];
	[sflag:s12] =	ssyncadd.s32 $0xFFFFE000  }
0x3e8: {  	[hbm4b:s5+s2] =	stream.linear.scatter [tilespmem:s1], [sflag:$0xD], $0x2000, $0x38;
	[tilespmem:$0x18A00] =	vst v63  }
0x3e9: {  	s5 =	simm.s32 $0x18  }
0x3ea: {  	_ =	swait.ge [sflag:s5], $0x2000  }
0x3eb: {  	s4 =	sld [smem:$0x7ED]  }
0x3ec: {  	[sflag:s5] =	ssyncset.done $0x0  }
0x3ed: {  	[sflag:s5] =	ssyncadd.s32 $0xFFFFE000  }
0x3ee: {  	[tilespmem:s0], [sflag:$0xC] =	stream.indirect.gather [hbm4b:s3+s17], $0x80, s4, s17, $0xb8;
	[tilespmem:$0x18A00] =	vst v63  }
0x3ef: {  	_ =	swait.ge [sflag:s14], $0x2000  }
0x3f0: {  	[sflag:s14] =	ssyncset.done $0x0  }
0x3f1: {  	s0 =	rddreg [dreg:$0x11];
	[sflag:s14] =	ssyncadd.s32 $0xFFFFE000  }
0x3f2: {  	[hbm4b:s0+s2] =	stream.linear.scatter [tilespmem:s25], [sflag:$0xE], $0x2000, $0x38;
	[tilespmem:$0x18A00] =	vst v63  }
0x3f3: {  	_ =	swait.ge [sflag:s9], $0x2000  }
0x3f4: {  	s0 =	sld [smem:$0x7EE]  }
0x3f5: {  	[sflag:s9] =	ssyncset.done $0x0  }
0x3f6: {  	[sflag:s9] =	ssyncadd.s32 $0xFFFFE000  }
0x3f7: {  	[tilespmem:s1], [sflag:$0x1] =	stream.indirect.gather [hbm4b:s3+s17], $0x80, s0, s17, $0xb8;
	[tilespmem:$0x18A00] =	vst v63  }
0x3f8: {  	_ =	swait.ge [sflag:s15], $0x2000  }
0x3f9: {  	[sflag:s15] =	ssyncset.done $0x0  }
0x3fa: {  	s13 =	simm.s32 $0x4A00;
	s1 =	rddreg [dreg:$0x12];
	[sflag:s15] =	ssyncadd.s32 $0xFFFFE000  }
0x3fb: {  	[hbm4b:s1+s2] =	stream.linear.scatter [tilespmem:s13], [sflag:$0xF], $0x2000, $0x38;
	[tilespmem:$0x18A00] =	vst v63  }
0x3fc: {  	_ =	swait.ge [sflag:s10], $0x2000  }
0x3fd: {  	s0 =	sld [smem:$0x7EF]  }
0x3fe: {  	[sflag:s10] =	ssyncset.done $0x0  }
0x3ff: {  	[sflag:s10] =	ssyncadd.s32 $0xFFFFE000  }
0x400: {  	[tilespmem:s25], [sflag:$0x2] =	stream.indirect.gather [hbm4b:s3+s17], $0x80, s0, s17, $0xb8;
	[tilespmem:$0x18A00] =	vst v63  }
0x401: {  	_ =	swait.ge [sflag:s19], $0x2000  }
0x402: {  	[sflag:s19] =	ssyncset.done $0x0  }
0x403: {  	s0 =	simm.s32 $0x6A00;
	s1 =	rddreg [dreg:$0x13];
	[sflag:s19] =	ssyncadd.s32 $0xFFFFE000  }
0x404: {  	[hbm4b:s1+s2] =	stream.linear.scatter [tilespmem:s0], [sflag:$0x10], $0x2000, $0x38;
	[tilespmem:$0x18A00] =	vst v63  }
0x405: {  	_ =	swait.ge [sflag:s11], $0x2000  }
0x406: {  	s1 =	sld [smem:$0x7F0]  }
0x407: {  	[sflag:s11] =	ssyncset.done $0x0  }
0x408: {  	[sflag:s11] =	ssyncadd.s32 $0xFFFFE000  }
0x409: {  	[tilespmem:s13], [sflag:$0x3] =	stream.indirect.gather [hbm4b:s3+s17], $0x80, s1, s17, $0xb8;
	[tilespmem:$0x18A00] =	vst v63  }
0x40a: {  	_ =	swait.ge [sflag:s8], $0x2000  }
0x40b: {  	[sflag:s8] =	ssyncset.done $0x0  }
0x40c: {  	s1 =	simm.s32 $0x8A00;
	s13 =	rddreg [dreg:$0x14];
	[sflag:s8] =	ssyncadd.s32 $0xFFFFE000  }
0x40d: {  	[hbm4b:s13+s2] =	stream.linear.scatter [tilespmem:s1], [sflag:$0x11], $0x2000, $0x38;
	[tilespmem:$0x18A00] =	vst v63  }
0x40e: {  	_ =	swait.ge [sflag:s22], $0x2000  }
0x40f: {  	s13 =	sld [smem:$0x7F1]  }
0x410: {  	[sflag:s22] =	ssyncset.done $0x0  }
0x411: {  	[sflag:s22] =	ssyncadd.s32 $0xFFFFE000  }
0x412: {  	[tilespmem:s0], [sflag:$0x4] =	stream.indirect.gather [hbm4b:s3+s17], $0x80, s13, s17, $0xb8;
	[tilespmem:$0x18A00] =	vst v63  }
0x413: {  	s13 =	simm.s32 $0x6  }
0x414: {  	_ =	swait.ge [sflag:s13], $0x2000  }
0x415: {  	[sflag:s13] =	ssyncset.done $0x0  }
0x416: {  	s0 =	simm.s32 $0xAA00;
	s4 =	rddreg [dreg:$0x15];
	[sflag:s13] =	ssyncadd.s32 $0xFFFFE000  }
0x417: {  	[hbm4b:s4+s2] =	stream.linear.scatter [tilespmem:s0], [sflag:$0x12], $0x2000, $0x38;
	[tilespmem:$0x18A00] =	vst v63  }
0x418: {  	_ =	swait.ge [sflag:s28], $0x2000  }
0x419: {  	s4 =	sld [smem:$0x7F2]  }
0x41a: {  	[sflag:s28] =	ssyncset.done $0x0  }
0x41b: {  	[sflag:s28] =	ssyncadd.s32 $0xFFFFE000  }
0x41c: {  	[tilespmem:s1], [sflag:$0x5] =	stream.indirect.gather [hbm4b:s3+s17], $0x80, s4, s17, $0xb8;
	[tilespmem:$0x18A00] =	vst v63  }
0x41d: {  	_ =	swait.ge [sflag:s16], $0x2000  }
0x41e: {  	[sflag:s16] =	ssyncset.done $0x0  }
0x41f: {  	s1 =	simm.s32 $0xCA00;
	s4 =	rddreg [dreg:$0x16];
	[sflag:s16] =	ssyncadd.s32 $0xFFFFE000  }
0x420: {  	[hbm4b:s4+s2] =	stream.linear.scatter [tilespmem:s1], [sflag:$0x13], $0x2000, $0x38;
	[tilespmem:$0x18A00] =	vst v63  }
0x421: {  	_ =	swait.ge [sflag:s24], $0x2000  }
0x422: {  	s4 =	sld [smem:$0x7F3]  }
0x423: {  	[sflag:s24] =	ssyncset.done $0x0  }
0x424: {  	[sflag:s24] =	ssyncadd.s32 $0xFFFFE000  }
0x425: {  	[tilespmem:s0], [sflag:$0x6] =	stream.indirect.gather [hbm4b:s3+s17], $0x80, s4, s17, $0xb8;
	[tilespmem:$0x18A00] =	vst v63  }
0x426: {  	_ =	swait.ge [sflag:s6], $0x2000  }
0x427: {  	[sflag:s6] =	ssyncset.done $0x0  }
0x428: {  	s0 =	simm.s32 $0xEA00;
	s4 =	rddreg [dreg:$0x17];
	[sflag:s6] =	ssyncadd.s32 $0xFFFFE000  }
0x429: {  	[hbm4b:s4+s2] =	stream.linear.scatter [tilespmem:s0], [sflag:$0x14], $0x2000, $0x38;
	[tilespmem:$0x18A00] =	vst v63  }
0x42a: {  	_ =	swait.ge [sflag:s21], $0x2000  }
0x42b: {  	s4 =	sld [smem:$0x7F4]  }
0x42c: {  	[sflag:s21] =	ssyncset.done $0x0  }
0x42d: {  	[sflag:s21] =	ssyncadd.s32 $0xFFFFE000  }
0x42e: {  	[tilespmem:s1], [sflag:$0x7] =	stream.indirect.gather [hbm4b:s3+s17], $0x80, s4, s17, $0xb8;
	[tilespmem:$0x18A00] =	vst v63  }
0x42f: {  	_ =	swait.ge [sflag:s31], $0x2000  }
0x430: {  	[sflag:s31] =	ssyncset.done $0x0  }
0x431: {  	s1 =	simm.s32 $0x10A00;
	s4 =	rddreg [dreg:$0x18];
	[sflag:s31] =	ssyncadd.s32 $0xFFFFE000  }
0x432: {  	[hbm4b:s4+s2] =	stream.linear.scatter [tilespmem:s1], [sflag:$0x15], $0x2000, $0x38;
	[tilespmem:$0x18A00] =	vst v63  }
0x433: {  	_ =	swait.ge [sflag:s23], $0x2000  }
0x434: {  	s4 =	sld [smem:$0x7F5]  }
0x435: {  	[sflag:s23] =	ssyncset.done $0x0  }
0x436: {  	[sflag:s23] =	ssyncadd.s32 $0xFFFFE000  }
0x437: {  	[tilespmem:s0], [sflag:$0x8] =	stream.indirect.gather [hbm4b:s3+s17], $0x80, s4, s17, $0xb8;
	[tilespmem:$0x18A00] =	vst v63  }
0x438: {  	_ =	swait.ge [sflag:s30], $0x2000  }
0x439: {  	[sflag:s30] =	ssyncset.done $0x0  }
0x43a: {  	s0 =	simm.s32 $0x12A00;
	s4 =	rddreg [dreg:$0x19];
	[sflag:s30] =	ssyncadd.s32 $0xFFFFE000  }
0x43b: {  	[hbm4b:s4+s2] =	stream.linear.scatter [tilespmem:s0], [sflag:$0x16], $0x2000, $0x38;
	[tilespmem:$0x18A00] =	vst v63  }
0x43c: {  	_ =	swait.ge [sflag:s18], $0x2000  }
0x43d: {  	s4 =	sld [smem:$0x7F6]  }
0x43e: {  	[sflag:s18] =	ssyncset.done $0x0  }
0x43f: {  	[sflag:s18] =	ssyncadd.s32 $0xFFFFE000  }
0x440: {  	[tilespmem:s1], [sflag:$0x9] =	stream.indirect.gather [hbm4b:s3+s17], $0x80, s4, s17, $0xb8;
	[tilespmem:$0x18A00] =	vst v63  }
0x441: {  	_ =	swait.ge [sflag:s29], $0x2000  }
0x442: {  	[sflag:s29] =	ssyncset.done $0x0  }
0x443: {  	s1 =	simm.s32 $0x14A00;
	s4 =	rddreg [dreg:$0x1a];
	[sflag:s29] =	ssyncadd.s32 $0xFFFFE000  }
0x444: {  	[hbm4b:s4+s2] =	stream.linear.scatter [tilespmem:s1], [sflag:$0x17], $0x2000, $0x38;
	[tilespmem:$0x18A00] =	vst v63  }
0x445: {  	_ =	swait.ge [sflag:s7], $0x2000  }
0x446: {  	s4 =	sld [smem:$0x7F7]  }
0x447: {  	[sflag:s7] =	ssyncset.done $0x0  }
0x448: {  	[sflag:s7] =	ssyncadd.s32 $0xFFFFE000  }
0x449: {  	[tilespmem:s0], [sflag:$0xA] =	stream.indirect.gather [hbm4b:s3+s17], $0x80, s4, s17, $0xb8;
	[tilespmem:$0x18A00] =	vst v63  }
0x44a: {  	_ =	swait.ge [sflag:s26], $0x2000  }
0x44b: {  	[sflag:s26] =	ssyncset.done $0x0  }
0x44c: {  	s0 =	simm.s32 $0x16A00;
	s4 =	rddreg [dreg:$0x1b];
	[sflag:s26] =	ssyncadd.s32 $0xFFFFE000  }
0x44d: {  	[hbm4b:s4+s2] =	stream.linear.scatter [tilespmem:s0], [sflag:$0x18], $0x2000, $0x38;
	[tilespmem:$0x18A00] =	vst v63  }
0x44e: {  	_ =	swait.ge [sflag:s20], $0x2000  }
0x44f: {  	s4 =	sld [smem:$0x7F8]  }
0x450: {  	[sflag:s20] =	ssyncset.done $0x0  }
0x451: {  	[sflag:s20] =	ssyncadd.s32 $0xFFFFE000  }
0x452: {  	[tilespmem:s1], [sflag:$0xB] =	stream.indirect.gather [hbm4b:s3+s17], $0x80, s4, s17, $0xb8;
	[tilespmem:$0x18A00] =	vst v63  }
0x453: {  	_ =	swait.ge [sflag:s12], $0x2000  }
0x454: {  	[sflag:s12] =	ssyncset.done $0x0  }
0x455: {  	s1 =	simm.s32 $0xA00;
	s4 =	rddreg [dreg:$0x1c];
	[sflag:s12] =	ssyncadd.s32 $0xFFFFE000  }
0x456: {  	[hbm4b:s4+s2] =	stream.linear.scatter [tilespmem:s1], [sflag:$0xD], $0x2000, $0x38;
	[tilespmem:$0x18A00] =	vst v63  }
0x457: {  	_ =	swait.ge [sflag:s5], $0x2000  }
0x458: {  	s4 =	sld [smem:$0x7F9]  }
0x459: {  	[sflag:s5] =	ssyncset.done $0x0  }
0x45a: {  	[sflag:s5] =	ssyncadd.s32 $0xFFFFE000  }
0x45b: {  	[tilespmem:s0], [sflag:$0xC] =	stream.indirect.gather [hbm4b:s3+s17], $0x80, s4, s17, $0xb8;
	[tilespmem:$0x18A00] =	vst v63  }
0x45c: {  	_ =	swait.ge [sflag:s14], $0x2000  }
0x45d: {  	[sflag:s14] =	ssyncset.done $0x0  }
0x45e: {  	s0 =	rddreg [dreg:$0x1d];
	[sflag:s14] =	ssyncadd.s32 $0xFFFFE000  }
0x45f: {  	[hbm4b:s0+s2] =	stream.linear.scatter [tilespmem:s25], [sflag:$0xE], $0x2000, $0x38;
	[tilespmem:$0x18A00] =	vst v63  }
0x460: {  	_ =	swait.ge [sflag:s9], $0x2000  }
0x461: {  	s0 =	sld [smem:$0x7FA]  }
0x462: {  	[sflag:s9] =	ssyncset.done $0x0  }
0x463: {  	[sflag:s9] =	ssyncadd.s32 $0xFFFFE000  }
0x464: {  	[tilespmem:s1], [sflag:$0x1] =	stream.indirect.gather [hbm4b:s3+s17], $0x80, s0, s17, $0xb8;
	[tilespmem:$0x18A00] =	vst v63  }
0x465: {  	_ =	swait.ge [sflag:s15], $0x2000  }
0x466: {  	[sflag:s15] =	ssyncset.done $0x0  }
0x467: {  	s0 =	simm.s32 $0x4A00;
	s1 =	rddreg [dreg:$0x1e];
	[sflag:s15] =	ssyncadd.s32 $0xFFFFE000  }
0x468: {  	[hbm4b:s1+s2] =	stream.linear.scatter [tilespmem:s0], [sflag:$0xF], $0x2000, $0x38;
	[tilespmem:$0x18A00] =	vst v63  }
0x469: {  	_ =	swait.ge [sflag:s10], $0x2000  }
0x46a: {  	s1 =	sld [smem:$0x7FB]  }
0x46b: {  	[sflag:s10] =	ssyncset.done $0x0  }
0x46c: {  	[sflag:s10] =	ssyncadd.s32 $0xFFFFE000  }
0x46d: {  	[tilespmem:s25], [sflag:$0x2] =	stream.indirect.gather [hbm4b:s3+s17], $0x80, s1, s17, $0xb8;
	[tilespmem:$0x18A00] =	vst v63  }
0x46e: {  	_ =	swait.ge [sflag:s19], $0x2000  }
0x46f: {  	[sflag:s19] =	ssyncset.done $0x0  }
0x470: {  	s1 =	simm.s32 $0x6A00;
	s4 =	rddreg [dreg:$0x1f];
	[sflag:s19] =	ssyncadd.s32 $0xFFFFE000  }
0x471: {  	[hbm4b:s4+s2] =	stream.linear.scatter [tilespmem:s1], [sflag:$0x10], $0x2000, $0x38;
	[tilespmem:$0x18A00] =	vst v63  }
0x472: {  	_ =	swait.ge [sflag:s11], $0x2000  }
0x473: {  	s4 =	sld [smem:$0x7FC]  }
0x474: {  	[sflag:s11] =	ssyncset.done $0x0  }
0x475: {  	[sflag:s11] =	ssyncadd.s32 $0xFFFFE000  }
0x476: {  	[tilespmem:s0], [sflag:$0x3] =	stream.indirect.gather [hbm4b:s3+s17], $0x80, s4, s17, $0xb8;
	[tilespmem:$0x18A00] =	vst v63  }
0x477: {  	_ =	swait.ge [sflag:s8], $0x2000  }
0x478: {  	s0 =	sld [smem:$0x7CC]  }
0x479: {  	[sflag:s8] =	ssyncset.done $0x0  }
0x47a: {  	[sflag:s8] =	ssyncadd.s32 $0xFFFFE000;
	s8 =	simm.s32 $0x8A00  }
0x47b: {  	[hbm4b:s0+s2] =	stream.linear.scatter [tilespmem:s8], [sflag:$0x11], $0x2000, $0x38;
	[tilespmem:$0x18A00] =	vst v63  }
0x47c: {  	_ =	swait.ge [sflag:s22], $0x2000  }
0x47d: {  	s8 =	sld [smem:$0x7FD]  }
0x47e: {  	[sflag:s22] =	ssyncset.done $0x0  }
0x47f: {  	s13 =	simm.s32 $0x6;
	[sflag:s22] =	ssyncadd.s32 $0xFFFFE000  }
0x480: {  	[tilespmem:s1], [sflag:$0x4] =	stream.indirect.gather [hbm4b:s3+s17], $0x80, s8, s17, $0xb8;
	[tilespmem:$0x18A00] =	vst v63  }
0x481: {  	_ =	swait.ge [sflag:s13], $0x2000  }
0x482: {  	s4 =	sld [smem:$0x7CD]  }
0x483: {  	[sflag:s13] =	ssyncset.done $0x0  }
0x484: {  	s8 =	simm.s32 $0xAA00;
	[sflag:s13] =	ssyncadd.s32 $0xFFFFE000  }
0x485: {  	[hbm4b:s4+s2] =	stream.linear.scatter [tilespmem:s8], [sflag:$0x12], $0x2000, $0x38;
	[tilespmem:$0x18A00] =	vst v63  }
0x486: {  	_ =	swait.ge [sflag:s16], $0x2000  }
0x487: {  	s13 =	sld [smem:$0x7CE]  }
0x488: {  	[sflag:s16] =	ssyncset.done $0x0  }
0x489: {  	s17 =	simm.s32 $0xCA00;
	[sflag:s16] =	ssyncadd.s32 $0xFFFFE000  }
0x48a: {  	[hbm4b:s13+s2] =	stream.linear.scatter [tilespmem:s17], [sflag:$0x13], $0x2000, $0x38;
	[tilespmem:$0x18A00] =	vst v63  }
0x48b: {  	_ =	swait.ge [sflag:s6], $0x2000  }
0x48c: {  	s4 =	sld [smem:$0x7CF]  }
0x48d: {  	[sflag:s6] =	ssyncset.done $0x0  }
0x48e: {  	s8 =	simm.s32 $0xEA00;
	[sflag:s6] =	ssyncadd.s32 $0xFFFFE000  }
0x48f: {  	[hbm4b:s4+s2] =	stream.linear.scatter [tilespmem:s8], [sflag:$0x14], $0x2000, $0x38;
	[tilespmem:$0x18A00] =	vst v63  }
0x490: {  	_ =	swait.ge [sflag:s31], $0x2000  }
0x491: {  	s13 =	sld [smem:$0x7D0]  }
0x492: {  	[sflag:s31] =	ssyncset.done $0x0  }
0x493: {  	s16 =	simm.s32 $0x10A00;
	[sflag:s31] =	ssyncadd.s32 $0xFFFFE000  }
0x494: {  	[hbm4b:s13+s2] =	stream.linear.scatter [tilespmem:s16], [sflag:$0x15], $0x2000, $0x38;
	[tilespmem:$0x18A00] =	vst v63  }
0x495: {  	_ =	swait.ge [sflag:s30], $0x2000  }
0x496: {  	s17 =	sld [smem:$0x7D1]  }
0x497: {  	[sflag:s30] =	ssyncset.done $0x0  }
0x498: {  	s31 =	simm.s32 $0x12A00;
	[sflag:s30] =	ssyncadd.s32 $0xFFFFE000  }
0x499: {  	[hbm4b:s17+s2] =	stream.linear.scatter [tilespmem:s31], [sflag:$0x16], $0x2000, $0x38;
	[tilespmem:$0x18A00] =	vst v63  }
0x49a: {  	_ =	swait.ge [sflag:s29], $0x2000  }
0x49b: {  	s3 =	sld [smem:$0x7D2]  }
0x49c: {  	[sflag:s29] =	ssyncset.done $0x0  }
0x49d: {  	s4 =	simm.s32 $0x14A00;
	[sflag:s29] =	ssyncadd.s32 $0xFFFFE000  }
0x49e: {  	[hbm4b:s3+s2] =	stream.linear.scatter [tilespmem:s4], [sflag:$0x17], $0x2000, $0x38;
	[tilespmem:$0x18A00] =	vst v63  }
0x49f: {  	_ =	swait.ge [sflag:s26], $0x2000  }
0x4a0: {  	s6 =	sld [smem:$0x7D3]  }
0x4a1: {  	[sflag:s26] =	ssyncset.done $0x0  }
0x4a2: {  	s8 =	simm.s32 $0x16A00;
	[sflag:s26] =	ssyncadd.s32 $0xFFFFE000  }
0x4a3: {  	[hbm4b:s6+s2] =	stream.linear.scatter [tilespmem:s8], [sflag:$0x18], $0x2000, $0x38;
	[tilespmem:$0x18A00] =	vst v63  }
0x4a4: {  	_ =	swait.ge [sflag:s12], $0x2000  }
0x4a5: {  	s13 =	sld [smem:$0x7D4]  }
0x4a6: {  	[sflag:s12] =	ssyncset.done $0x0  }
0x4a7: {  	s16 =	simm.s32 $0xA00;
	[sflag:s12] =	ssyncadd.s32 $0xFFFFE000  }
0x4a8: {  	[hbm4b:s13+s2] =	stream.linear.scatter [tilespmem:s16], [sflag:$0xD], $0x2000, $0x38;
	[tilespmem:$0x18A00] =	vst v63  }
0x4a9: {  	_ =	swait.ge [sflag:s14], $0x2000  }
0x4aa: {  	s17 =	sld [smem:$0x7D5]  }
0x4ab: {  	[sflag:s14] =	ssyncset.done $0x0  }
0x4ac: {  	[sflag:s14] =	ssyncadd.s32 $0xFFFFE000  }
0x4ad: {  	[hbm4b:s17+s2] =	stream.linear.scatter [tilespmem:s25], [sflag:$0xE], $0x2000, $0x38;
	[tilespmem:$0x18A00] =	vst v63  }
0x4ae: {  	_ =	swait.ge [sflag:s15], $0x2000  }
0x4af: {  	s26 =	sld [smem:$0x7D6]  }
0x4b0: {  	[sflag:s15] =	ssyncset.done $0x0  }
0x4b1: {  	s29 =	simm.s32 $0x4A00;
	[sflag:s15] =	ssyncadd.s32 $0xFFFFE000  }
0x4b2: {  	[hbm4b:s26+s2] =	stream.linear.scatter [tilespmem:s29], [sflag:$0xF], $0x2000, $0x38;
	[tilespmem:$0x18A00] =	vst v63  }
0x4b3: {  	_ =	swait.ge [sflag:s19], $0x2000  }
0x4b4: {  	s30 =	sld [smem:$0x7D7]  }
0x4b5: {  	[sflag:s19] =	ssyncset.done $0x0  }
0x4b6: {  	s1 =	simm.s32 $0x6A00;
	[sflag:s19] =	ssyncadd.s32 $0xFFFFE000  }
0x4b7: {  	[hbm4b:s30+s2] =	stream.linear.scatter [tilespmem:s1], [sflag:$0x10], $0x2000, $0x38;
	[tilespmem:$0x18A00] =	vst v63  }
0x4b8: {  	_ =	swait.ge [sflag:s28], $0x2000  }
0x4b9: {  	[sflag:s28] =	ssyncset.done $0x0  }
0x4ba: {  	[sflag:s28] =	ssyncadd.s32 $0xFFFFE000  }
0x4bb: {  	_ =	swait.ge [sflag:s24], $0x2000  }
0x4bc: {  	[sflag:s24] =	ssyncset.done $0x0  }
0x4bd: {  	[sflag:s24] =	ssyncadd.s32 $0xFFFFE000  }
0x4be: {  	_ =	swait.ge [sflag:s21], $0x2000  }
0x4bf: {  	[sflag:s21] =	ssyncset.done $0x0  }
0x4c0: {  	[sflag:s21] =	ssyncadd.s32 $0xFFFFE000  }
0x4c1: {  	_ =	swait.ge [sflag:s23], $0x2000  }
0x4c2: {  	[sflag:s23] =	ssyncset.done $0x0  }
0x4c3: {  	[sflag:s23] =	ssyncadd.s32 $0xFFFFE000  }
0x4c4: {  	_ =	swait.ge [sflag:s18], $0x2000  }
0x4c5: {  	[sflag:s18] =	ssyncset.done $0x0  }
0x4c6: {  	[sflag:s18] =	ssyncadd.s32 $0xFFFFE000  }
0x4c7: {  	_ =	swait.ge [sflag:s7], $0x2000  }
0x4c8: {  	[sflag:s7] =	ssyncset.done $0x0  }
0x4c9: {  	[sflag:s7] =	ssyncadd.s32 $0xFFFFE000  }
0x4ca: {  	_ =	swait.ge [sflag:s20], $0x2000  }
0x4cb: {  	[sflag:s20] =	ssyncset.done $0x0  }
0x4cc: {  	[sflag:s20] =	ssyncadd.s32 $0xFFFFE000  }
0x4cd: {  	_ =	swait.ge [sflag:s5], $0x2000  }
0x4ce: {  	[sflag:s5] =	ssyncset.done $0x0  }
0x4cf: {  	[sflag:s5] =	ssyncadd.s32 $0xFFFFE000  }
0x4d0: {  	_ =	swait.ge [sflag:s9], $0x2000  }
0x4d1: {  	[sflag:s9] =	ssyncset.done $0x0  }
0x4d2: {  	[sflag:s9] =	ssyncadd.s32 $0xFFFFE000  }
0x4d3: {  	_ =	swait.ge [sflag:s10], $0x2000  }
0x4d4: {  	[sflag:s10] =	ssyncset.done $0x0  }
0x4d5: {  	[sflag:s10] =	ssyncadd.s32 $0xFFFFE000  }
0x4d6: {  	_ =	swait.ge [sflag:s11], $0x2000  }
0x4d7: {  	[sflag:s11] =	ssyncset.done $0x0  }
0x4d8: {  	[sflag:s11] =	ssyncadd.s32 $0xFFFFE000  }
0x4d9: {  	_ =	swait.ge [sflag:s22], $0x2000  }
0x4da: {  	[sflag:s22] =	ssyncset.done $0x0  }
0x4db: {  	[sflag:s22] =	ssyncadd.s32 $0xFFFFE000  }
0x4dc: {  	_ =	sfence.sel $0x180000  }
0x4dd: {  	[bflag:$0x0] =	sbarrier.arrive $0xFFFF  }
0x4de: {  	_ =	strace $0x90000047  }
0x4df: {  	s31 =	stileid.u32;
	[bflag:$0x2] =	sbarrier.arrive $0xFFFF  }
0x4e0: {  	p0 =	sne.s32 s31, $0x0;
	s0 =	rddreg [dreg:$0x3]  }
0x4e1: {  	s0 =	sadd.s32 @!p0 $0x100000, s0  }
0x4e2: {  	[sflag:s0] =	ssyncadd.tile.s32 @!p0 $0x1;
	_ =	shalt  }
.LBB2_1:
.Ltmp3:
0x4e3: {  	(pc) =	sbr.rel .LBB2_6-.Ltmp3, $2  }
0x4e4: {  	_ =	sdelay $0x2  }
0x4e5: {  	s1 =	sld [smem:$0x7CB]  }
.LBB2_7:
.Ltmp4:
0x4e6: {  	(pc) =	sbr.rel .LBB2_6-.Ltmp4, $2  }
0x4e7: {  	_ =	sdelay $0x2  }
0x4e8: {  	s1 =	sld [smem:$0x7CB];
	s4 =	simm.s32 $0xA00;
	s16 =	simm.s32 $0x6  }
.Lfunc_end2:
_tile_overlayer_lowered:
.L_overlay_start_2:
0x4e9: {  	(tag) =	ssettag $0x2  }
0x4ea: {  	s0 =	rddreg [dreg:$0x0];
	s2 =	stileid.u32  }
0x4eb: {  	s1 =	rddreg [dreg:$0x1];
	p0 =	sne.s32 s2, $0x0  }
0x4ec: {  	s3 =	rddreg [dreg:$0x2];
	[bflag:$0x3] =	sbarrier.arrive $0xFFFF;
	s2 =	simm.s32 @!p0 $0x1C19  }
0x4ed: {  	[timem:s3], [sflag:s2] =	dma.local @!p0 [hbm:s0], s1  }
0x4ee: {  	s0 =	simm.s32 @!p0 $0x19  }
0x4ef: {  	_ =	swait.ge @!p0 [sflag:s0], s1  }
0x4f0: {  	s1 =	ssub.s32 @!p0 $0x0, s1;
	[sflag:s0] =	ssyncset.done @!p0 $0x0  }
0x4f1: {  	[sflag:s0] =	ssyncadd.s32 @!p0 s1  }
0x4f2: {  	[bflag:$0x3] =	sbarrier.arrive $0xFFFF  }
0x4f3: {  	_ =	shalt  }

</sc_bundles>
